<compile_context>
chip_gen: v7x
topology: tpu7x:2x2x1
jax: 0.10.2.dev20260603
libtpu: 0.0.44.dev20260713+nightly
codegen_flags: <defaults>
</compile_context>

<pallas_src>
import functools

import jax
import jax.numpy as jnp
from jax import lax
from jax.experimental import pallas as pl
from jax.experimental.pallas import tpu as pltpu
from jax.experimental.pallas import tpu_sc as plsc

BATCH = 16384
SEQ = 200
DIM = 64
NCLS = 4
PDIM = 8
PT = 16

NC = 2
NS = 16
NW = NC * NS
BPW = BATCH // NW
CL = 8
CI = CL * SEQ
NCLUST = BPW // CL
NBUF = 2
GBUF = 3
CHUNKS = [(0, CI)]

VOCAB = 1000000
TC_BN = 32768
VOCABP = 1015808
TC_GRID = VOCABP // TC_BN
TC_BNB = TC_BN // 128

TSEG = VOCABP // 32
TCH = 1600
TNCH = -(-TSEG // TCH)
TSTEP = TCH // 16

_mesh = plsc.VectorSubcoreMesh(core_axis_name="c", subcore_axis_name="s")


def _proj_body(t_ref, w_ref, o_ref):
    p = jax.lax.dot_general(w_ref[...], t_ref[...],
                            (((0,), (0,)), ((), ())),
                            preferred_element_type=jnp.float32)
    o_ref[...] = p.reshape(PDIM, TC_BNB, 128)


_project = pl.pallas_call(
    _proj_body,
    grid=(TC_GRID,),
    in_specs=[
        pl.BlockSpec((DIM, TC_BN), lambda i: (0, i)),
        pl.BlockSpec((DIM, PDIM), lambda i: (0, 0)),
    ],
    out_specs=pl.BlockSpec((PDIM, TC_BNB, 128), lambda i: (0, i, 0)),
    out_shape=jax.ShapeDtypeStruct((PDIM, VOCABP // 128, 128), jnp.float32),
)


@functools.partial(
    pl.kernel,
    mesh=_mesh,
    compiler_params=pltpu.CompilerParams(
        use_tc_tiling_on_sc=False, needs_layout_passes=False),
    out_type=jax.ShapeDtypeStruct((VOCABP * PT,), jnp.float32),
    scratch_types=[
        pltpu.VMEM((NBUF, NCLS * TCH), jnp.float32),
        pltpu.VMEM((NBUF, PT * TCH), jnp.float32),
        pltpu.SemaphoreType.DMA,
        pltpu.SemaphoreType.DMA,
    ],
)
def _transpose_kernel(ptab_hbm, out_hbm, strip_v, rows_v, sem_i, sem_o):
    wid = lax.axis_index("s") * NC + lax.axis_index("c")
    base = wid * TSEG
    lane = lax.iota(jnp.int32, 16)
    ibase = (lane % 4) * TCH + lane // 4
    sbase = (lane // 4) * PT + lane % 4

    def tok_of(ci):
        return base + lax.min(ci * TCH, TSEG - TCH)

    def fetch(ci, k):
        tok0 = tok_of(ci)
        for c in range(NCLS):
            pltpu.async_copy(ptab_hbm.at[c, pl.ds(tok0, TCH)],
                             strip_v.at[k, pl.ds(c * TCH, TCH)], sem_i)

    def drain(ci, k):
        tok0 = tok_of(ci)
        for c in range(NCLS):
            pltpu.make_async_copy(ptab_hbm.at[c, pl.ds(tok0, TCH)],
                                  strip_v.at[k, pl.ds(c * TCH, TCH)],
                                  sem_i).wait()

    for ci in range(NBUF):
        fetch(ci, ci)

    def chunk_body(ci, carry):
        k = lax.rem(ci, NBUF)
        tok0 = tok_of(ci)
        drain(ci, k)

        @pl.when(ci >= NBUF)
        def _():
            pltpu.make_async_copy(
                rows_v.at[k], out_hbm.at[pl.ds(tok0 * PT, PT * TCH)],
                sem_o).wait()

        def step_body(i, carry2):
            for u in range(4):
                val = plsc.load_gather(
                    strip_v.at[k], [ibase + (16 * i + 4 * u)])
                plsc.store_scatter(
                    rows_v.at[k], [sbase + (256 * i + 64 * u)], val)
            return carry2

        lax.fori_loop(0, TSTEP, step_body, 0)
        pltpu.async_copy(rows_v.at[k],
                         out_hbm.at[pl.ds(tok0 * PT, PT * TCH)], sem_o)
        fetch(lax.min(ci + NBUF, TNCH - 1), k)
        return carry

    lax.fori_loop(0, TNCH, chunk_body, 0)
    for ci in range(NBUF):
        drain(TNCH - 1, lax.rem(TNCH + ci, NBUF))
        pltpu.make_async_copy(
            rows_v.at[lax.rem(TNCH + ci, NBUF)],
            out_hbm.at[pl.ds(tok_of(TNCH - 2 + ci) * PT, PT * TCH)],
            sem_o).wait()


@functools.partial(
    pl.kernel,
    mesh=_mesh,
    compiler_params=pltpu.CompilerParams(
        use_tc_tiling_on_sc=False, needs_layout_passes=False),
    out_type=jax.ShapeDtypeStruct((BATCH * NCLS,), jnp.float32),
    scratch_types=[
        pltpu.VMEM((GBUF, CI), jnp.int32),
        pltpu.VMEM((GBUF, CI, PT), jnp.float32),
        pltpu.VMEM((BPW * NCLS,), jnp.float32),
        pltpu.VMEM((16,), jnp.float32),
        pltpu.VMEM((64,), jnp.float32),
        pltpu.SemaphoreType.DMA,
    ],
)
def _bag_kernel(text_hbm, ptab_hbm, fcb_hbm, out_hbm,
                idx_v, rows_v, out_v, fcb_v, stage_v, sem):
    wid = lax.axis_index("s") * NC + lax.axis_index("c")
    base = wid * BPW

    pltpu.sync_copy(fcb_hbm, fcb_v)
    inv = jnp.float32(1.0 / SEQ)
    bias = fcb_v[...]
    lane = lax.iota(jnp.int32, 16)
    gidx = (lane // 4) * PT + (lane % 4)

    def fetch(g, k):
        row0 = base + g * CL
        pltpu.sync_copy(text_hbm.at[pl.ds(row0 * SEQ, CI)], idx_v.at[k])
        for off, ln in CHUNKS:
            pltpu.async_copy(
                ptab_hbm.at[idx_v.at[k, pl.ds(off, ln)]],
                rows_v.at[k, pl.ds(off, ln)],
                sem,
            )

    def drain(k):
        for off, ln in CHUNKS:
            pltpu.make_async_copy(
                ptab_hbm.at[idx_v.at[k, pl.ds(off, ln)]],
                rows_v.at[k, pl.ds(off, ln)],
                sem,
            ).wait()

    for g in range(GBUF):
        fetch(g, g)

    def cluster_body(g, carry):
        k = lax.rem(g, GBUF)
        drain(k)

        for q in range(CL // 4):
            for b in range(4):
                r0 = (q * 4 + b) * SEQ

                def acc_body(i, accs):
                    a0, a1, a2, a3 = accs
                    r = r0 + i * 8
                    a0 = a0 + rows_v[k, r, pl.ds(0, 16)]
                    a1 = a1 + rows_v[k, r + 1, pl.ds(0, 16)]
                    a2 = a2 + rows_v[k, r + 2, pl.ds(0, 16)]
                    a3 = a3 + rows_v[k, r + 3, pl.ds(0, 16)]
                    a0 = a0 + rows_v[k, r + 4, pl.ds(0, 16)]
                    a1 = a1 + rows_v[k, r + 5, pl.ds(0, 16)]
                    a2 = a2 + rows_v[k, r + 6, pl.ds(0, 16)]
                    a3 = a3 + rows_v[k, r + 7, pl.ds(0, 16)]
                    return (a0, a1, a2, a3)

                z = jnp.zeros((16,), jnp.float32)
                a0, a1, a2, a3 = lax.fori_loop(0, SEQ // 8, acc_body,
                                               (z, z, z, z))
                stage_v[pl.ds(b * 16, 16)] = (a0 + a1) + (a2 + a3)

            res = plsc.load_gather(stage_v, [gidx])
            out_v[pl.ds((g * CL + q * 4) * NCLS, 16)] = res * inv + bias

        gn = lax.min(g + GBUF, NCLUST - 1)
        fetch(gn, k)
        return carry

    lax.fori_loop(0, NCLUST, cluster_body, 0)
    for i in range(GBUF):
        drain(lax.rem(NCLUST + i, GBUF))
    pltpu.sync_copy(out_v, out_hbm.at[pl.ds(base * NCLS, BPW * NCLS)])


def kernel(text, emb_table, fc_w, fc_b):
    text_flat = text.reshape(-1).astype(jnp.int32)
    wpad = jnp.zeros((DIM, PDIM), jnp.float32).at[:, :NCLS].set(
        fc_w.astype(jnp.float32).T)
    ptab_cm = _project(emb_table.T, wpad).reshape(PDIM, VOCABP)
    ptab = _transpose_kernel(ptab_cm).reshape(VOCABP, PT)
    fcb_tiled = jnp.tile(fc_b.astype(jnp.float32), 4)
    out = _bag_kernel(text_flat, ptab, fcb_tiled)
    return out.reshape(BATCH, NCLS)

# --- scband reference (transcript-rebuilt; emitter-appended) ---
"""Pipeline reference for scband-text-classification-model-81844896792643 (READ-ONLY COPY).

The authoritative reference and input builder live on the scoring server;
editing this copy changes nothing except your own understanding.
"""

import jax, jax.numpy as jnp
import numpy as np

VOCAB = 1000000
EMBED_DIM = 64
NUM_CLASS = 4
BATCH = 16384
SEQ = 200


def setup_inputs(seed: int = 0) -> dict:
    key = jax.random.key(seed)
    k1, k2, k3 = jax.random.split(key, 3)
    text = jax.random.randint(k1, (BATCH, SEQ), 0, VOCAB, dtype=jnp.int64 if jax.config.jax_enable_x64 else jnp.int32).astype(jnp.int32)
    initrange = 0.5
    emb_table = jax.random.uniform(k2, (VOCAB, EMBED_DIM), dtype=jnp.float32, minval=-initrange, maxval=initrange)
    fc_w = jax.random.uniform(k3, (NUM_CLASS, EMBED_DIM), dtype=jnp.float32, minval=-initrange, maxval=initrange)
    fc_b = jnp.zeros((NUM_CLASS,), dtype=jnp.float32)
    return {"text": text, "emb_table": emb_table, "fc_w": fc_w, "fc_b": fc_b}


def reference(text, emb_table, fc_w, fc_b):
    # torch.nn.EmbeddingBag default mode is 'mean'. With a 2D text tensor,
    # the forward builds uniform offsets (each bag has SEQ tokens), so this
    # is equivalent to a per-row mean over gathered embeddings.
    gathered = jnp.take(emb_table, text, axis=0)        # [B, L, D] gather
    embedded = jnp.mean(gathered, axis=1)               # [B, D] bag mean
    out = embedded @ fc_w.T + fc_b                      # [B, num_class]
    return out

if __name__ == "__main__":
    import jax
    _d = setup_inputs()
    print(jax.jit(kernel)(*tuple(_d.values())))

</pallas_src>

<mosaic_0001>
#map = affine_map<(d0, d1) -> (0, 0)>
#map1 = affine_map<(d0, d1) -> (0)>
module attributes {stable_mosaic.version = 14 : i64} {
  func.func @_transpose_kernel(%arg0: i32, %arg1: i32, %arg2: memref<8x1015808xf32, #tpu.memory_space<hbm>>, %arg3: memref<16252928xf32, #tpu.memory_space<hbm>>, %arg4: memref<2x6400xf32, #tpu.memory_space<vmem>>, %arg5: memref<2x25600xf32, #tpu.memory_space<vmem>>, %arg6: memref<!tpu.dma_semaphore, #tpu.memory_space<semaphore_mem>>, %arg7: memref<!tpu.dma_semaphore, #tpu.memory_space<semaphore_mem>>) attributes {dimension_semantics = [#tpu.dimension_semantics<core_parallel>, #tpu.dimension_semantics<subcore_parallel>], iteration_bounds = array<i64: 2, 16>, scalar_prefetch = 0 : i64, scratch_operands = 4 : i64, tpu.core_type = #tpu.core_type<sc_vector_subcore>, window_params = [{transform_indices = #map}, {transform_indices = #map1}]} {
    %mul3A = arith.constant 2 : i32
    %mul3A_0 = arith.muli %arg1, %mul3A : i32
    %add3A = arith.addi %mul3A_0, %arg0 : i32
    %mul3A_1 = arith.constant 31744 : i32
    %mul3A_2 = arith.muli %add3A, %mul3A_1 : i32
    %iota3A = tpu.iota {dimensions = array<i32: 0>} : vector<16xi32>
    %jit3A = arith.constant 4 : i32
    %eq3A = arith.constant 0 : i32
    %eq3A_3 = arith.cmpi eq, %jit3A, %eq3A : i32
    %jit3A_4 = arith.constant 1 : i32
    %select_n3A = arith.select %eq3A_3, %jit3A_4, %jit3A : i32
    %rem3A = vector.broadcast %select_n3A : i32 to vector<16xi32>
    %rem3A_5 = arith.remsi %iota3A, %rem3A : vector<16xi32>
    %ne3A = arith.constant 0 : i32
    %ne3A_6 = vector.broadcast %ne3A : i32 to vector<16xi32>
    %ne3A_7 = arith.cmpi ne, %rem3A_5, %ne3A_6 : vector<16xi32>
    %lt3A = arith.constant 0 : i32
    %lt3A_8 = vector.broadcast %lt3A : i32 to vector<16xi32>
    %lt3A_9 = arith.cmpi slt, %rem3A_5, %lt3A_8 : vector<16xi32>
    %lt3A_10 = arith.constant 0 : i32
    %lt3A_11 = arith.cmpi slt, %select_n3A, %lt3A_10 : i32
    %ne3A_12 = vector.broadcast %lt3A_11 : i1 to vector<16xi1>
    %ne3A_13 = vector.broadcast %ne3A_12 : vector<16xi1> to vector<16xi1>
    %ne3A_14 = arith.xori %lt3A_9, %ne3A_13 : vector<16xi1>
    %and3A = arith.andi %ne3A_14, %ne3A_7 : vector<16xi1>
    %add3A_15 = vector.broadcast %select_n3A : i32 to vector<16xi32>
    %add3A_16 = arith.addi %rem3A_5, %add3A_15 : vector<16xi32>
    %select_n3A_17 = arith.select %and3A, %add3A_16, %rem3A_5 : vector<16xi1>, vector<16xi32>
    %mul3A_18 = arith.constant 1600 : i32
    %mul3A_19 = vector.broadcast %mul3A_18 : i32 to vector<16xi32>
    %mul3A_20 = arith.muli %select_n3A_17, %mul3A_19 : vector<16xi32>
    %jit3A_21 = arith.constant 4 : i32
    %div3A = vector.broadcast %jit3A_21 : i32 to vector<16xi32>
    %div3A_22 = arith.divsi %iota3A, %div3A : vector<16xi32>
    %sign3A = arith.constant 0 : i32
    %sign3A_23 = vector.broadcast %sign3A : i32 to vector<16xi32>
    %sign3A_24 = arith.cmpi sgt, %iota3A, %sign3A_23 : vector<16xi32>
    %sign3A_25 = arith.extui %sign3A_24 : vector<16xi1> to vector<16xi32>
    %sign3A_26 = arith.constant 0 : i32
    %sign3A_27 = vector.broadcast %sign3A_26 : i32 to vector<16xi32>
    %sign3A_28 = arith.cmpi slt, %iota3A, %sign3A_27 : vector<16xi32>
    %sign3A_29 = arith.extui %sign3A_28 : vector<16xi1> to vector<16xi32>
    %sign3A_30 = arith.subi %sign3A_25, %sign3A_29 : vector<16xi32>
    %sign3A_31 = arith.constant 0 : i32
    %sign3A_32 = arith.cmpi sgt, %jit3A_21, %sign3A_31 : i32
    %sign3A_33 = arith.extui %sign3A_32 : i1 to i32
    %sign3A_34 = arith.constant 0 : i32
    %sign3A_35 = arith.cmpi slt, %jit3A_21, %sign3A_34 : i32
    %sign3A_36 = arith.extui %sign3A_35 : i1 to i32
    %sign3A_37 = arith.subi %sign3A_33, %sign3A_36 : i32
    %ne3A_38 = vector.broadcast %sign3A_37 : i32 to vector<16xi32>
    %ne3A_39 = arith.cmpi ne, %sign3A_30, %ne3A_38 : vector<16xi32>
    %rem3A_40 = vector.broadcast %jit3A_21 : i32 to vector<16xi32>
    %rem3A_41 = arith.remsi %iota3A, %rem3A_40 : vector<16xi32>
    %ne3A_42 = arith.constant 0 : i32
    %ne3A_43 = vector.broadcast %ne3A_42 : i32 to vector<16xi32>
    %ne3A_44 = arith.cmpi ne, %rem3A_41, %ne3A_43 : vector<16xi32>
    %and3A_45 = arith.andi %ne3A_39, %ne3A_44 : vector<16xi1>
    %sub3A = arith.constant 1 : i32
    %sub3A_46 = vector.broadcast %sub3A : i32 to vector<16xi32>
    %sub3A_47 = arith.subi %div3A_22, %sub3A_46 : vector<16xi32>
    %select_n3A_48 = arith.select %and3A_45, %sub3A_47, %div3A_22 : vector<16xi1>, vector<16xi32>
    %add3A_49 = arith.addi %mul3A_20, %select_n3A_48 : vector<16xi32>
    %jit3A_50 = arith.constant 4 : i32
    %div3A_51 = vector.broadcast %jit3A_50 : i32 to vector<16xi32>
    %div3A_52 = arith.divsi %iota3A, %div3A_51 : vector<16xi32>
    %sign3A_53 = arith.constant 0 : i32
    %sign3A_54 = vector.broadcast %sign3A_53 : i32 to vector<16xi32>
    %sign3A_55 = arith.cmpi sgt, %iota3A, %sign3A_54 : vector<16xi32>
    %sign3A_56 = arith.extui %sign3A_55 : vector<16xi1> to vector<16xi32>
    %sign3A_57 = arith.constant 0 : i32
    %sign3A_58 = vector.broadcast %sign3A_57 : i32 to vector<16xi32>
    %sign3A_59 = arith.cmpi slt, %iota3A, %sign3A_58 : vector<16xi32>
    %sign3A_60 = arith.extui %sign3A_59 : vector<16xi1> to vector<16xi32>
    %sign3A_61 = arith.subi %sign3A_56, %sign3A_60 : vector<16xi32>
    %sign3A_62 = arith.constant 0 : i32
    %sign3A_63 = arith.cmpi sgt, %jit3A_50, %sign3A_62 : i32
    %sign3A_64 = arith.extui %sign3A_63 : i1 to i32
    %sign3A_65 = arith.constant 0 : i32
    %sign3A_66 = arith.cmpi slt, %jit3A_50, %sign3A_65 : i32
    %sign3A_67 = arith.extui %sign3A_66 : i1 to i32
    %sign3A_68 = arith.subi %sign3A_64, %sign3A_67 : i32
    %ne3A_69 = vector.broadcast %sign3A_68 : i32 to vector<16xi32>
    %ne3A_70 = arith.cmpi ne, %sign3A_61, %ne3A_69 : vector<16xi32>
    %rem3A_71 = vector.broadcast %jit3A_50 : i32 to vector<16xi32>
    %rem3A_72 = arith.remsi %iota3A, %rem3A_71 : vector<16xi32>
    %ne3A_73 = arith.constant 0 : i32
    %ne3A_74 = vector.broadcast %ne3A_73 : i32 to vector<16xi32>
    %ne3A_75 = arith.cmpi ne, %rem3A_72, %ne3A_74 : vector<16xi32>
    %and3A_76 = arith.andi %ne3A_70, %ne3A_75 : vector<16xi1>
    %sub3A_77 = arith.constant 1 : i32
    %sub3A_78 = vector.broadcast %sub3A_77 : i32 to vector<16xi32>
    %sub3A_79 = arith.subi %div3A_52, %sub3A_78 : vector<16xi32>
    %select_n3A_80 = arith.select %and3A_76, %sub3A_79, %div3A_52 : vector<16xi1>, vector<16xi32>
    %mul3A_81 = arith.constant 16 : i32
    %mul3A_82 = vector.broadcast %mul3A_81 : i32 to vector<16xi32>
    %mul3A_83 = arith.muli %select_n3A_80, %mul3A_82 : vector<16xi32>
    %jit3A_84 = arith.constant 4 : i32
    %eq3A_85 = arith.constant 0 : i32
    %eq3A_86 = arith.cmpi eq, %jit3A_84, %eq3A_85 : i32
    %jit3A_87 = arith.constant 1 : i32
    %select_n3A_88 = arith.select %eq3A_86, %jit3A_87, %jit3A_84 : i32
    %rem3A_89 = vector.broadcast %select_n3A_88 : i32 to vector<16xi32>
    %rem3A_90 = arith.remsi %iota3A, %rem3A_89 : vector<16xi32>
    %ne3A_91 = arith.constant 0 : i32
    %ne3A_92 = vector.broadcast %ne3A_91 : i32 to vector<16xi32>
    %ne3A_93 = arith.cmpi ne, %rem3A_90, %ne3A_92 : vector<16xi32>
    %lt3A_94 = arith.constant 0 : i32
    %lt3A_95 = vector.broadcast %lt3A_94 : i32 to vector<16xi32>
    %lt3A_96 = arith.cmpi slt, %rem3A_90, %lt3A_95 : vector<16xi32>
    %lt3A_97 = arith.constant 0 : i32
    %lt3A_98 = arith.cmpi slt, %select_n3A_88, %lt3A_97 : i32
    %ne3A_99 = vector.broadcast %lt3A_98 : i1 to vector<16xi1>
    %ne3A_100 = vector.broadcast %ne3A_99 : vector<16xi1> to vector<16xi1>
    %ne3A_101 = arith.xori %lt3A_96, %ne3A_100 : vector<16xi1>
    %and3A_102 = arith.andi %ne3A_101, %ne3A_93 : vector<16xi1>
    %add3A_103 = vector.broadcast %select_n3A_88 : i32 to vector<16xi32>
    %add3A_104 = arith.addi %rem3A_90, %add3A_103 : vector<16xi32>
    %select_n3A_105 = arith.select %and3A_102, %add3A_104, %rem3A_90 : vector<16xi1>, vector<16xi32>
    %add3A_106 = arith.addi %mul3A_83, %select_n3A_105 : vector<16xi32>
    %min3A = arith.constant 0 : i32
    %min3A_107 = arith.constant 30144 : i32
    %min3A_108 = arith.minsi %min3A, %min3A_107 : i32
    %add3A_109 = arith.addi %mul3A_2, %min3A_108 : i32
    %dma_start3A = arith.constant 0 : i32
    %dma_start3A_110 = arith.constant 0 : i32
    %dma_start3A_111 = arith.constant 0 : i32
    %dma_start3A_112 = tpu.memref_slice %arg4[%dma_start3A_110, %dma_start3A_111] : memref<2x6400xf32, #tpu.memory_space<vmem>> -> memref<1x1600xf32, #tpu.memory_space<vmem>>
    %dma_start3A_113 = tpu.memref_squeeze %dma_start3A_112 : memref<1x1600xf32, #tpu.memory_space<vmem>> -> memref<1600xf32, #tpu.memory_space<vmem>>
    %dma_start3A_114 = tpu.memref_slice %arg2[%dma_start3A, %add3A_109] : memref<8x1015808xf32, #tpu.memory_space<hbm>> -> memref<1x1600xf32, #tpu.memory_space<hbm>>
    %dma_start3A_115 = tpu.memref_squeeze %dma_start3A_114 : memref<1x1600xf32, #tpu.memory_space<hbm>> -> memref<1600xf32, #tpu.memory_space<hbm>>
    %dma_start3A_116 = arith.constant 0 : i32
    %dma_start3A_117 = tpu.memref_slice %arg4[%dma_start3A_110, %dma_start3A_116] : memref<2x6400xf32, #tpu.memory_space<vmem>> -> memref<1x1600xf32, #tpu.memory_space<vmem>>
    %dma_start3A_118 = tpu.memref_squeeze %dma_start3A_117 : memref<1x1600xf32, #tpu.memory_space<vmem>> -> memref<1600xf32, #tpu.memory_space<vmem>>
    %dma_start3A_119 = tpu.memref_slice %arg2[%dma_start3A, %add3A_109] : memref<8x1015808xf32, #tpu.memory_space<hbm>> -> memref<1x1600xf32, #tpu.memory_space<hbm>>
    %dma_start3A_120 = tpu.memref_squeeze %dma_start3A_119 : memref<1x1600xf32, #tpu.memory_space<hbm>> -> memref<1600xf32, #tpu.memory_space<hbm>>
    tpu.enqueue_dma source(%dma_start3A_120 : memref<1600xf32, #tpu.memory_space<hbm>>) target(%dma_start3A_118 : memref<1600xf32, #tpu.memory_space<vmem>>) target_semaphore(%arg6 : memref<!tpu.dma_semaphore, #tpu.memory_space<semaphore_mem>>)
    %dma_start3A_121 = arith.constant 1 : i32
    %dma_start3A_122 = arith.constant 0 : i32
    %dma_start3A_123 = arith.constant 1600 : i32
    %dma_start3A_124 = tpu.memref_slice %arg4[%dma_start3A_122, %dma_start3A_123] : memref<2x6400xf32, #tpu.memory_space<vmem>> -> memref<1x1600xf32, #tpu.memory_space<vmem>>
    %dma_start3A_125 = tpu.memref_squeeze %dma_start3A_124 : memref<1x1600xf32, #tpu.memory_space<vmem>> -> memref<1600xf32, #tpu.memory_space<vmem>>
    %dma_start3A_126 = tpu.memref_slice %arg2[%dma_start3A_121, %add3A_109] : memref<8x1015808xf32, #tpu.memory_space<hbm>> -> memref<1x1600xf32, #tpu.memory_space<hbm>>
    %dma_start3A_127 = tpu.memref_squeeze %dma_start3A_126 : memref<1x1600xf32, #tpu.memory_space<hbm>> -> memref<1600xf32, #tpu.memory_space<hbm>>
    %dma_start3A_128 = arith.constant 1600 : i32
    %dma_start3A_129 = tpu.memref_slice %arg4[%dma_start3A_122, %dma_start3A_128] : memref<2x6400xf32, #tpu.memory_space<vmem>> -> memref<1x1600xf32, #tpu.memory_space<vmem>>
    %dma_start3A_130 = tpu.memref_squeeze %dma_start3A_129 : memref<1x1600xf32, #tpu.memory_space<vmem>> -> memref<1600xf32, #tpu.memory_space<vmem>>
    %dma_start3A_131 = tpu.memref_slice %arg2[%dma_start3A_121, %add3A_109] : memref<8x1015808xf32, #tpu.memory_space<hbm>> -> memref<1x1600xf32, #tpu.memory_space<hbm>>
    %dma_start3A_132 = tpu.memref_squeeze %dma_start3A_131 : memref<1x1600xf32, #tpu.memory_space<hbm>> -> memref<1600xf32, #tpu.memory_space<hbm>>
    tpu.enqueue_dma source(%dma_start3A_132 : memref<1600xf32, #tpu.memory_space<hbm>>) target(%dma_start3A_130 : memref<1600xf32, #tpu.memory_space<vmem>>) target_semaphore(%arg6 : memref<!tpu.dma_semaphore, #tpu.memory_space<semaphore_mem>>)
    %dma_start3A_133 = arith.constant 2 : i32
    %dma_start3A_134 = arith.constant 0 : i32
    %dma_start3A_135 = arith.constant 3200 : i32
    %dma_start3A_136 = tpu.memref_slice %arg4[%dma_start3A_134, %dma_start3A_135] : memref<2x6400xf32, #tpu.memory_space<vmem>> -> memref<1x1600xf32, #tpu.memory_space<vmem>>
    %dma_start3A_137 = tpu.memref_squeeze %dma_start3A_136 : memref<1x1600xf32, #tpu.memory_space<vmem>> -> memref<1600xf32, #tpu.memory_space<vmem>>
    %dma_start3A_138 = tpu.memref_slice %arg2[%dma_start3A_133, %add3A_109] : memref<8x1015808xf32, #tpu.memory_space<hbm>> -> memref<1x1600xf32, #tpu.memory_space<hbm>>
    %dma_start3A_139 = tpu.memref_squeeze %dma_start3A_138 : memref<1x1600xf32, #tpu.memory_space<hbm>> -> memref<1600xf32, #tpu.memory_space<hbm>>
    %dma_start3A_140 = arith.constant 3200 : i32
    %dma_start3A_141 = tpu.memref_slice %arg4[%dma_start3A_134, %dma_start3A_140] : memref<2x6400xf32, #tpu.memory_space<vmem>> -> memref<1x1600xf32, #tpu.memory_space<vmem>>
    %dma_start3A_142 = tpu.memref_squeeze %dma_start3A_141 : memref<1x1600xf32, #tpu.memory_space<vmem>> -> memref<1600xf32, #tpu.memory_space<vmem>>
    %dma_start3A_143 = tpu.memref_slice %arg2[%dma_start3A_133, %add3A_109] : memref<8x1015808xf32, #tpu.memory_space<hbm>> -> memref<1x1600xf32, #tpu.memory_space<hbm>>
    %dma_start3A_144 = tpu.memref_squeeze %dma_start3A_143 : memref<1x1600xf32, #tpu.memory_space<hbm>> -> memref<1600xf32, #tpu.memory_space<hbm>>
    tpu.enqueue_dma source(%dma_start3A_144 : memref<1600xf32, #tpu.memory_space<hbm>>) target(%dma_start3A_142 : memref<1600xf32, #tpu.memory_space<vmem>>) target_semaphore(%arg6 : memref<!tpu.dma_semaphore, #tpu.memory_space<semaphore_mem>>)
    %dma_start3A_145 = arith.constant 3 : i32
    %dma_start3A_146 = arith.constant 0 : i32
    %dma_start3A_147 = arith.constant 4800 : i32
    %dma_start3A_148 = tpu.memref_slice %arg4[%dma_start3A_146, %dma_start3A_147] : memref<2x6400xf32, #tpu.memory_space<vmem>> -> memref<1x1600xf32, #tpu.memory_space<vmem>>
    %dma_start3A_149 = tpu.memref_squeeze %dma_start3A_148 : memref<1x1600xf32, #tpu.memory_space<vmem>> -> memref<1600xf32, #tpu.memory_space<vmem>>
    %dma_start3A_150 = tpu.memref_slice %arg2[%dma_start3A_145, %add3A_109] : memref<8x1015808xf32, #tpu.memory_space<hbm>> -> memref<1x1600xf32, #tpu.memory_space<hbm>>
    %dma_start3A_151 = tpu.memref_squeeze %dma_start3A_150 : memref<1x1600xf32, #tpu.memory_space<hbm>> -> memref<1600xf32, #tpu.memory_space<hbm>>
    %dma_start3A_152 = arith.constant 4800 : i32
    %dma_start3A_153 = tpu.memref_slice %arg4[%dma_start3A_146, %dma_start3A_152] : memref<2x6400xf32, #tpu.memory_space<vmem>> -> memref<1x1600xf32, #tpu.memory_space<vmem>>
    %dma_start3A_154 = tpu.memref_squeeze %dma_start3A_153 : memref<1x1600xf32, #tpu.memory_space<vmem>> -> memref<1600xf32, #tpu.memory_space<vmem>>
    %dma_start3A_155 = tpu.memref_slice %arg2[%dma_start3A_145, %add3A_109] : memref<8x1015808xf32, #tpu.memory_space<hbm>> -> memref<1x1600xf32, #tpu.memory_space<hbm>>
    %dma_start3A_156 = tpu.memref_squeeze %dma_start3A_155 : memref<1x1600xf32, #tpu.memory_space<hbm>> -> memref<1600xf32, #tpu.memory_space<hbm>>
    tpu.enqueue_dma source(%dma_start3A_156 : memref<1600xf32, #tpu.memory_space<hbm>>) target(%dma_start3A_154 : memref<1600xf32, #tpu.memory_space<vmem>>) target_semaphore(%arg6 : memref<!tpu.dma_semaphore, #tpu.memory_space<semaphore_mem>>)
    %min3A_157 = arith.constant 1600 : i32
    %min3A_158 = arith.constant 30144 : i32
    %min3A_159 = arith.minsi %min3A_157, %min3A_158 : i32
    %add3A_160 = arith.addi %mul3A_2, %min3A_159 : i32
    %dma_start3A_161 = arith.constant 0 : i32
    %dma_start3A_162 = arith.constant 1 : i32
    %dma_start3A_163 = arith.constant 0 : i32
    %dma_start3A_164 = tpu.memref_slice %arg4[%dma_start3A_162, %dma_start3A_163] : memref<2x6400xf32, #tpu.memory_space<vmem>> -> memref<1x1600xf32, #tpu.memory_space<vmem>>
    %dma_start3A_165 = tpu.memref_squeeze %dma_start3A_164 : memref<1x1600xf32, #tpu.memory_space<vmem>> -> memref<1600xf32, #tpu.memory_space<vmem>>
    %dma_start3A_166 = tpu.memref_slice %arg2[%dma_start3A_161, %add3A_160] : memref<8x1015808xf32, #tpu.memory_space<hbm>> -> memref<1x1600xf32, #tpu.memory_space<hbm>>
    %dma_start3A_167 = tpu.memref_squeeze %dma_start3A_166 : memref<1x1600xf32, #tpu.memory_space<hbm>> -> memref<1600xf32, #tpu.memory_space<hbm>>
    %dma_start3A_168 = arith.constant 0 : i32
    %dma_start3A_169 = tpu.memref_slice %arg4[%dma_start3A_162, %dma_start3A_168] : memref<2x6400xf32, #tpu.memory_space<vmem>> -> memref<1x1600xf32, #tpu.memory_space<vmem>>
    %dma_start3A_170 = tpu.memref_squeeze %dma_start3A_169 : memref<1x1600xf32, #tpu.memory_space<vmem>> -> memref<1600xf32, #tpu.memory_space<vmem>>
    %dma_start3A_171 = tpu.memref_slice %arg2[%dma_start3A_161, %add3A_160] : memref<8x1015808xf32, #tpu.memory_space<hbm>> -> memref<1x1600xf32, #tpu.memory_space<hbm>>
    %dma_start3A_172 = tpu.memref_squeeze %dma_start3A_171 : memref<1x1600xf32, #tpu.memory_space<hbm>> -> memref<1600xf32, #tpu.memory_space<hbm>>
    tpu.enqueue_dma source(%dma_start3A_172 : memref<1600xf32, #tpu.memory_space<hbm>>) target(%dma_start3A_170 : memref<1600xf32, #tpu.memory_space<vmem>>) target_semaphore(%arg6 : memref<!tpu.dma_semaphore, #tpu.memory_space<semaphore_mem>>)
    %dma_start3A_173 = arith.constant 1 : i32
    %dma_start3A_174 = arith.constant 1 : i32
    %dma_start3A_175 = arith.constant 1600 : i32
    %dma_start3A_176 = tpu.memref_slice %arg4[%dma_start3A_174, %dma_start3A_175] : memref<2x6400xf32, #tpu.memory_space<vmem>> -> memref<1x1600xf32, #tpu.memory_space<vmem>>
    %dma_start3A_177 = tpu.memref_squeeze %dma_start3A_176 : memref<1x1600xf32, #tpu.memory_space<vmem>> -> memref<1600xf32, #tpu.memory_space<vmem>>
    %dma_start3A_178 = tpu.memref_slice %arg2[%dma_start3A_173, %add3A_160] : memref<8x1015808xf32, #tpu.memory_space<hbm>> -> memref<1x1600xf32, #tpu.memory_space<hbm>>
    %dma_start3A_179 = tpu.memref_squeeze %dma_start3A_178 : memref<1x1600xf32, #tpu.memory_space<hbm>> -> memref<1600xf32, #tpu.memory_space<hbm>>
    %dma_start3A_180 = arith.constant 1600 : i32
    %dma_start3A_181 = tpu.memref_slice %arg4[%dma_start3A_174, %dma_start3A_180] : memref<2x6400xf32, #tpu.memory_space<vmem>> -> memref<1x1600xf32, #tpu.memory_space<vmem>>
    %dma_start3A_182 = tpu.memref_squeeze %dma_start3A_181 : memref<1x1600xf32, #tpu.memory_space<vmem>> -> memref<1600xf32, #tpu.memory_space<vmem>>
    %dma_start3A_183 = tpu.memref_slice %arg2[%dma_start3A_173, %add3A_160] : memref<8x1015808xf32, #tpu.memory_space<hbm>> -> memref<1x1600xf32, #tpu.memory_space<hbm>>
    %dma_start3A_184 = tpu.memref_squeeze %dma_start3A_183 : memref<1x1600xf32, #tpu.memory_space<hbm>> -> memref<1600xf32, #tpu.memory_space<hbm>>
    tpu.enqueue_dma source(%dma_start3A_184 : memref<1600xf32, #tpu.memory_space<hbm>>) target(%dma_start3A_182 : memref<1600xf32, #tpu.memory_space<vmem>>) target_semaphore(%arg6 : memref<!tpu.dma_semaphore, #tpu.memory_space<semaphore_mem>>)
    %dma_start3A_185 = arith.constant 2 : i32
    %dma_start3A_186 = arith.constant 1 : i32
    %dma_start3A_187 = arith.constant 3200 : i32
    %dma_start3A_188 = tpu.memref_slice %arg4[%dma_start3A_186, %dma_start3A_187] : memref<2x6400xf32, #tpu.memory_space<vmem>> -> memref<1x1600xf32, #tpu.memory_space<vmem>>
    %dma_start3A_189 = tpu.memref_squeeze %dma_start3A_188 : memref<1x1600xf32, #tpu.memory_space<vmem>> -> memref<1600xf32, #tpu.memory_space<vmem>>
    %dma_start3A_190 = tpu.memref_slice %arg2[%dma_start3A_185, %add3A_160] : memref<8x1015808xf32, #tpu.memory_space<hbm>> -> memref<1x1600xf32, #tpu.memory_space<hbm>>
    %dma_start3A_191 = tpu.memref_squeeze %dma_start3A_190 : memref<1x1600xf32, #tpu.memory_space<hbm>> -> memref<1600xf32, #tpu.memory_space<hbm>>
    %dma_start3A_192 = arith.constant 3200 : i32
    %dma_start3A_193 = tpu.memref_slice %arg4[%dma_start3A_186, %dma_start3A_192] : memref<2x6400xf32, #tpu.memory_space<vmem>> -> memref<1x1600xf32, #tpu.memory_space<vmem>>
    %dma_start3A_194 = tpu.memref_squeeze %dma_start3A_193 : memref<1x1600xf32, #tpu.memory_space<vmem>> -> memref<1600xf32, #tpu.memory_space<vmem>>
    %dma_start3A_195 = tpu.memref_slice %arg2[%dma_start3A_185, %add3A_160] : memref<8x1015808xf32, #tpu.memory_space<hbm>> -> memref<1x1600xf32, #tpu.memory_space<hbm>>
    %dma_start3A_196 = tpu.memref_squeeze %dma_start3A_195 : memref<1x1600xf32, #tpu.memory_space<hbm>> -> memref<1600xf32, #tpu.memory_space<hbm>>
    tpu.enqueue_dma source(%dma_start3A_196 : memref<1600xf32, #tpu.memory_space<hbm>>) target(%dma_start3A_194 : memref<1600xf32, #tpu.memory_space<vmem>>) target_semaphore(%arg6 : memref<!tpu.dma_semaphore, #tpu.memory_space<semaphore_mem>>)
    %dma_start3A_197 = arith.constant 3 : i32
    %dma_start3A_198 = arith.constant 1 : i32
    %dma_start3A_199 = arith.constant 4800 : i32
    %dma_start3A_200 = tpu.memref_slice %arg4[%dma_start3A_198, %dma_start3A_199] : memref<2x6400xf32, #tpu.memory_space<vmem>> -> memref<1x1600xf32, #tpu.memory_space<vmem>>
    %dma_start3A_201 = tpu.memref_squeeze %dma_start3A_200 : memref<1x1600xf32, #tpu.memory_space<vmem>> -> memref<1600xf32, #tpu.memory_space<vmem>>
    %dma_start3A_202 = tpu.memref_slice %arg2[%dma_start3A_197, %add3A_160] : memref<8x1015808xf32, #tpu.memory_space<hbm>> -> memref<1x1600xf32, #tpu.memory_space<hbm>>
    %dma_start3A_203 = tpu.memref_squeeze %dma_start3A_202 : memref<1x1600xf32, #tpu.memory_space<hbm>> -> memref<1600xf32, #tpu.memory_space<hbm>>
    %dma_start3A_204 = arith.constant 4800 : i32
    %dma_start3A_205 = tpu.memref_slice %arg4[%dma_start3A_198, %dma_start3A_204] : memref<2x6400xf32, #tpu.memory_space<vmem>> -> memref<1x1600xf32, #tpu.memory_space<vmem>>
    %dma_start3A_206 = tpu.memref_squeeze %dma_start3A_205 : memref<1x1600xf32, #tpu.memory_space<vmem>> -> memref<1600xf32, #tpu.memory_space<vmem>>
    %dma_start3A_207 = tpu.memref_slice %arg2[%dma_start3A_197, %add3A_160] : memref<8x1015808xf32, #tpu.memory_space<hbm>> -> memref<1x1600xf32, #tpu.memory_space<hbm>>
    %dma_start3A_208 = tpu.memref_squeeze %dma_start3A_207 : memref<1x1600xf32, #tpu.memory_space<hbm>> -> memref<1600xf32, #tpu.memory_space<hbm>>
    tpu.enqueue_dma source(%dma_start3A_208 : memref<1600xf32, #tpu.memory_space<hbm>>) target(%dma_start3A_206 : memref<1600xf32, #tpu.memory_space<vmem>>) target_semaphore(%arg6 : memref<!tpu.dma_semaphore, #tpu.memory_space<semaphore_mem>>)
    %scan3A = arith.constant 0 : i32
    %scan3A_209 = arith.constant 0 : i32
    %scan3A_210 = arith.constant 20 : i32
    %scan3A_211 = arith.addi %scan3A_209, %scan3A_210 : i32
    %scan3A_212 = arith.constant 1 : i32
    scf.for %scan3A_349 = %scan3A_209 to %scan3A_211 step %scan3A_212  : i32 {
      %rem3A_350 = arith.constant 2 : i32
      %rem3A_351 = arith.remsi %scan3A_349, %rem3A_350 : i32
      %mul3A_352 = arith.constant 1600 : i32
      %mul3A_353 = arith.muli %scan3A_349, %mul3A_352 : i32
      %min3A_354 = arith.constant 30144 : i32
      %min3A_355 = arith.minsi %mul3A_353, %min3A_354 : i32
      %add3A_356 = arith.addi %mul3A_2, %min3A_355 : i32
      %mul3A_357 = arith.constant 1600 : i32
      %mul3A_358 = arith.muli %scan3A_349, %mul3A_357 : i32
      %min3A_359 = arith.constant 30144 : i32
      %min3A_360 = arith.minsi %mul3A_358, %min3A_359 : i32
      %add3A_361 = arith.addi %mul3A_2, %min3A_360 : i32
      %dma_wait3A_362 = arith.constant 0 : i32
      %dma_wait3A_363 = arith.constant 0 : i32
      %dma_wait3A_364 = tpu.memref_slice %arg4[%rem3A_351, %dma_wait3A_363] : memref<2x6400xf32, #tpu.memory_space<vmem>> -> memref<1x1600xf32, #tpu.memory_space<vmem>>
      %dma_wait3A_365 = tpu.memref_squeeze %dma_wait3A_364 : memref<1x1600xf32, #tpu.memory_space<vmem>> -> memref<1600xf32, #tpu.memory_space<vmem>>
      %dma_wait3A_366 = tpu.memref_slice %arg2[%dma_wait3A_362, %add3A_361] : memref<8x1015808xf32, #tpu.memory_space<hbm>> -> memref<1x1600xf32, #tpu.memory_space<hbm>>
      %dma_wait3A_367 = tpu.memref_squeeze %dma_wait3A_366 : memref<1x1600xf32, #tpu.memory_space<hbm>> -> memref<1600xf32, #tpu.memory_space<hbm>>
      %dma_wait3A_368 = arith.constant 0 : i32
      %dma_wait3A_369 = tpu.memref_slice %arg4[%rem3A_351, %dma_wait3A_368] : memref<2x6400xf32, #tpu.memory_space<vmem>> -> memref<1x1600xf32, #tpu.memory_space<vmem>>
      %dma_wait3A_370 = tpu.memref_squeeze %dma_wait3A_369 : memref<1x1600xf32, #tpu.memory_space<vmem>> -> memref<1600xf32, #tpu.memory_space<vmem>>
      %dma_wait3A_371 = tpu.memref_slice %arg2[%dma_wait3A_362, %add3A_361] : memref<8x1015808xf32, #tpu.memory_space<hbm>> -> memref<1x1600xf32, #tpu.memory_space<hbm>>
      %dma_wait3A_372 = tpu.memref_squeeze %dma_wait3A_371 : memref<1x1600xf32, #tpu.memory_space<hbm>> -> memref<1600xf32, #tpu.memory_space<hbm>>
      tpu.wait_dma2 semaphore(%arg6 : memref<!tpu.dma_semaphore, #tpu.memory_space<semaphore_mem>>) src(%dma_wait3A_372 : memref<1600xf32, #tpu.memory_space<hbm>>) dst(%dma_wait3A_370 : memref<1600xf32, #tpu.memory_space<vmem>>)
      %dma_wait3A_373 = arith.constant 1 : i32
      %dma_wait3A_374 = arith.constant 1600 : i32
      %dma_wait3A_375 = tpu.memref_slice %arg4[%rem3A_351, %dma_wait3A_374] : memref<2x6400xf32, #tpu.memory_space<vmem>> -> memref<1x1600xf32, #tpu.memory_space<vmem>>
      %dma_wait3A_376 = tpu.memref_squeeze %dma_wait3A_375 : memref<1x1600xf32, #tpu.memory_space<vmem>> -> memref<1600xf32, #tpu.memory_space<vmem>>
      %dma_wait3A_377 = tpu.memref_slice %arg2[%dma_wait3A_373, %add3A_361] : memref<8x1015808xf32, #tpu.memory_space<hbm>> -> memref<1x1600xf32, #tpu.memory_space<hbm>>
      %dma_wait3A_378 = tpu.memref_squeeze %dma_wait3A_377 : memref<1x1600xf32, #tpu.memory_space<hbm>> -> memref<1600xf32, #tpu.memory_space<hbm>>
      %dma_wait3A_379 = arith.constant 1600 : i32
      %dma_wait3A_380 = tpu.memref_slice %arg4[%rem3A_351, %dma_wait3A_379] : memref<2x6400xf32, #tpu.memory_space<vmem>> -> memref<1x1600xf32, #tpu.memory_space<vmem>>
      %dma_wait3A_381 = tpu.memref_squeeze %dma_wait3A_380 : memref<1x1600xf32, #tpu.memory_space<vmem>> -> memref<1600xf32, #tpu.memory_space<vmem>>
      %dma_wait3A_382 = tpu.memref_slice %arg2[%dma_wait3A_373, %add3A_361] : memref<8x1015808xf32, #tpu.memory_space<hbm>> -> memref<1x1600xf32, #tpu.memory_space<hbm>>
      %dma_wait3A_383 = tpu.memref_squeeze %dma_wait3A_382 : memref<1x1600xf32, #tpu.memory_space<hbm>> -> memref<1600xf32, #tpu.memory_space<hbm>>
      tpu.wait_dma2 semaphore(%arg6 : memref<!tpu.dma_semaphore, #tpu.memory_space<semaphore_mem>>) src(%dma_wait3A_383 : memref<1600xf32, #tpu.memory_space<hbm>>) dst(%dma_wait3A_381 : memref<1600xf32, #tpu.memory_space<vmem>>)
      %dma_wait3A_384 = arith.constant 2 : i32
      %dma_wait3A_385 = arith.constant 3200 : i32
      %dma_wait3A_386 = tpu.memref_slice %arg4[%rem3A_351, %dma_wait3A_385] : memref<2x6400xf32, #tpu.memory_space<vmem>> -> memref<1x1600xf32, #tpu.memory_space<vmem>>
      %dma_wait3A_387 = tpu.memref_squeeze %dma_wait3A_386 : memref<1x1600xf32, #tpu.memory_space<vmem>> -> memref<1600xf32, #tpu.memory_space<vmem>>
      %dma_wait3A_388 = tpu.memref_slice %arg2[%dma_wait3A_384, %add3A_361] : memref<8x1015808xf32, #tpu.memory_space<hbm>> -> memref<1x1600xf32, #tpu.memory_space<hbm>>
      %dma_wait3A_389 = tpu.memref_squeeze %dma_wait3A_388 : memref<1x1600xf32, #tpu.memory_space<hbm>> -> memref<1600xf32, #tpu.memory_space<hbm>>
      %dma_wait3A_390 = arith.constant 3200 : i32
      %dma_wait3A_391 = tpu.memref_slice %arg4[%rem3A_351, %dma_wait3A_390] : memref<2x6400xf32, #tpu.memory_space<vmem>> -> memref<1x1600xf32, #tpu.memory_space<vmem>>
      %dma_wait3A_392 = tpu.memref_squeeze %dma_wait3A_391 : memref<1x1600xf32, #tpu.memory_space<vmem>> -> memref<1600xf32, #tpu.memory_space<vmem>>
      %dma_wait3A_393 = tpu.memref_slice %arg2[%dma_wait3A_384, %add3A_361] : memref<8x1015808xf32, #tpu.memory_space<hbm>> -> memref<1x1600xf32, #tpu.memory_space<hbm>>
      %dma_wait3A_394 = tpu.memref_squeeze %dma_wait3A_393 : memref<1x1600xf32, #tpu.memory_space<hbm>> -> memref<1600xf32, #tpu.memory_space<hbm>>
      tpu.wait_dma2 semaphore(%arg6 : memref<!tpu.dma_semaphore, #tpu.memory_space<semaphore_mem>>) src(%dma_wait3A_394 : memref<1600xf32, #tpu.memory_space<hbm>>) dst(%dma_wait3A_392 : memref<1600xf32, #tpu.memory_space<vmem>>)
      %dma_wait3A_395 = arith.constant 3 : i32
      %dma_wait3A_396 = arith.constant 4800 : i32
      %dma_wait3A_397 = tpu.memref_slice %arg4[%rem3A_351, %dma_wait3A_396] : memref<2x6400xf32, #tpu.memory_space<vmem>> -> memref<1x1600xf32, #tpu.memory_space<vmem>>
      %dma_wait3A_398 = tpu.memref_squeeze %dma_wait3A_397 : memref<1x1600xf32, #tpu.memory_space<vmem>> -> memref<1600xf32, #tpu.memory_space<vmem>>
      %dma_wait3A_399 = tpu.memref_slice %arg2[%dma_wait3A_395, %add3A_361] : memref<8x1015808xf32, #tpu.memory_space<hbm>> -> memref<1x1600xf32, #tpu.memory_space<hbm>>
      %dma_wait3A_400 = tpu.memref_squeeze %dma_wait3A_399 : memref<1x1600xf32, #tpu.memory_space<hbm>> -> memref<1600xf32, #tpu.memory_space<hbm>>
      %dma_wait3A_401 = arith.constant 4800 : i32
      %dma_wait3A_402 = tpu.memref_slice %arg4[%rem3A_351, %dma_wait3A_401] : memref<2x6400xf32, #tpu.memory_space<vmem>> -> memref<1x1600xf32, #tpu.memory_space<vmem>>
      %dma_wait3A_403 = tpu.memref_squeeze %dma_wait3A_402 : memref<1x1600xf32, #tpu.memory_space<vmem>> -> memref<1600xf32, #tpu.memory_space<vmem>>
      %dma_wait3A_404 = tpu.memref_slice %arg2[%dma_wait3A_395, %add3A_361] : memref<8x1015808xf32, #tpu.memory_space<hbm>> -> memref<1x1600xf32, #tpu.memory_space<hbm>>
      %dma_wait3A_405 = tpu.memref_squeeze %dma_wait3A_404 : memref<1x1600xf32, #tpu.memory_space<hbm>> -> memref<1600xf32, #tpu.memory_space<hbm>>
      tpu.wait_dma2 semaphore(%arg6 : memref<!tpu.dma_semaphore, #tpu.memory_space<semaphore_mem>>) src(%dma_wait3A_405 : memref<1600xf32, #tpu.memory_space<hbm>>) dst(%dma_wait3A_403 : memref<1600xf32, #tpu.memory_space<vmem>>)
      %ge3A = arith.constant 2 : i32
      %ge3A_406 = arith.cmpi sge, %scan3A_349, %ge3A : i32
      %convert_element_type3A = arith.extui %ge3A_406 : i1 to i32
      %cond3A = arith.constant 0 : i32
      %cond3A_407 = arith.cmpi ne, %convert_element_type3A, %cond3A : i32
      scf.if %cond3A_407 {
        %mul3A_477 = arith.constant 16 : i32
        %mul3A_478 = arith.muli %add3A_356, %mul3A_477 : i32
        %dma_wait3A_479 = arith.constant 0 : i32
        %dma_wait3A_480 = tpu.memref_slice %arg5[%rem3A_351, %dma_wait3A_479] : memref<2x25600xf32, #tpu.memory_space<vmem>> -> memref<1x25600xf32, #tpu.memory_space<vmem>>
        %dma_wait3A_481 = tpu.memref_squeeze %dma_wait3A_480 : memref<1x25600xf32, #tpu.memory_space<vmem>> -> memref<25600xf32, #tpu.memory_space<vmem>>
        %dma_wait3A_482 = tpu.memref_slice %arg3[%mul3A_478] : memref<16252928xf32, #tpu.memory_space<hbm>> -> memref<25600xf32, #tpu.memory_space<hbm>>
        %dma_wait3A_483 = tpu.memref_slice %arg3[%mul3A_478] : memref<16252928xf32, #tpu.memory_space<hbm>> -> memref<25600xf32, #tpu.memory_space<hbm>>
        %dma_wait3A_484 = arith.constant 0 : i32
        %dma_wait3A_485 = tpu.memref_slice %arg5[%rem3A_351, %dma_wait3A_484] : memref<2x25600xf32, #tpu.memory_space<vmem>> -> memref<1x25600xf32, #tpu.memory_space<vmem>>
        %dma_wait3A_486 = tpu.memref_squeeze %dma_wait3A_485 : memref<1x25600xf32, #tpu.memory_space<vmem>> -> memref<25600xf32, #tpu.memory_space<vmem>>
        tpu.wait_dma2 semaphore(%arg7 : memref<!tpu.dma_semaphore, #tpu.memory_space<semaphore_mem>>) src(%dma_wait3A_486 : memref<25600xf32, #tpu.memory_space<vmem>>) dst(%dma_wait3A_483 : memref<25600xf32, #tpu.memory_space<hbm>>)
      } else {
      }
      %scan3A_408 = arith.constant 0 : i32
      %scan3A_409 = arith.constant 0 : i32
      %scan3A_410 = arith.constant 100 : i32
      %scan3A_411 = arith.addi %scan3A_409, %scan3A_410 : i32
      %scan3A_412 = arith.constant 1 : i32
      scf.for %scan3A_477 = %scan3A_409 to %scan3A_411 step %scan3A_412  : i32 {
        %mul3A_478 = arith.constant 16 : i32
        %mul3A_479 = arith.muli %mul3A_478, %scan3A_477 : i32
        %add3A_480 = arith.constant 0 : i32
        %add3A_481 = arith.addi %mul3A_479, %add3A_480 : i32
        %add3A_482 = vector.broadcast %add3A_481 : i32 to vector<16xi32>
        %add3A_483 = arith.addi %add3A_49, %add3A_482 : vector<16xi32>
        %gather3A = arith.constant 0 : i32
        %gather3A_484 = tpu.memref_slice %arg4[%rem3A_351, %gather3A] : memref<2x6400xf32, #tpu.memory_space<vmem>> -> memref<1x6400xf32, #tpu.memory_space<vmem>>
        %gather3A_485 = tpu.memref_squeeze %gather3A_484 : memref<1x6400xf32, #tpu.memory_space<vmem>> -> memref<6400xf32, #tpu.memory_space<vmem>>
        %gather3A_486 = tpu.vector_load_idx %gather3A_485[%add3A_483] : memref<6400xf32, #tpu.memory_space<vmem>>[vector<16xi32>], vector<16xf32>,
        %mul3A_487 = arith.constant 256 : i32
        %mul3A_488 = arith.muli %mul3A_487, %scan3A_477 : i32
        %add3A_489 = arith.constant 0 : i32
        %add3A_490 = arith.addi %mul3A_488, %add3A_489 : i32
        %add3A_491 = vector.broadcast %add3A_490 : i32 to vector<16xi32>
        %add3A_492 = arith.addi %add3A_106, %add3A_491 : vector<16xi32>
        %scatter3A = arith.constant 0 : i32
        %scatter3A_493 = tpu.memref_slice %arg5[%rem3A_351, %scatter3A] : memref<2x25600xf32, #tpu.memory_space<vmem>> -> memref<1x25600xf32, #tpu.memory_space<vmem>>
        %scatter3A_494 = tpu.memref_squeeze %scatter3A_493 : memref<1x25600xf32, #tpu.memory_space<vmem>> -> memref<25600xf32, #tpu.memory_space<vmem>>
        tpu.vector_store_idx %scatter3A_494[%add3A_492], %gather3A_486 : memref<25600xf32, #tpu.memory_space<vmem>>[vector<16xi32>], vector<16xf32>,
        %mul3A_495 = arith.constant 16 : i32
        %mul3A_496 = arith.muli %mul3A_495, %scan3A_477 : i32
        %add3A_497 = arith.constant 4 : i32
        %add3A_498 = arith.addi %mul3A_496, %add3A_497 : i32
        %add3A_499 = vector.broadcast %add3A_498 : i32 to vector<16xi32>
        %add3A_500 = arith.addi %add3A_49, %add3A_499 : vector<16xi32>
        %gather3A_501 = arith.constant 0 : i32
        %gather3A_502 = tpu.memref_slice %arg4[%rem3A_351, %gather3A_501] : memref<2x6400xf32, #tpu.memory_space<vmem>> -> memref<1x6400xf32, #tpu.memory_space<vmem>>
        %gather3A_503 = tpu.memref_squeeze %gather3A_502 : memref<1x6400xf32, #tpu.memory_space<vmem>> -> memref<6400xf32, #tpu.memory_space<vmem>>
        %gather3A_504 = tpu.vector_load_idx %gather3A_503[%add3A_500] : memref<6400xf32, #tpu.memory_space<vmem>>[vector<16xi32>], vector<16xf32>,
        %mul3A_505 = arith.constant 256 : i32
        %mul3A_506 = arith.muli %mul3A_505, %scan3A_477 : i32
        %add3A_507 = arith.constant 64 : i32
        %add3A_508 = arith.addi %mul3A_506, %add3A_507 : i32
        %add3A_509 = vector.broadcast %add3A_508 : i32 to vector<16xi32>
        %add3A_510 = arith.addi %add3A_106, %add3A_509 : vector<16xi32>
        %scatter3A_511 = arith.constant 0 : i32
        %scatter3A_512 = tpu.memref_slice %arg5[%rem3A_351, %scatter3A_511] : memref<2x25600xf32, #tpu.memory_space<vmem>> -> memref<1x25600xf32, #tpu.memory_space<vmem>>
        %scatter3A_513 = tpu.memref_squeeze %scatter3A_512 : memref<1x25600xf32, #tpu.memory_space<vmem>> -> memref<25600xf32, #tpu.memory_space<vmem>>
        tpu.vector_store_idx %scatter3A_513[%add3A_510], %gather3A_504 : memref<25600xf32, #tpu.memory_space<vmem>>[vector<16xi32>], vector<16xf32>,
        %mul3A_514 = arith.constant 16 : i32
        %mul3A_515 = arith.muli %mul3A_514, %scan3A_477 : i32
        %add3A_516 = arith.constant 8 : i32
        %add3A_517 = arith.addi %mul3A_515, %add3A_516 : i32
        %add3A_518 = vector.broadcast %add3A_517 : i32 to vector<16xi32>
        %add3A_519 = arith.addi %add3A_49, %add3A_518 : vector<16xi32>
        %gather3A_520 = arith.constant 0 : i32
        %gather3A_521 = tpu.memref_slice %arg4[%rem3A_351, %gather3A_520] : memref<2x6400xf32, #tpu.memory_space<vmem>> -> memref<1x6400xf32, #tpu.memory_space<vmem>>
        %gather3A_522 = tpu.memref_squeeze %gather3A_521 : memref<1x6400xf32, #tpu.memory_space<vmem>> -> memref<6400xf32, #tpu.memory_space<vmem>>
        %gather3A_523 = tpu.vector_load_idx %gather3A_522[%add3A_519] : memref<6400xf32, #tpu.memory_space<vmem>>[vector<16xi32>], vector<16xf32>,
        %mul3A_524 = arith.constant 256 : i32
        %mul3A_525 = arith.muli %mul3A_524, %scan3A_477 : i32
        %add3A_526 = arith.constant 128 : i32
        %add3A_527 = arith.addi %mul3A_525, %add3A_526 : i32
        %add3A_528 = vector.broadcast %add3A_527 : i32 to vector<16xi32>
        %add3A_529 = arith.addi %add3A_106, %add3A_528 : vector<16xi32>
        %scatter3A_530 = arith.constant 0 : i32
        %scatter3A_531 = tpu.memref_slice %arg5[%rem3A_351, %scatter3A_530] : memref<2x25600xf32, #tpu.memory_space<vmem>> -> memref<1x25600xf32, #tpu.memory_space<vmem>>
        %scatter3A_532 = tpu.memref_squeeze %scatter3A_531 : memref<1x25600xf32, #tpu.memory_space<vmem>> -> memref<25600xf32, #tpu.memory_space<vmem>>
        tpu.vector_store_idx %scatter3A_532[%add3A_529], %gather3A_523 : memref<25600xf32, #tpu.memory_space<vmem>>[vector<16xi32>], vector<16xf32>,
        %mul3A_533 = arith.constant 16 : i32
        %mul3A_534 = arith.muli %mul3A_533, %scan3A_477 : i32
        %add3A_535 = arith.constant 12 : i32
        %add3A_536 = arith.addi %mul3A_534, %add3A_535 : i32
        %add3A_537 = vector.broadcast %add3A_536 : i32 to vector<16xi32>
        %add3A_538 = arith.addi %add3A_49, %add3A_537 : vector<16xi32>
        %gather3A_539 = arith.constant 0 : i32
        %gather3A_540 = tpu.memref_slice %arg4[%rem3A_351, %gather3A_539] : memref<2x6400xf32, #tpu.memory_space<vmem>> -> memref<1x6400xf32, #tpu.memory_space<vmem>>
        %gather3A_541 = tpu.memref_squeeze %gather3A_540 : memref<1x6400xf32, #tpu.memory_space<vmem>> -> memref<6400xf32, #tpu.memory_space<vmem>>
        %gather3A_542 = tpu.vector_load_idx %gather3A_541[%add3A_538] : memref<6400xf32, #tpu.memory_space<vmem>>[vector<16xi32>], vector<16xf32>,
        %mul3A_543 = arith.constant 256 : i32
        %mul3A_544 = arith.muli %mul3A_543, %scan3A_477 : i32
        %add3A_545 = arith.constant 192 : i32
        %add3A_546 = arith.addi %mul3A_544, %add3A_545 : i32
        %add3A_547 = vector.broadcast %add3A_546 : i32 to vector<16xi32>
        %add3A_548 = arith.addi %add3A_106, %add3A_547 : vector<16xi32>
        %scatter3A_549 = arith.constant 0 : i32
        %scatter3A_550 = tpu.memref_slice %arg5[%rem3A_351, %scatter3A_549] : memref<2x25600xf32, #tpu.memory_space<vmem>> -> memref<1x25600xf32, #tpu.memory_space<vmem>>
        %scatter3A_551 = tpu.memref_squeeze %scatter3A_550 : memref<1x25600xf32, #tpu.memory_space<vmem>> -> memref<25600xf32, #tpu.memory_space<vmem>>
        tpu.vector_store_idx %scatter3A_551[%add3A_548], %gather3A_542 : memref<25600xf32, #tpu.memory_space<vmem>>[vector<16xi32>], vector<16xf32>,
      }
      %scan3A_413 = arith.constant 100 : i32
      %mul3A_414 = arith.constant 16 : i32
      %mul3A_415 = arith.muli %add3A_356, %mul3A_414 : i32
      %dma_start3A_416 = arith.constant 0 : i32
      %dma_start3A_417 = tpu.memref_slice %arg5[%rem3A_351, %dma_start3A_416] : memref<2x25600xf32, #tpu.memory_space<vmem>> -> memref<1x25600xf32, #tpu.memory_space<vmem>>
      %dma_start3A_418 = tpu.memref_squeeze %dma_start3A_417 : memref<1x25600xf32, #tpu.memory_space<vmem>> -> memref<25600xf32, #tpu.memory_space<vmem>>
      %dma_start3A_419 = tpu.memref_slice %arg3[%mul3A_415] : memref<16252928xf32, #tpu.memory_space<hbm>> -> memref<25600xf32, #tpu.memory_space<hbm>>
      %dma_start3A_420 = tpu.memref_slice %arg3[%mul3A_415] : memref<16252928xf32, #tpu.memory_space<hbm>> -> memref<25600xf32, #tpu.memory_space<hbm>>
      %dma_start3A_421 = arith.constant 0 : i32
      %dma_start3A_422 = tpu.memref_slice %arg5[%rem3A_351, %dma_start3A_421] : memref<2x25600xf32, #tpu.memory_space<vmem>> -> memref<1x25600xf32, #tpu.memory_space<vmem>>
      %dma_start3A_423 = tpu.memref_squeeze %dma_start3A_422 : memref<1x25600xf32, #tpu.memory_space<vmem>> -> memref<25600xf32, #tpu.memory_space<vmem>>
      tpu.enqueue_dma source(%dma_start3A_423 : memref<25600xf32, #tpu.memory_space<vmem>>) target(%dma_start3A_420 : memref<25600xf32, #tpu.memory_space<hbm>>) target_semaphore(%arg7 : memref<!tpu.dma_semaphore, #tpu.memory_space<semaphore_mem>>)
      %add3A_424 = arith.constant 2 : i32
      %add3A_425 = arith.addi %scan3A_349, %add3A_424 : i32
      %min3A_426 = arith.constant 19 : i32
      %min3A_427 = arith.minsi %add3A_425, %min3A_426 : i32
      %mul3A_428 = arith.constant 1600 : i32
      %mul3A_429 = arith.muli %min3A_427, %mul3A_428 : i32
      %min3A_430 = arith.constant 30144 : i32
      %min3A_431 = arith.minsi %mul3A_429, %min3A_430 : i32
      %add3A_432 = arith.addi %mul3A_2, %min3A_431 : i32
      %dma_start3A_433 = arith.constant 0 : i32
      %dma_start3A_434 = arith.constant 0 : i32
      %dma_start3A_435 = tpu.memref_slice %arg4[%rem3A_351, %dma_start3A_434] : memref<2x6400xf32, #tpu.memory_space<vmem>> -> memref<1x1600xf32, #tpu.memory_space<vmem>>
      %dma_start3A_436 = tpu.memref_squeeze %dma_start3A_435 : memref<1x1600xf32, #tpu.memory_space<vmem>> -> memref<1600xf32, #tpu.memory_space<vmem>>
      %dma_start3A_437 = tpu.memref_slice %arg2[%dma_start3A_433, %add3A_432] : memref<8x1015808xf32, #tpu.memory_space<hbm>> -> memref<1x1600xf32, #tpu.memory_space<hbm>>
      %dma_start3A_438 = tpu.memref_squeeze %dma_start3A_437 : memref<1x1600xf32, #tpu.memory_space<hbm>> -> memref<1600xf32, #tpu.memory_space<hbm>>
      %dma_start3A_439 = arith.constant 0 : i32
      %dma_start3A_440 = tpu.memref_slice %arg4[%rem3A_351, %dma_start3A_439] : memref<2x6400xf32, #tpu.memory_space<vmem>> -> memref<1x1600xf32, #tpu.memory_space<vmem>>
      %dma_start3A_441 = tpu.memref_squeeze %dma_start3A_440 : memref<1x1600xf32, #tpu.memory_space<vmem>> -> memref<1600xf32, #tpu.memory_space<vmem>>
      %dma_start3A_442 = tpu.memref_slice %arg2[%dma_start3A_433, %add3A_432] : memref<8x1015808xf32, #tpu.memory_space<hbm>> -> memref<1x1600xf32, #tpu.memory_space<hbm>>
      %dma_start3A_443 = tpu.memref_squeeze %dma_start3A_442 : memref<1x1600xf32, #tpu.memory_space<hbm>> -> memref<1600xf32, #tpu.memory_space<hbm>>
      tpu.enqueue_dma source(%dma_start3A_443 : memref<1600xf32, #tpu.memory_space<hbm>>) target(%dma_start3A_441 : memref<1600xf32, #tpu.memory_space<vmem>>) target_semaphore(%arg6 : memref<!tpu.dma_semaphore, #tpu.memory_space<semaphore_mem>>)
      %dma_start3A_444 = arith.constant 1 : i32
      %dma_start3A_445 = arith.constant 1600 : i32
      %dma_start3A_446 = tpu.memref_slice %arg4[%rem3A_351, %dma_start3A_445] : memref<2x6400xf32, #tpu.memory_space<vmem>> -> memref<1x1600xf32, #tpu.memory_space<vmem>>
      %dma_start3A_447 = tpu.memref_squeeze %dma_start3A_446 : memref<1x1600xf32, #tpu.memory_space<vmem>> -> memref<1600xf32, #tpu.memory_space<vmem>>
      %dma_start3A_448 = tpu.memref_slice %arg2[%dma_start3A_444, %add3A_432] : memref<8x1015808xf32, #tpu.memory_space<hbm>> -> memref<1x1600xf32, #tpu.memory_space<hbm>>
      %dma_start3A_449 = tpu.memref_squeeze %dma_start3A_448 : memref<1x1600xf32, #tpu.memory_space<hbm>> -> memref<1600xf32, #tpu.memory_space<hbm>>
      %dma_start3A_450 = arith.constant 1600 : i32
      %dma_start3A_451 = tpu.memref_slice %arg4[%rem3A_351, %dma_start3A_450] : memref<2x6400xf32, #tpu.memory_space<vmem>> -> memref<1x1600xf32, #tpu.memory_space<vmem>>
      %dma_start3A_452 = tpu.memref_squeeze %dma_start3A_451 : memref<1x1600xf32, #tpu.memory_space<vmem>> -> memref<1600xf32, #tpu.memory_space<vmem>>
      %dma_start3A_453 = tpu.memref_slice %arg2[%dma_start3A_444, %add3A_432] : memref<8x1015808xf32, #tpu.memory_space<hbm>> -> memref<1x1600xf32, #tpu.memory_space<hbm>>
      %dma_start3A_454 = tpu.memref_squeeze %dma_start3A_453 : memref<1x1600xf32, #tpu.memory_space<hbm>> -> memref<1600xf32, #tpu.memory_space<hbm>>
      tpu.enqueue_dma source(%dma_start3A_454 : memref<1600xf32, #tpu.memory_space<hbm>>) target(%dma_start3A_452 : memref<1600xf32, #tpu.memory_space<vmem>>) target_semaphore(%arg6 : memref<!tpu.dma_semaphore, #tpu.memory_space<semaphore_mem>>)
      %dma_start3A_455 = arith.constant 2 : i32
      %dma_start3A_456 = arith.constant 3200 : i32
      %dma_start3A_457 = tpu.memref_slice %arg4[%rem3A_351, %dma_start3A_456] : memref<2x6400xf32, #tpu.memory_space<vmem>> -> memref<1x1600xf32, #tpu.memory_space<vmem>>
      %dma_start3A_458 = tpu.memref_squeeze %dma_start3A_457 : memref<1x1600xf32, #tpu.memory_space<vmem>> -> memref<1600xf32, #tpu.memory_space<vmem>>
      %dma_start3A_459 = tpu.memref_slice %arg2[%dma_start3A_455, %add3A_432] : memref<8x1015808xf32, #tpu.memory_space<hbm>> -> memref<1x1600xf32, #tpu.memory_space<hbm>>
      %dma_start3A_460 = tpu.memref_squeeze %dma_start3A_459 : memref<1x1600xf32, #tpu.memory_space<hbm>> -> memref<1600xf32, #tpu.memory_space<hbm>>
      %dma_start3A_461 = arith.constant 3200 : i32
      %dma_start3A_462 = tpu.memref_slice %arg4[%rem3A_351, %dma_start3A_461] : memref<2x6400xf32, #tpu.memory_space<vmem>> -> memref<1x1600xf32, #tpu.memory_space<vmem>>
      %dma_start3A_463 = tpu.memref_squeeze %dma_start3A_462 : memref<1x1600xf32, #tpu.memory_space<vmem>> -> memref<1600xf32, #tpu.memory_space<vmem>>
      %dma_start3A_464 = tpu.memref_slice %arg2[%dma_start3A_455, %add3A_432] : memref<8x1015808xf32, #tpu.memory_space<hbm>> -> memref<1x1600xf32, #tpu.memory_space<hbm>>
      %dma_start3A_465 = tpu.memref_squeeze %dma_start3A_464 : memref<1x1600xf32, #tpu.memory_space<hbm>> -> memref<1600xf32, #tpu.memory_space<hbm>>
      tpu.enqueue_dma source(%dma_start3A_465 : memref<1600xf32, #tpu.memory_space<hbm>>) target(%dma_start3A_463 : memref<1600xf32, #tpu.memory_space<vmem>>) target_semaphore(%arg6 : memref<!tpu.dma_semaphore, #tpu.memory_space<semaphore_mem>>)
      %dma_start3A_466 = arith.constant 3 : i32
      %dma_start3A_467 = arith.constant 4800 : i32
      %dma_start3A_468 = tpu.memref_slice %arg4[%rem3A_351, %dma_start3A_467] : memref<2x6400xf32, #tpu.memory_space<vmem>> -> memref<1x1600xf32, #tpu.memory_space<vmem>>
      %dma_start3A_469 = tpu.memref_squeeze %dma_start3A_468 : memref<1x1600xf32, #tpu.memory_space<vmem>> -> memref<1600xf32, #tpu.memory_space<vmem>>
      %dma_start3A_470 = tpu.memref_slice %arg2[%dma_start3A_466, %add3A_432] : memref<8x1015808xf32, #tpu.memory_space<hbm>> -> memref<1x1600xf32, #tpu.memory_space<hbm>>
      %dma_start3A_471 = tpu.memref_squeeze %dma_start3A_470 : memref<1x1600xf32, #tpu.memory_space<hbm>> -> memref<1600xf32, #tpu.memory_space<hbm>>
      %dma_start3A_472 = arith.constant 4800 : i32
      %dma_start3A_473 = tpu.memref_slice %arg4[%rem3A_351, %dma_start3A_472] : memref<2x6400xf32, #tpu.memory_space<vmem>> -> memref<1x1600xf32, #tpu.memory_space<vmem>>
      %dma_start3A_474 = tpu.memref_squeeze %dma_start3A_473 : memref<1x1600xf32, #tpu.memory_space<vmem>> -> memref<1600xf32, #tpu.memory_space<vmem>>
      %dma_start3A_475 = tpu.memref_slice %arg2[%dma_start3A_466, %add3A_432] : memref<8x1015808xf32, #tpu.memory_space<hbm>> -> memref<1x1600xf32, #tpu.memory_space<hbm>>
      %dma_start3A_476 = tpu.memref_squeeze %dma_start3A_475 : memref<1x1600xf32, #tpu.memory_space<hbm>> -> memref<1600xf32, #tpu.memory_space<hbm>>
      tpu.enqueue_dma source(%dma_start3A_476 : memref<1600xf32, #tpu.memory_space<hbm>>) target(%dma_start3A_474 : memref<1600xf32, #tpu.memory_space<vmem>>) target_semaphore(%arg6 : memref<!tpu.dma_semaphore, #tpu.memory_space<semaphore_mem>>)
    }
    %scan3A_213 = arith.constant 20 : i32
    %rem3A_214 = arith.constant 20 : i32
    %rem3A_215 = arith.constant 2 : i32
    %rem3A_216 = arith.remsi %rem3A_214, %rem3A_215 : i32
    %min3A_217 = arith.constant 30400 : i32
    %min3A_218 = arith.constant 30144 : i32
    %min3A_219 = arith.minsi %min3A_217, %min3A_218 : i32
    %add3A_220 = arith.addi %mul3A_2, %min3A_219 : i32
    %dma_wait3A = arith.constant 0 : i32
    %dma_wait3A_221 = arith.constant 0 : i32
    %dma_wait3A_222 = tpu.memref_slice %arg4[%rem3A_216, %dma_wait3A_221] : memref<2x6400xf32, #tpu.memory_space<vmem>> -> memref<1x1600xf32, #tpu.memory_space<vmem>>
    %dma_wait3A_223 = tpu.memref_squeeze %dma_wait3A_222 : memref<1x1600xf32, #tpu.memory_space<vmem>> -> memref<1600xf32, #tpu.memory_space<vmem>>
    %dma_wait3A_224 = tpu.memref_slice %arg2[%dma_wait3A, %add3A_220] : memref<8x1015808xf32, #tpu.memory_space<hbm>> -> memref<1x1600xf32, #tpu.memory_space<hbm>>
    %dma_wait3A_225 = tpu.memref_squeeze %dma_wait3A_224 : memref<1x1600xf32, #tpu.memory_space<hbm>> -> memref<1600xf32, #tpu.memory_space<hbm>>
    %dma_wait3A_226 = arith.constant 0 : i32
    %dma_wait3A_227 = tpu.memref_slice %arg4[%rem3A_216, %dma_wait3A_226] : memref<2x6400xf32, #tpu.memory_space<vmem>> -> memref<1x1600xf32, #tpu.memory_space<vmem>>
    %dma_wait3A_228 = tpu.memref_squeeze %dma_wait3A_227 : memref<1x1600xf32, #tpu.memory_space<vmem>> -> memref<1600xf32, #tpu.memory_space<vmem>>
    %dma_wait3A_229 = tpu.memref_slice %arg2[%dma_wait3A, %add3A_220] : memref<8x1015808xf32, #tpu.memory_space<hbm>> -> memref<1x1600xf32, #tpu.memory_space<hbm>>
    %dma_wait3A_230 = tpu.memref_squeeze %dma_wait3A_229 : memref<1x1600xf32, #tpu.memory_space<hbm>> -> memref<1600xf32, #tpu.memory_space<hbm>>
    tpu.wait_dma2 semaphore(%arg6 : memref<!tpu.dma_semaphore, #tpu.memory_space<semaphore_mem>>) src(%dma_wait3A_230 : memref<1600xf32, #tpu.memory_space<hbm>>) dst(%dma_wait3A_228 : memref<1600xf32, #tpu.memory_space<vmem>>)
    %dma_wait3A_231 = arith.constant 1 : i32
    %dma_wait3A_232 = arith.constant 1600 : i32
    %dma_wait3A_233 = tpu.memref_slice %arg4[%rem3A_216, %dma_wait3A_232] : memref<2x6400xf32, #tpu.memory_space<vmem>> -> memref<1x1600xf32, #tpu.memory_space<vmem>>
    %dma_wait3A_234 = tpu.memref_squeeze %dma_wait3A_233 : memref<1x1600xf32, #tpu.memory_space<vmem>> -> memref<1600xf32, #tpu.memory_space<vmem>>
    %dma_wait3A_235 = tpu.memref_slice %arg2[%dma_wait3A_231, %add3A_220] : memref<8x1015808xf32, #tpu.memory_space<hbm>> -> memref<1x1600xf32, #tpu.memory_space<hbm>>
    %dma_wait3A_236 = tpu.memref_squeeze %dma_wait3A_235 : memref<1x1600xf32, #tpu.memory_space<hbm>> -> memref<1600xf32, #tpu.memory_space<hbm>>
    %dma_wait3A_237 = arith.constant 1600 : i32
    %dma_wait3A_238 = tpu.memref_slice %arg4[%rem3A_216, %dma_wait3A_237] : memref<2x6400xf32, #tpu.memory_space<vmem>> -> memref<1x1600xf32, #tpu.memory_space<vmem>>
    %dma_wait3A_239 = tpu.memref_squeeze %dma_wait3A_238 : memref<1x1600xf32, #tpu.memory_space<vmem>> -> memref<1600xf32, #tpu.memory_space<vmem>>
    %dma_wait3A_240 = tpu.memref_slice %arg2[%dma_wait3A_231, %add3A_220] : memref<8x1015808xf32, #tpu.memory_space<hbm>> -> memref<1x1600xf32, #tpu.memory_space<hbm>>
    %dma_wait3A_241 = tpu.memref_squeeze %dma_wait3A_240 : memref<1x1600xf32, #tpu.memory_space<hbm>> -> memref<1600xf32, #tpu.memory_space<hbm>>
    tpu.wait_dma2 semaphore(%arg6 : memref<!tpu.dma_semaphore, #tpu.memory_space<semaphore_mem>>) src(%dma_wait3A_241 : memref<1600xf32, #tpu.memory_space<hbm>>) dst(%dma_wait3A_239 : memref<1600xf32, #tpu.memory_space<vmem>>)
    %dma_wait3A_242 = arith.constant 2 : i32
    %dma_wait3A_243 = arith.constant 3200 : i32
    %dma_wait3A_244 = tpu.memref_slice %arg4[%rem3A_216, %dma_wait3A_243] : memref<2x6400xf32, #tpu.memory_space<vmem>> -> memref<1x1600xf32, #tpu.memory_space<vmem>>
    %dma_wait3A_245 = tpu.memref_squeeze %dma_wait3A_244 : memref<1x1600xf32, #tpu.memory_space<vmem>> -> memref<1600xf32, #tpu.memory_space<vmem>>
    %dma_wait3A_246 = tpu.memref_slice %arg2[%dma_wait3A_242, %add3A_220] : memref<8x1015808xf32, #tpu.memory_space<hbm>> -> memref<1x1600xf32, #tpu.memory_space<hbm>>
    %dma_wait3A_247 = tpu.memref_squeeze %dma_wait3A_246 : memref<1x1600xf32, #tpu.memory_space<hbm>> -> memref<1600xf32, #tpu.memory_space<hbm>>
    %dma_wait3A_248 = arith.constant 3200 : i32
    %dma_wait3A_249 = tpu.memref_slice %arg4[%rem3A_216, %dma_wait3A_248] : memref<2x6400xf32, #tpu.memory_space<vmem>> -> memref<1x1600xf32, #tpu.memory_space<vmem>>
    %dma_wait3A_250 = tpu.memref_squeeze %dma_wait3A_249 : memref<1x1600xf32, #tpu.memory_space<vmem>> -> memref<1600xf32, #tpu.memory_space<vmem>>
    %dma_wait3A_251 = tpu.memref_slice %arg2[%dma_wait3A_242, %add3A_220] : memref<8x1015808xf32, #tpu.memory_space<hbm>> -> memref<1x1600xf32, #tpu.memory_space<hbm>>
    %dma_wait3A_252 = tpu.memref_squeeze %dma_wait3A_251 : memref<1x1600xf32, #tpu.memory_space<hbm>> -> memref<1600xf32, #tpu.memory_space<hbm>>
    tpu.wait_dma2 semaphore(%arg6 : memref<!tpu.dma_semaphore, #tpu.memory_space<semaphore_mem>>) src(%dma_wait3A_252 : memref<1600xf32, #tpu.memory_space<hbm>>) dst(%dma_wait3A_250 : memref<1600xf32, #tpu.memory_space<vmem>>)
    %dma_wait3A_253 = arith.constant 3 : i32
    %dma_wait3A_254 = arith.constant 4800 : i32
    %dma_wait3A_255 = tpu.memref_slice %arg4[%rem3A_216, %dma_wait3A_254] : memref<2x6400xf32, #tpu.memory_space<vmem>> -> memref<1x1600xf32, #tpu.memory_space<vmem>>
    %dma_wait3A_256 = tpu.memref_squeeze %dma_wait3A_255 : memref<1x1600xf32, #tpu.memory_space<vmem>> -> memref<1600xf32, #tpu.memory_space<vmem>>
    %dma_wait3A_257 = tpu.memref_slice %arg2[%dma_wait3A_253, %add3A_220] : memref<8x1015808xf32, #tpu.memory_space<hbm>> -> memref<1x1600xf32, #tpu.memory_space<hbm>>
    %dma_wait3A_258 = tpu.memref_squeeze %dma_wait3A_257 : memref<1x1600xf32, #tpu.memory_space<hbm>> -> memref<1600xf32, #tpu.memory_space<hbm>>
    %dma_wait3A_259 = arith.constant 4800 : i32
    %dma_wait3A_260 = tpu.memref_slice %arg4[%rem3A_216, %dma_wait3A_259] : memref<2x6400xf32, #tpu.memory_space<vmem>> -> memref<1x1600xf32, #tpu.memory_space<vmem>>
    %dma_wait3A_261 = tpu.memref_squeeze %dma_wait3A_260 : memref<1x1600xf32, #tpu.memory_space<vmem>> -> memref<1600xf32, #tpu.memory_space<vmem>>
    %dma_wait3A_262 = tpu.memref_slice %arg2[%dma_wait3A_253, %add3A_220] : memref<8x1015808xf32, #tpu.memory_space<hbm>> -> memref<1x1600xf32, #tpu.memory_space<hbm>>
    %dma_wait3A_263 = tpu.memref_squeeze %dma_wait3A_262 : memref<1x1600xf32, #tpu.memory_space<hbm>> -> memref<1600xf32, #tpu.memory_space<hbm>>
    tpu.wait_dma2 semaphore(%arg6 : memref<!tpu.dma_semaphore, #tpu.memory_space<semaphore_mem>>) src(%dma_wait3A_263 : memref<1600xf32, #tpu.memory_space<hbm>>) dst(%dma_wait3A_261 : memref<1600xf32, #tpu.memory_space<vmem>>)
    %rem3A_264 = arith.constant 20 : i32
    %rem3A_265 = arith.constant 2 : i32
    %rem3A_266 = arith.remsi %rem3A_264, %rem3A_265 : i32
    %min3A_267 = arith.constant 28800 : i32
    %min3A_268 = arith.constant 30144 : i32
    %min3A_269 = arith.minsi %min3A_267, %min3A_268 : i32
    %add3A_270 = arith.addi %mul3A_2, %min3A_269 : i32
    %mul3A_271 = arith.constant 16 : i32
    %mul3A_272 = arith.muli %add3A_270, %mul3A_271 : i32
    %dma_wait3A_273 = arith.constant 0 : i32
    %dma_wait3A_274 = tpu.memref_slice %arg5[%rem3A_266, %dma_wait3A_273] : memref<2x25600xf32, #tpu.memory_space<vmem>> -> memref<1x25600xf32, #tpu.memory_space<vmem>>
    %dma_wait3A_275 = tpu.memref_squeeze %dma_wait3A_274 : memref<1x25600xf32, #tpu.memory_space<vmem>> -> memref<25600xf32, #tpu.memory_space<vmem>>
    %dma_wait3A_276 = tpu.memref_slice %arg3[%mul3A_272] : memref<16252928xf32, #tpu.memory_space<hbm>> -> memref<25600xf32, #tpu.memory_space<hbm>>
    %dma_wait3A_277 = tpu.memref_slice %arg3[%mul3A_272] : memref<16252928xf32, #tpu.memory_space<hbm>> -> memref<25600xf32, #tpu.memory_space<hbm>>
    %dma_wait3A_278 = arith.constant 0 : i32
    %dma_wait3A_279 = tpu.memref_slice %arg5[%rem3A_266, %dma_wait3A_278] : memref<2x25600xf32, #tpu.memory_space<vmem>> -> memref<1x25600xf32, #tpu.memory_space<vmem>>
    %dma_wait3A_280 = tpu.memref_squeeze %dma_wait3A_279 : memref<1x25600xf32, #tpu.memory_space<vmem>> -> memref<25600xf32, #tpu.memory_space<vmem>>
    tpu.wait_dma2 semaphore(%arg7 : memref<!tpu.dma_semaphore, #tpu.memory_space<semaphore_mem>>) src(%dma_wait3A_280 : memref<25600xf32, #tpu.memory_space<vmem>>) dst(%dma_wait3A_277 : memref<25600xf32, #tpu.memory_space<hbm>>)
    %rem3A_281 = arith.constant 21 : i32
    %rem3A_282 = arith.constant 2 : i32
    %rem3A_283 = arith.remsi %rem3A_281, %rem3A_282 : i32
    %min3A_284 = arith.constant 30400 : i32
    %min3A_285 = arith.constant 30144 : i32
    %min3A_286 = arith.minsi %min3A_284, %min3A_285 : i32
    %add3A_287 = arith.addi %mul3A_2, %min3A_286 : i32
    %dma_wait3A_288 = arith.constant 0 : i32
    %dma_wait3A_289 = arith.constant 0 : i32
    %dma_wait3A_290 = tpu.memref_slice %arg4[%rem3A_283, %dma_wait3A_289] : memref<2x6400xf32, #tpu.memory_space<vmem>> -> memref<1x1600xf32, #tpu.memory_space<vmem>>
    %dma_wait3A_291 = tpu.memref_squeeze %dma_wait3A_290 : memref<1x1600xf32, #tpu.memory_space<vmem>> -> memref<1600xf32, #tpu.memory_space<vmem>>
    %dma_wait3A_292 = tpu.memref_slice %arg2[%dma_wait3A_288, %add3A_287] : memref<8x1015808xf32, #tpu.memory_space<hbm>> -> memref<1x1600xf32, #tpu.memory_space<hbm>>
    %dma_wait3A_293 = tpu.memref_squeeze %dma_wait3A_292 : memref<1x1600xf32, #tpu.memory_space<hbm>> -> memref<1600xf32, #tpu.memory_space<hbm>>
    %dma_wait3A_294 = arith.constant 0 : i32
    %dma_wait3A_295 = tpu.memref_slice %arg4[%rem3A_283, %dma_wait3A_294] : memref<2x6400xf32, #tpu.memory_space<vmem>> -> memref<1x1600xf32, #tpu.memory_space<vmem>>
    %dma_wait3A_296 = tpu.memref_squeeze %dma_wait3A_295 : memref<1x1600xf32, #tpu.memory_space<vmem>> -> memref<1600xf32, #tpu.memory_space<vmem>>
    %dma_wait3A_297 = tpu.memref_slice %arg2[%dma_wait3A_288, %add3A_287] : memref<8x1015808xf32, #tpu.memory_space<hbm>> -> memref<1x1600xf32, #tpu.memory_space<hbm>>
    %dma_wait3A_298 = tpu.memref_squeeze %dma_wait3A_297 : memref<1x1600xf32, #tpu.memory_space<hbm>> -> memref<1600xf32, #tpu.memory_space<hbm>>
    tpu.wait_dma2 semaphore(%arg6 : memref<!tpu.dma_semaphore, #tpu.memory_space<semaphore_mem>>) src(%dma_wait3A_298 : memref<1600xf32, #tpu.memory_space<hbm>>) dst(%dma_wait3A_296 : memref<1600xf32, #tpu.memory_space<vmem>>)
    %dma_wait3A_299 = arith.constant 1 : i32
    %dma_wait3A_300 = arith.constant 1600 : i32
    %dma_wait3A_301 = tpu.memref_slice %arg4[%rem3A_283, %dma_wait3A_300] : memref<2x6400xf32, #tpu.memory_space<vmem>> -> memref<1x1600xf32, #tpu.memory_space<vmem>>
    %dma_wait3A_302 = tpu.memref_squeeze %dma_wait3A_301 : memref<1x1600xf32, #tpu.memory_space<vmem>> -> memref<1600xf32, #tpu.memory_space<vmem>>
    %dma_wait3A_303 = tpu.memref_slice %arg2[%dma_wait3A_299, %add3A_287] : memref<8x1015808xf32, #tpu.memory_space<hbm>> -> memref<1x1600xf32, #tpu.memory_space<hbm>>
    %dma_wait3A_304 = tpu.memref_squeeze %dma_wait3A_303 : memref<1x1600xf32, #tpu.memory_space<hbm>> -> memref<1600xf32, #tpu.memory_space<hbm>>
    %dma_wait3A_305 = arith.constant 1600 : i32
    %dma_wait3A_306 = tpu.memref_slice %arg4[%rem3A_283, %dma_wait3A_305] : memref<2x6400xf32, #tpu.memory_space<vmem>> -> memref<1x1600xf32, #tpu.memory_space<vmem>>
    %dma_wait3A_307 = tpu.memref_squeeze %dma_wait3A_306 : memref<1x1600xf32, #tpu.memory_space<vmem>> -> memref<1600xf32, #tpu.memory_space<vmem>>
    %dma_wait3A_308 = tpu.memref_slice %arg2[%dma_wait3A_299, %add3A_287] : memref<8x1015808xf32, #tpu.memory_space<hbm>> -> memref<1x1600xf32, #tpu.memory_space<hbm>>
    %dma_wait3A_309 = tpu.memref_squeeze %dma_wait3A_308 : memref<1x1600xf32, #tpu.memory_space<hbm>> -> memref<1600xf32, #tpu.memory_space<hbm>>
    tpu.wait_dma2 semaphore(%arg6 : memref<!tpu.dma_semaphore, #tpu.memory_space<semaphore_mem>>) src(%dma_wait3A_309 : memref<1600xf32, #tpu.memory_space<hbm>>) dst(%dma_wait3A_307 : memref<1600xf32, #tpu.memory_space<vmem>>)
    %dma_wait3A_310 = arith.constant 2 : i32
    %dma_wait3A_311 = arith.constant 3200 : i32
    %dma_wait3A_312 = tpu.memref_slice %arg4[%rem3A_283, %dma_wait3A_311] : memref<2x6400xf32, #tpu.memory_space<vmem>> -> memref<1x1600xf32, #tpu.memory_space<vmem>>
    %dma_wait3A_313 = tpu.memref_squeeze %dma_wait3A_312 : memref<1x1600xf32, #tpu.memory_space<vmem>> -> memref<1600xf32, #tpu.memory_space<vmem>>
    %dma_wait3A_314 = tpu.memref_slice %arg2[%dma_wait3A_310, %add3A_287] : memref<8x1015808xf32, #tpu.memory_space<hbm>> -> memref<1x1600xf32, #tpu.memory_space<hbm>>
    %dma_wait3A_315 = tpu.memref_squeeze %dma_wait3A_314 : memref<1x1600xf32, #tpu.memory_space<hbm>> -> memref<1600xf32, #tpu.memory_space<hbm>>
    %dma_wait3A_316 = arith.constant 3200 : i32
    %dma_wait3A_317 = tpu.memref_slice %arg4[%rem3A_283, %dma_wait3A_316] : memref<2x6400xf32, #tpu.memory_space<vmem>> -> memref<1x1600xf32, #tpu.memory_space<vmem>>
    %dma_wait3A_318 = tpu.memref_squeeze %dma_wait3A_317 : memref<1x1600xf32, #tpu.memory_space<vmem>> -> memref<1600xf32, #tpu.memory_space<vmem>>
    %dma_wait3A_319 = tpu.memref_slice %arg2[%dma_wait3A_310, %add3A_287] : memref<8x1015808xf32, #tpu.memory_space<hbm>> -> memref<1x1600xf32, #tpu.memory_space<hbm>>
    %dma_wait3A_320 = tpu.memref_squeeze %dma_wait3A_319 : memref<1x1600xf32, #tpu.memory_space<hbm>> -> memref<1600xf32, #tpu.memory_space<hbm>>
    tpu.wait_dma2 semaphore(%arg6 : memref<!tpu.dma_semaphore, #tpu.memory_space<semaphore_mem>>) src(%dma_wait3A_320 : memref<1600xf32, #tpu.memory_space<hbm>>) dst(%dma_wait3A_318 : memref<1600xf32, #tpu.memory_space<vmem>>)
    %dma_wait3A_321 = arith.constant 3 : i32
    %dma_wait3A_322 = arith.constant 4800 : i32
    %dma_wait3A_323 = tpu.memref_slice %arg4[%rem3A_283, %dma_wait3A_322] : memref<2x6400xf32, #tpu.memory_space<vmem>> -> memref<1x1600xf32, #tpu.memory_space<vmem>>
    %dma_wait3A_324 = tpu.memref_squeeze %dma_wait3A_323 : memref<1x1600xf32, #tpu.memory_space<vmem>> -> memref<1600xf32, #tpu.memory_space<vmem>>
    %dma_wait3A_325 = tpu.memref_slice %arg2[%dma_wait3A_321, %add3A_287] : memref<8x1015808xf32, #tpu.memory_space<hbm>> -> memref<1x1600xf32, #tpu.memory_space<hbm>>
    %dma_wait3A_326 = tpu.memref_squeeze %dma_wait3A_325 : memref<1x1600xf32, #tpu.memory_space<hbm>> -> memref<1600xf32, #tpu.memory_space<hbm>>
    %dma_wait3A_327 = arith.constant 4800 : i32
    %dma_wait3A_328 = tpu.memref_slice %arg4[%rem3A_283, %dma_wait3A_327] : memref<2x6400xf32, #tpu.memory_space<vmem>> -> memref<1x1600xf32, #tpu.memory_space<vmem>>
    %dma_wait3A_329 = tpu.memref_squeeze %dma_wait3A_328 : memref<1x1600xf32, #tpu.memory_space<vmem>> -> memref<1600xf32, #tpu.memory_space<vmem>>
    %dma_wait3A_330 = tpu.memref_slice %arg2[%dma_wait3A_321, %add3A_287] : memref<8x1015808xf32, #tpu.memory_space<hbm>> -> memref<1x1600xf32, #tpu.memory_space<hbm>>
    %dma_wait3A_331 = tpu.memref_squeeze %dma_wait3A_330 : memref<1x1600xf32, #tpu.memory_space<hbm>> -> memref<1600xf32, #tpu.memory_space<hbm>>
    tpu.wait_dma2 semaphore(%arg6 : memref<!tpu.dma_semaphore, #tpu.memory_space<semaphore_mem>>) src(%dma_wait3A_331 : memref<1600xf32, #tpu.memory_space<hbm>>) dst(%dma_wait3A_329 : memref<1600xf32, #tpu.memory_space<vmem>>)
    %rem3A_332 = arith.constant 21 : i32
    %rem3A_333 = arith.constant 2 : i32
    %rem3A_334 = arith.remsi %rem3A_332, %rem3A_333 : i32
    %min3A_335 = arith.constant 30400 : i32
    %min3A_336 = arith.constant 30144 : i32
    %min3A_337 = arith.minsi %min3A_335, %min3A_336 : i32
    %add3A_338 = arith.addi %mul3A_2, %min3A_337 : i32
    %mul3A_339 = arith.constant 16 : i32
    %mul3A_340 = arith.muli %add3A_338, %mul3A_339 : i32
    %dma_wait3A_341 = arith.constant 0 : i32
    %dma_wait3A_342 = tpu.memref_slice %arg5[%rem3A_334, %dma_wait3A_341] : memref<2x25600xf32, #tpu.memory_space<vmem>> -> memref<1x25600xf32, #tpu.memory_space<vmem>>
    %dma_wait3A_343 = tpu.memref_squeeze %dma_wait3A_342 : memref<1x25600xf32, #tpu.memory_space<vmem>> -> memref<25600xf32, #tpu.memory_space<vmem>>
    %dma_wait3A_344 = tpu.memref_slice %arg3[%mul3A_340] : memref<16252928xf32, #tpu.memory_space<hbm>> -> memref<25600xf32, #tpu.memory_space<hbm>>
    %dma_wait3A_345 = tpu.memref_slice %arg3[%mul3A_340] : memref<16252928xf32, #tpu.memory_space<hbm>> -> memref<25600xf32, #tpu.memory_space<hbm>>
    %dma_wait3A_346 = arith.constant 0 : i32
    %dma_wait3A_347 = tpu.memref_slice %arg5[%rem3A_334, %dma_wait3A_346] : memref<2x25600xf32, #tpu.memory_space<vmem>> -> memref<1x25600xf32, #tpu.memory_space<vmem>>
    %dma_wait3A_348 = tpu.memref_squeeze %dma_wait3A_347 : memref<1x25600xf32, #tpu.memory_space<vmem>> -> memref<25600xf32, #tpu.memory_space<vmem>>
    tpu.wait_dma2 semaphore(%arg7 : memref<!tpu.dma_semaphore, #tpu.memory_space<semaphore_mem>>) src(%dma_wait3A_348 : memref<25600xf32, #tpu.memory_space<vmem>>) dst(%dma_wait3A_345 : memref<25600xf32, #tpu.memory_space<hbm>>)
    return
  }
}

#map = affine_map<(d0, d1) -> (0)>
#map1 = affine_map<(d0, d1) -> (0, 0)>
module attributes {stable_mosaic.version = 14 : i64} {
  func.func @_bag_kernel(%arg0: i32, %arg1: i32, %arg2: memref<3276800xi32, #tpu.memory_space<hbm>>, %arg3: memref<1015808x16xf32, #tpu.memory_space<hbm>>, %arg4: memref<16xf32, #tpu.memory_space<hbm>>, %arg5: memref<65536xf32, #tpu.memory_space<hbm>>, %arg6: memref<3x1600xi32, #tpu.memory_space<vmem>>, %arg7: memref<3x1600x16xf32, #tpu.memory_space<vmem>>, %arg8: memref<2048xf32, #tpu.memory_space<vmem>>, %arg9: memref<16xf32, #tpu.memory_space<vmem>>, %arg10: memref<64xf32, #tpu.memory_space<vmem>>, %arg11: memref<!tpu.dma_semaphore, #tpu.memory_space<semaphore_mem>>) attributes {dimension_semantics = [#tpu.dimension_semantics<core_parallel>, #tpu.dimension_semantics<subcore_parallel>], iteration_bounds = array<i64: 2, 16>, scalar_prefetch = 0 : i64, scratch_operands = 6 : i64, tpu.core_type = #tpu.core_type<sc_vector_subcore>, window_params = [{transform_indices = #map}, {transform_indices = #map1}, {transform_indices = #map}, {transform_indices = #map}]} {
    %mul3A = arith.constant 2 : i32
    %mul3A_0 = arith.muli %arg1, %mul3A : i32
    %add3A = arith.addi %mul3A_0, %arg0 : i32
    %mul3A_1 = arith.constant 512 : i32
    %mul3A_2 = arith.muli %add3A, %mul3A_1 : i32
    "tpu.region"() ({
      %run_scoped3A_146 = tpu.sem_alloc : memref<!tpu.dma_semaphore, #tpu.memory_space<semaphore_mem>>
      tpu.enqueue_dma source(%arg4 : memref<16xf32, #tpu.memory_space<hbm>>) target(%arg9 : memref<16xf32, #tpu.memory_space<vmem>>) target_semaphore(%run_scoped3A_146 : memref<!tpu.dma_semaphore, #tpu.memory_space<semaphore_mem>>)
      tpu.wait_dma2 semaphore(%run_scoped3A_146 : memref<!tpu.dma_semaphore, #tpu.memory_space<semaphore_mem>>) src(%arg4 : memref<16xf32, #tpu.memory_space<hbm>>) dst(%arg9 : memref<16xf32, #tpu.memory_space<vmem>>)
      tpu.yield
    }) : () -> ()
    %get3A = arith.constant 0 : index
    %get3A_3 = tpu.vector_load %arg9[%get3A] {strides = array<i32>} : memref<16xf32, #tpu.memory_space<vmem>>, vector<16xf32>,
    %iota3A = tpu.iota {dimensions = array<i32: 0>} : vector<16xi32>
    %jit3A = arith.constant 4 : i32
    %div3A = vector.broadcast %jit3A : i32 to vector<16xi32>
    %div3A_4 = arith.divsi %iota3A, %div3A : vector<16xi32>
    %sign3A = arith.constant 0 : i32
    %sign3A_5 = vector.broadcast %sign3A : i32 to vector<16xi32>
    %sign3A_6 = arith.cmpi sgt, %iota3A, %sign3A_5 : vector<16xi32>
    %sign3A_7 = arith.extui %sign3A_6 : vector<16xi1> to vector<16xi32>
    %sign3A_8 = arith.constant 0 : i32
    %sign3A_9 = vector.broadcast %sign3A_8 : i32 to vector<16xi32>
    %sign3A_10 = arith.cmpi slt, %iota3A, %sign3A_9 : vector<16xi32>
    %sign3A_11 = arith.extui %sign3A_10 : vector<16xi1> to vector<16xi32>
    %sign3A_12 = arith.subi %sign3A_7, %sign3A_11 : vector<16xi32>
    %sign3A_13 = arith.constant 0 : i32
    %sign3A_14 = arith.cmpi sgt, %jit3A, %sign3A_13 : i32
    %sign3A_15 = arith.extui %sign3A_14 : i1 to i32
    %sign3A_16 = arith.constant 0 : i32
    %sign3A_17 = arith.cmpi slt, %jit3A, %sign3A_16 : i32
    %sign3A_18 = arith.extui %sign3A_17 : i1 to i32
    %sign3A_19 = arith.subi %sign3A_15, %sign3A_18 : i32
    %ne3A = vector.broadcast %sign3A_19 : i32 to vector<16xi32>
    %ne3A_20 = arith.cmpi ne, %sign3A_12, %ne3A : vector<16xi32>
    %rem3A = vector.broadcast %jit3A : i32 to vector<16xi32>
    %rem3A_21 = arith.remsi %iota3A, %rem3A : vector<16xi32>
    %ne3A_22 = arith.constant 0 : i32
    %ne3A_23 = vector.broadcast %ne3A_22 : i32 to vector<16xi32>
    %ne3A_24 = arith.cmpi ne, %rem3A_21, %ne3A_23 : vector<16xi32>
    %and3A = arith.andi %ne3A_20, %ne3A_24 : vector<16xi1>
    %sub3A = arith.constant 1 : i32
    %sub3A_25 = vector.broadcast %sub3A : i32 to vector<16xi32>
    %sub3A_26 = arith.subi %div3A_4, %sub3A_25 : vector<16xi32>
    %select_n3A = arith.select %and3A, %sub3A_26, %div3A_4 : vector<16xi1>, vector<16xi32>
    %mul3A_27 = arith.constant 16 : i32
    %mul3A_28 = vector.broadcast %mul3A_27 : i32 to vector<16xi32>
    %mul3A_29 = arith.muli %select_n3A, %mul3A_28 : vector<16xi32>
    %jit3A_30 = arith.constant 4 : i32
    %eq3A = arith.constant 0 : i32
    %eq3A_31 = arith.cmpi eq, %jit3A_30, %eq3A : i32
    %jit3A_32 = arith.constant 1 : i32
    %select_n3A_33 = arith.select %eq3A_31, %jit3A_32, %jit3A_30 : i32
    %rem3A_34 = vector.broadcast %select_n3A_33 : i32 to vector<16xi32>
    %rem3A_35 = arith.remsi %iota3A, %rem3A_34 : vector<16xi32>
    %ne3A_36 = arith.constant 0 : i32
    %ne3A_37 = vector.broadcast %ne3A_36 : i32 to vector<16xi32>
    %ne3A_38 = arith.cmpi ne, %rem3A_35, %ne3A_37 : vector<16xi32>
    %lt3A = arith.constant 0 : i32
    %lt3A_39 = vector.broadcast %lt3A : i32 to vector<16xi32>
    %lt3A_40 = arith.cmpi slt, %rem3A_35, %lt3A_39 : vector<16xi32>
    %lt3A_41 = arith.constant 0 : i32
    %lt3A_42 = arith.cmpi slt, %select_n3A_33, %lt3A_41 : i32
    %ne3A_43 = vector.broadcast %lt3A_42 : i1 to vector<16xi1>
    %ne3A_44 = vector.broadcast %ne3A_43 : vector<16xi1> to vector<16xi1>
    %ne3A_45 = arith.xori %lt3A_40, %ne3A_44 : vector<16xi1>
    %and3A_46 = arith.andi %ne3A_45, %ne3A_38 : vector<16xi1>
    %add3A_47 = vector.broadcast %select_n3A_33 : i32 to vector<16xi32>
    %add3A_48 = arith.addi %rem3A_35, %add3A_47 : vector<16xi32>
    %select_n3A_49 = arith.select %and3A_46, %add3A_48, %rem3A_35 : vector<16xi1>, vector<16xi32>
    %add3A_50 = arith.addi %mul3A_29, %select_n3A_49 : vector<16xi32>
    %add3A_51 = arith.constant 0 : i32
    %add3A_52 = arith.addi %mul3A_2, %add3A_51 : i32
    %mul3A_53 = arith.constant 200 : i32
    %mul3A_54 = arith.muli %add3A_52, %mul3A_53 : i32
    %run_scoped3A = arith.constant 0 : i32
    "tpu.region"() ({
      %run_scoped3A_146 = tpu.sem_alloc : memref<!tpu.dma_semaphore, #tpu.memory_space<semaphore_mem>>
      %dma_start3A_147 = arith.constant 0 : i32
      %dma_start3A_148 = tpu.memref_slice %arg6[%run_scoped3A, %dma_start3A_147] : memref<3x1600xi32, #tpu.memory_space<vmem>> -> memref<1x1600xi32, #tpu.memory_space<vmem>>
      %dma_start3A_149 = tpu.memref_squeeze %dma_start3A_148 : memref<1x1600xi32, #tpu.memory_space<vmem>> -> memref<1600xi32, #tpu.memory_space<vmem>>
      %dma_start3A_150 = tpu.memref_slice %arg2[%mul3A_54] : memref<3276800xi32, #tpu.memory_space<hbm>> -> memref<1600xi32, #tpu.memory_space<hbm>>
      %dma_start3A_151 = arith.constant 0 : i32
      %dma_start3A_152 = tpu.memref_slice %arg6[%run_scoped3A, %dma_start3A_151] : memref<3x1600xi32, #tpu.memory_space<vmem>> -> memref<1x1600xi32, #tpu.memory_space<vmem>>
      %dma_start3A_153 = tpu.memref_squeeze %dma_start3A_152 : memref<1x1600xi32, #tpu.memory_space<vmem>> -> memref<1600xi32, #tpu.memory_space<vmem>>
      %dma_start3A_154 = tpu.memref_slice %arg2[%mul3A_54] : memref<3276800xi32, #tpu.memory_space<hbm>> -> memref<1600xi32, #tpu.memory_space<hbm>>
      tpu.enqueue_dma source(%dma_start3A_154 : memref<1600xi32, #tpu.memory_space<hbm>>) target(%dma_start3A_153 : memref<1600xi32, #tpu.memory_space<vmem>>) target_semaphore(%run_scoped3A_146 : memref<!tpu.dma_semaphore, #tpu.memory_space<semaphore_mem>>)
      %dma_wait3A_155 = arith.constant 0 : i32
      %dma_wait3A_156 = tpu.memref_slice %arg6[%run_scoped3A, %dma_wait3A_155] : memref<3x1600xi32, #tpu.memory_space<vmem>> -> memref<1x1600xi32, #tpu.memory_space<vmem>>
      %dma_wait3A_157 = tpu.memref_squeeze %dma_wait3A_156 : memref<1x1600xi32, #tpu.memory_space<vmem>> -> memref<1600xi32, #tpu.memory_space<vmem>>
      %dma_wait3A_158 = tpu.memref_slice %arg2[%mul3A_54] : memref<3276800xi32, #tpu.memory_space<hbm>> -> memref<1600xi32, #tpu.memory_space<hbm>>
      %dma_wait3A_159 = arith.constant 0 : i32
      %dma_wait3A_160 = tpu.memref_slice %arg6[%run_scoped3A, %dma_wait3A_159] : memref<3x1600xi32, #tpu.memory_space<vmem>> -> memref<1x1600xi32, #tpu.memory_space<vmem>>
      %dma_wait3A_161 = tpu.memref_squeeze %dma_wait3A_160 : memref<1x1600xi32, #tpu.memory_space<vmem>> -> memref<1600xi32, #tpu.memory_space<vmem>>
      %dma_wait3A_162 = tpu.memref_slice %arg2[%mul3A_54] : memref<3276800xi32, #tpu.memory_space<hbm>> -> memref<1600xi32, #tpu.memory_space<hbm>>
      tpu.wait_dma2 semaphore(%run_scoped3A_146 : memref<!tpu.dma_semaphore, #tpu.memory_space<semaphore_mem>>) src(%dma_wait3A_162 : memref<1600xi32, #tpu.memory_space<hbm>>) dst(%dma_wait3A_161 : memref<1600xi32, #tpu.memory_space<vmem>>)
      tpu.yield
    }) : () -> ()
    %dma_start3A = arith.constant 0 : i32
    %dma_start3A_55 = arith.constant 0 : i32
    %dma_start3A_56 = arith.constant 0 : i32
    %dma_start3A_57 = arith.constant 0 : i32
    %dma_start3A_58 = tpu.memref_slice %arg7[%dma_start3A_55, %dma_start3A_56, %dma_start3A_57] : memref<3x1600x16xf32, #tpu.memory_space<vmem>> -> memref<1x1600x16xf32, #tpu.memory_space<vmem>>
    %dma_start3A_59 = tpu.memref_squeeze %dma_start3A_58 : memref<1x1600x16xf32, #tpu.memory_space<vmem>> -> memref<1600x16xf32, #tpu.memory_space<vmem>>
    %dma_start3A_60 = arith.constant 0 : i32
    %dma_start3A_61 = tpu.memref_slice %arg6[%dma_start3A, %dma_start3A_60] : memref<3x1600xi32, #tpu.memory_space<vmem>> -> memref<1x1600xi32, #tpu.memory_space<vmem>>
    %dma_start3A_62 = tpu.memref_squeeze %dma_start3A_61 : memref<1x1600xi32, #tpu.memory_space<vmem>> -> memref<1600xi32, #tpu.memory_space<vmem>>
    %dma_start3A_63 = arith.constant 0 : i32
    %dma_start3A_64 = arith.constant 0 : i32
    %dma_start3A_65 = tpu.memref_slice %arg3[%dma_start3A_63, %dma_start3A_64] : memref<1015808x16xf32, #tpu.memory_space<hbm>> -> memref<1015808x16xf32, #tpu.memory_space<hbm>>
    tpu.enqueue_indirect_dma source(%dma_start3A_65 : memref<1015808x16xf32, #tpu.memory_space<hbm>>) target(%dma_start3A_59 : memref<1600x16xf32, #tpu.memory_space<vmem>>) offsets(%dma_start3A_62 : memref<1600xi32, #tpu.memory_space<vmem>>) semaphore(%arg11 : memref<!tpu.dma_semaphore, #tpu.memory_space<semaphore_mem>>)
    %add3A_66 = arith.constant 8 : i32
    %add3A_67 = arith.addi %mul3A_2, %add3A_66 : i32
    %mul3A_68 = arith.constant 200 : i32
    %mul3A_69 = arith.muli %add3A_67, %mul3A_68 : i32
    %run_scoped3A_70 = arith.constant 1 : i32
    "tpu.region"() ({
      %run_scoped3A_146 = tpu.sem_alloc : memref<!tpu.dma_semaphore, #tpu.memory_space<semaphore_mem>>
      %dma_start3A_147 = arith.constant 0 : i32
      %dma_start3A_148 = tpu.memref_slice %arg6[%run_scoped3A_70, %dma_start3A_147] : memref<3x1600xi32, #tpu.memory_space<vmem>> -> memref<1x1600xi32, #tpu.memory_space<vmem>>
      %dma_start3A_149 = tpu.memref_squeeze %dma_start3A_148 : memref<1x1600xi32, #tpu.memory_space<vmem>> -> memref<1600xi32, #tpu.memory_space<vmem>>
      %dma_start3A_150 = tpu.memref_slice %arg2[%mul3A_69] : memref<3276800xi32, #tpu.memory_space<hbm>> -> memref<1600xi32, #tpu.memory_space<hbm>>
      %dma_start3A_151 = arith.constant 0 : i32
      %dma_start3A_152 = tpu.memref_slice %arg6[%run_scoped3A_70, %dma_start3A_151] : memref<3x1600xi32, #tpu.memory_space<vmem>> -> memref<1x1600xi32, #tpu.memory_space<vmem>>
      %dma_start3A_153 = tpu.memref_squeeze %dma_start3A_152 : memref<1x1600xi32, #tpu.memory_space<vmem>> -> memref<1600xi32, #tpu.memory_space<vmem>>
      %dma_start3A_154 = tpu.memref_slice %arg2[%mul3A_69] : memref<3276800xi32, #tpu.memory_space<hbm>> -> memref<1600xi32, #tpu.memory_space<hbm>>
      tpu.enqueue_dma source(%dma_start3A_154 : memref<1600xi32, #tpu.memory_space<hbm>>) target(%dma_start3A_153 : memref<1600xi32, #tpu.memory_space<vmem>>) target_semaphore(%run_scoped3A_146 : memref<!tpu.dma_semaphore, #tpu.memory_space<semaphore_mem>>)
      %dma_wait3A_155 = arith.constant 0 : i32
      %dma_wait3A_156 = tpu.memref_slice %arg6[%run_scoped3A_70, %dma_wait3A_155] : memref<3x1600xi32, #tpu.memory_space<vmem>> -> memref<1x1600xi32, #tpu.memory_space<vmem>>
      %dma_wait3A_157 = tpu.memref_squeeze %dma_wait3A_156 : memref<1x1600xi32, #tpu.memory_space<vmem>> -> memref<1600xi32, #tpu.memory_space<vmem>>
      %dma_wait3A_158 = tpu.memref_slice %arg2[%mul3A_69] : memref<3276800xi32, #tpu.memory_space<hbm>> -> memref<1600xi32, #tpu.memory_space<hbm>>
      %dma_wait3A_159 = arith.constant 0 : i32
      %dma_wait3A_160 = tpu.memref_slice %arg6[%run_scoped3A_70, %dma_wait3A_159] : memref<3x1600xi32, #tpu.memory_space<vmem>> -> memref<1x1600xi32, #tpu.memory_space<vmem>>
      %dma_wait3A_161 = tpu.memref_squeeze %dma_wait3A_160 : memref<1x1600xi32, #tpu.memory_space<vmem>> -> memref<1600xi32, #tpu.memory_space<vmem>>
      %dma_wait3A_162 = tpu.memref_slice %arg2[%mul3A_69] : memref<3276800xi32, #tpu.memory_space<hbm>> -> memref<1600xi32, #tpu.memory_space<hbm>>
      tpu.wait_dma2 semaphore(%run_scoped3A_146 : memref<!tpu.dma_semaphore, #tpu.memory_space<semaphore_mem>>) src(%dma_wait3A_162 : memref<1600xi32, #tpu.memory_space<hbm>>) dst(%dma_wait3A_161 : memref<1600xi32, #tpu.memory_space<vmem>>)
      tpu.yield
    }) : () -> ()
    %dma_start3A_71 = arith.constant 1 : i32
    %dma_start3A_72 = arith.constant 1 : i32
    %dma_start3A_73 = arith.constant 0 : i32
    %dma_start3A_74 = arith.constant 0 : i32
    %dma_start3A_75 = tpu.memref_slice %arg7[%dma_start3A_72, %dma_start3A_73, %dma_start3A_74] : memref<3x1600x16xf32, #tpu.memory_space<vmem>> -> memref<1x1600x16xf32, #tpu.memory_space<vmem>>
    %dma_start3A_76 = tpu.memref_squeeze %dma_start3A_75 : memref<1x1600x16xf32, #tpu.memory_space<vmem>> -> memref<1600x16xf32, #tpu.memory_space<vmem>>
    %dma_start3A_77 = arith.constant 0 : i32
    %dma_start3A_78 = tpu.memref_slice %arg6[%dma_start3A_71, %dma_start3A_77] : memref<3x1600xi32, #tpu.memory_space<vmem>> -> memref<1x1600xi32, #tpu.memory_space<vmem>>
    %dma_start3A_79 = tpu.memref_squeeze %dma_start3A_78 : memref<1x1600xi32, #tpu.memory_space<vmem>> -> memref<1600xi32, #tpu.memory_space<vmem>>
    %dma_start3A_80 = arith.constant 0 : i32
    %dma_start3A_81 = arith.constant 0 : i32
    %dma_start3A_82 = tpu.memref_slice %arg3[%dma_start3A_80, %dma_start3A_81] : memref<1015808x16xf32, #tpu.memory_space<hbm>> -> memref<1015808x16xf32, #tpu.memory_space<hbm>>
    tpu.enqueue_indirect_dma source(%dma_start3A_82 : memref<1015808x16xf32, #tpu.memory_space<hbm>>) target(%dma_start3A_76 : memref<1600x16xf32, #tpu.memory_space<vmem>>) offsets(%dma_start3A_79 : memref<1600xi32, #tpu.memory_space<vmem>>) semaphore(%arg11 : memref<!tpu.dma_semaphore, #tpu.memory_space<semaphore_mem>>)
    %add3A_83 = arith.constant 16 : i32
    %add3A_84 = arith.addi %mul3A_2, %add3A_83 : i32
    %mul3A_85 = arith.constant 200 : i32
    %mul3A_86 = arith.muli %add3A_84, %mul3A_85 : i32
    %run_scoped3A_87 = arith.constant 2 : i32
    "tpu.region"() ({
      %run_scoped3A_146 = tpu.sem_alloc : memref<!tpu.dma_semaphore, #tpu.memory_space<semaphore_mem>>
      %dma_start3A_147 = arith.constant 0 : i32
      %dma_start3A_148 = tpu.memref_slice %arg6[%run_scoped3A_87, %dma_start3A_147] : memref<3x1600xi32, #tpu.memory_space<vmem>> -> memref<1x1600xi32, #tpu.memory_space<vmem>>
      %dma_start3A_149 = tpu.memref_squeeze %dma_start3A_148 : memref<1x1600xi32, #tpu.memory_space<vmem>> -> memref<1600xi32, #tpu.memory_space<vmem>>
      %dma_start3A_150 = tpu.memref_slice %arg2[%mul3A_86] : memref<3276800xi32, #tpu.memory_space<hbm>> -> memref<1600xi32, #tpu.memory_space<hbm>>
      %dma_start3A_151 = arith.constant 0 : i32
      %dma_start3A_152 = tpu.memref_slice %arg6[%run_scoped3A_87, %dma_start3A_151] : memref<3x1600xi32, #tpu.memory_space<vmem>> -> memref<1x1600xi32, #tpu.memory_space<vmem>>
      %dma_start3A_153 = tpu.memref_squeeze %dma_start3A_152 : memref<1x1600xi32, #tpu.memory_space<vmem>> -> memref<1600xi32, #tpu.memory_space<vmem>>
      %dma_start3A_154 = tpu.memref_slice %arg2[%mul3A_86] : memref<3276800xi32, #tpu.memory_space<hbm>> -> memref<1600xi32, #tpu.memory_space<hbm>>
      tpu.enqueue_dma source(%dma_start3A_154 : memref<1600xi32, #tpu.memory_space<hbm>>) target(%dma_start3A_153 : memref<1600xi32, #tpu.memory_space<vmem>>) target_semaphore(%run_scoped3A_146 : memref<!tpu.dma_semaphore, #tpu.memory_space<semaphore_mem>>)
      %dma_wait3A_155 = arith.constant 0 : i32
      %dma_wait3A_156 = tpu.memref_slice %arg6[%run_scoped3A_87, %dma_wait3A_155] : memref<3x1600xi32, #tpu.memory_space<vmem>> -> memref<1x1600xi32, #tpu.memory_space<vmem>>
      %dma_wait3A_157 = tpu.memref_squeeze %dma_wait3A_156 : memref<1x1600xi32, #tpu.memory_space<vmem>> -> memref<1600xi32, #tpu.memory_space<vmem>>
      %dma_wait3A_158 = tpu.memref_slice %arg2[%mul3A_86] : memref<3276800xi32, #tpu.memory_space<hbm>> -> memref<1600xi32, #tpu.memory_space<hbm>>
      %dma_wait3A_159 = arith.constant 0 : i32
      %dma_wait3A_160 = tpu.memref_slice %arg6[%run_scoped3A_87, %dma_wait3A_159] : memref<3x1600xi32, #tpu.memory_space<vmem>> -> memref<1x1600xi32, #tpu.memory_space<vmem>>
      %dma_wait3A_161 = tpu.memref_squeeze %dma_wait3A_160 : memref<1x1600xi32, #tpu.memory_space<vmem>> -> memref<1600xi32, #tpu.memory_space<vmem>>
      %dma_wait3A_162 = tpu.memref_slice %arg2[%mul3A_86] : memref<3276800xi32, #tpu.memory_space<hbm>> -> memref<1600xi32, #tpu.memory_space<hbm>>
      tpu.wait_dma2 semaphore(%run_scoped3A_146 : memref<!tpu.dma_semaphore, #tpu.memory_space<semaphore_mem>>) src(%dma_wait3A_162 : memref<1600xi32, #tpu.memory_space<hbm>>) dst(%dma_wait3A_161 : memref<1600xi32, #tpu.memory_space<vmem>>)
      tpu.yield
    }) : () -> ()
    %dma_start3A_88 = arith.constant 2 : i32
    %dma_start3A_89 = arith.constant 2 : i32
    %dma_start3A_90 = arith.constant 0 : i32
    %dma_start3A_91 = arith.constant 0 : i32
    %dma_start3A_92 = tpu.memref_slice %arg7[%dma_start3A_89, %dma_start3A_90, %dma_start3A_91] : memref<3x1600x16xf32, #tpu.memory_space<vmem>> -> memref<1x1600x16xf32, #tpu.memory_space<vmem>>
    %dma_start3A_93 = tpu.memref_squeeze %dma_start3A_92 : memref<1x1600x16xf32, #tpu.memory_space<vmem>> -> memref<1600x16xf32, #tpu.memory_space<vmem>>
    %dma_start3A_94 = arith.constant 0 : i32
    %dma_start3A_95 = tpu.memref_slice %arg6[%dma_start3A_88, %dma_start3A_94] : memref<3x1600xi32, #tpu.memory_space<vmem>> -> memref<1x1600xi32, #tpu.memory_space<vmem>>
    %dma_start3A_96 = tpu.memref_squeeze %dma_start3A_95 : memref<1x1600xi32, #tpu.memory_space<vmem>> -> memref<1600xi32, #tpu.memory_space<vmem>>
    %dma_start3A_97 = arith.constant 0 : i32
    %dma_start3A_98 = arith.constant 0 : i32
    %dma_start3A_99 = tpu.memref_slice %arg3[%dma_start3A_97, %dma_start3A_98] : memref<1015808x16xf32, #tpu.memory_space<hbm>> -> memref<1015808x16xf32, #tpu.memory_space<hbm>>
    tpu.enqueue_indirect_dma source(%dma_start3A_99 : memref<1015808x16xf32, #tpu.memory_space<hbm>>) target(%dma_start3A_93 : memref<1600x16xf32, #tpu.memory_space<vmem>>) offsets(%dma_start3A_96 : memref<1600xi32, #tpu.memory_space<vmem>>) semaphore(%arg11 : memref<!tpu.dma_semaphore, #tpu.memory_space<semaphore_mem>>)
    %scan3A = arith.constant 0 : i32
    %scan3A_100 = arith.constant 5.000000e-03 : f32
    %scan3A_101 = arith.constant 0 : i32
    %scan3A_102 = arith.constant 64 : i32
    %scan3A_103 = arith.addi %scan3A_101, %scan3A_102 : i32
    %scan3A_104 = arith.constant 1 : i32
    scf.for %scan3A_146 = %scan3A_101 to %scan3A_103 step %scan3A_104  : i32 {
      %rem3A_147 = arith.constant 3 : i32
      %rem3A_148 = arith.remsi %scan3A_146, %rem3A_147 : i32
      %dma_wait3A_149 = arith.constant 0 : i32
      %dma_wait3A_150 = arith.constant 0 : i32
      %dma_wait3A_151 = tpu.memref_slice %arg7[%rem3A_148, %dma_wait3A_149, %dma_wait3A_150] : memref<3x1600x16xf32, #tpu.memory_space<vmem>> -> memref<1x1600x16xf32, #tpu.memory_space<vmem>>
      %dma_wait3A_152 = tpu.memref_squeeze %dma_wait3A_151 : memref<1x1600x16xf32, #tpu.memory_space<vmem>> -> memref<1600x16xf32, #tpu.memory_space<vmem>>
      %dma_wait3A_153 = arith.constant 0 : i32
      %dma_wait3A_154 = tpu.memref_slice %arg6[%rem3A_148, %dma_wait3A_153] : memref<3x1600xi32, #tpu.memory_space<vmem>> -> memref<1x1600xi32, #tpu.memory_space<vmem>>
      %dma_wait3A_155 = tpu.memref_squeeze %dma_wait3A_154 : memref<1x1600xi32, #tpu.memory_space<vmem>> -> memref<1600xi32, #tpu.memory_space<vmem>>
      %dma_wait3A_156 = arith.constant 0 : i32
      %dma_wait3A_157 = arith.constant 0 : i32
      %dma_wait3A_158 = tpu.memref_slice %arg3[%dma_wait3A_156, %dma_wait3A_157] : memref<1015808x16xf32, #tpu.memory_space<hbm>> -> memref<1015808x16xf32, #tpu.memory_space<hbm>>
      tpu.wait_indirect_dma semaphore(%arg11 : memref<!tpu.dma_semaphore, #tpu.memory_space<semaphore_mem>>) src(%dma_wait3A_158 : memref<1015808x16xf32, #tpu.memory_space<hbm>>) dst(%dma_wait3A_152 : memref<1600x16xf32, #tpu.memory_space<vmem>>)
      %broadcast_in_dim3A = arith.constant 0.000000e+00 : f32
      %broadcast_in_dim3A_159 = vector.broadcast %broadcast_in_dim3A : f32 to vector<16xf32>
      %scan3A_160 = arith.constant 0 : i32
      %scan3A_161 = arith.constant 25 : i32
      %scan3A_162 = arith.addi %scan3A_160, %scan3A_161 : i32
      %scan3A_163 = arith.constant 1 : i32
      %scan3A_164:4 = scf.for %scan3A_302 = %scan3A_160 to %scan3A_162 step %scan3A_163 iter_args(%scan3A_303 = %broadcast_in_dim3A_159, %scan3A_304 = %broadcast_in_dim3A_159, %scan3A_305 = %broadcast_in_dim3A_159, %scan3A_306 = %broadcast_in_dim3A_159) -> (vector<16xf32>, vector<16xf32>, vector<16xf32>, vector<16xf32>)  : i32 {
        %mul3A_307 = arith.constant 8 : i32
        %mul3A_308 = arith.muli %scan3A_302, %mul3A_307 : i32
        %add3A_309 = arith.constant 0 : i32
        %add3A_310 = arith.addi %add3A_309, %mul3A_308 : i32
        %get3A_311 = arith.index_cast %rem3A_148 : i32 to index
        %get3A_312 = arith.index_cast %add3A_310 : i32 to index
        %get3A_313 = arith.constant 0 : index
        %get3A_314 = tpu.vector_load %arg7[%get3A_311, %get3A_312, %get3A_313] {strides = array<i32>} : memref<3x1600x16xf32, #tpu.memory_space<vmem>>, vector<16xf32>,
        %add3A_315 = arith.addf %scan3A_303, %get3A_314 : vector<16xf32>
        %add3A_316 = arith.constant 1 : i32
        %add3A_317 = arith.addi %add3A_310, %add3A_316 : i32
        %get3A_318 = arith.index_cast %rem3A_148 : i32 to index
        %get3A_319 = arith.index_cast %add3A_317 : i32 to index
        %get3A_320 = arith.constant 0 : index
        %get3A_321 = tpu.vector_load %arg7[%get3A_318, %get3A_319, %get3A_320] {strides = array<i32>} : memref<3x1600x16xf32, #tpu.memory_space<vmem>>, vector<16xf32>,
        %add3A_322 = arith.addf %scan3A_304, %get3A_321 : vector<16xf32>
        %add3A_323 = arith.constant 2 : i32
        %add3A_324 = arith.addi %add3A_310, %add3A_323 : i32
        %get3A_325 = arith.index_cast %rem3A_148 : i32 to index
        %get3A_326 = arith.index_cast %add3A_324 : i32 to index
        %get3A_327 = arith.constant 0 : index
        %get3A_328 = tpu.vector_load %arg7[%get3A_325, %get3A_326, %get3A_327] {strides = array<i32>} : memref<3x1600x16xf32, #tpu.memory_space<vmem>>, vector<16xf32>,
        %add3A_329 = arith.addf %scan3A_305, %get3A_328 : vector<16xf32>
        %add3A_330 = arith.constant 3 : i32
        %add3A_331 = arith.addi %add3A_310, %add3A_330 : i32
        %get3A_332 = arith.index_cast %rem3A_148 : i32 to index
        %get3A_333 = arith.index_cast %add3A_331 : i32 to index
        %get3A_334 = arith.constant 0 : index
        %get3A_335 = tpu.vector_load %arg7[%get3A_332, %get3A_333, %get3A_334] {strides = array<i32>} : memref<3x1600x16xf32, #tpu.memory_space<vmem>>, vector<16xf32>,
        %add3A_336 = arith.addf %scan3A_306, %get3A_335 : vector<16xf32>
        %add3A_337 = arith.constant 4 : i32
        %add3A_338 = arith.addi %add3A_310, %add3A_337 : i32
        %get3A_339 = arith.index_cast %rem3A_148 : i32 to index
        %get3A_340 = arith.index_cast %add3A_338 : i32 to index
        %get3A_341 = arith.constant 0 : index
        %get3A_342 = tpu.vector_load %arg7[%get3A_339, %get3A_340, %get3A_341] {strides = array<i32>} : memref<3x1600x16xf32, #tpu.memory_space<vmem>>, vector<16xf32>,
        %add3A_343 = arith.addf %add3A_315, %get3A_342 : vector<16xf32>
        %add3A_344 = arith.constant 5 : i32
        %add3A_345 = arith.addi %add3A_310, %add3A_344 : i32
        %get3A_346 = arith.index_cast %rem3A_148 : i32 to index
        %get3A_347 = arith.index_cast %add3A_345 : i32 to index
        %get3A_348 = arith.constant 0 : index
        %get3A_349 = tpu.vector_load %arg7[%get3A_346, %get3A_347, %get3A_348] {strides = array<i32>} : memref<3x1600x16xf32, #tpu.memory_space<vmem>>, vector<16xf32>,
        %add3A_350 = arith.addf %add3A_322, %get3A_349 : vector<16xf32>
        %add3A_351 = arith.constant 6 : i32
        %add3A_352 = arith.addi %add3A_310, %add3A_351 : i32
        %get3A_353 = arith.index_cast %rem3A_148 : i32 to index
        %get3A_354 = arith.index_cast %add3A_352 : i32 to index
        %get3A_355 = arith.constant 0 : index
        %get3A_356 = tpu.vector_load %arg7[%get3A_353, %get3A_354, %get3A_355] {strides = array<i32>} : memref<3x1600x16xf32, #tpu.memory_space<vmem>>, vector<16xf32>,
        %add3A_357 = arith.addf %add3A_329, %get3A_356 : vector<16xf32>
        %add3A_358 = arith.constant 7 : i32
        %add3A_359 = arith.addi %add3A_310, %add3A_358 : i32
        %get3A_360 = arith.index_cast %rem3A_148 : i32 to index
        %get3A_361 = arith.index_cast %add3A_359 : i32 to index
        %get3A_362 = arith.constant 0 : index
        %get3A_363 = tpu.vector_load %arg7[%get3A_360, %get3A_361, %get3A_362] {strides = array<i32>} : memref<3x1600x16xf32, #tpu.memory_space<vmem>>, vector<16xf32>,
        %add3A_364 = arith.addf %add3A_336, %get3A_363 : vector<16xf32>
        scf.yield %add3A_343, %add3A_350, %add3A_357, %add3A_364 : vector<16xf32>, vector<16xf32>, vector<16xf32>, vector<16xf32>
      }
      %scan3A_165 = arith.constant 25 : i32
      %add3A_166 = arith.addf %scan3A_164#0, %scan3A_164#1 : vector<16xf32>
      %add3A_167 = arith.addf %scan3A_164#2, %scan3A_164#3 : vector<16xf32>
      %add3A_168 = arith.addf %add3A_166, %add3A_167 : vector<16xf32>
      %swap3A = arith.constant 0 : index
      %swap3A_169 = tpu.vector_load %arg10[%swap3A] {strides = array<i32>} : memref<64xf32, #tpu.memory_space<vmem>>, vector<16xf32>,
      tpu.vector_store %arg10[%swap3A], %add3A_168 {strides = array<i32>} : memref<64xf32, #tpu.memory_space<vmem>>, vector<16xf32>,
      %broadcast_in_dim3A_170 = arith.constant 0.000000e+00 : f32
      %broadcast_in_dim3A_171 = vector.broadcast %broadcast_in_dim3A_170 : f32 to vector<16xf32>
      %scan3A_172 = arith.constant 0 : i32
      %scan3A_173 = arith.constant 25 : i32
      %scan3A_174 = arith.addi %scan3A_172, %scan3A_173 : i32
      %scan3A_175 = arith.constant 1 : i32
      %scan3A_176:4 = scf.for %scan3A_302 = %scan3A_172 to %scan3A_174 step %scan3A_175 iter_args(%scan3A_303 = %broadcast_in_dim3A_171, %scan3A_304 = %broadcast_in_dim3A_171, %scan3A_305 = %broadcast_in_dim3A_171, %scan3A_306 = %broadcast_in_dim3A_171) -> (vector<16xf32>, vector<16xf32>, vector<16xf32>, vector<16xf32>)  : i32 {
        %mul3A_307 = arith.constant 8 : i32
        %mul3A_308 = arith.muli %scan3A_302, %mul3A_307 : i32
        %add3A_309 = arith.constant 200 : i32
        %add3A_310 = arith.addi %add3A_309, %mul3A_308 : i32
        %get3A_311 = arith.index_cast %rem3A_148 : i32 to index
        %get3A_312 = arith.index_cast %add3A_310 : i32 to index
        %get3A_313 = arith.constant 0 : index
        %get3A_314 = tpu.vector_load %arg7[%get3A_311, %get3A_312, %get3A_313] {strides = array<i32>} : memref<3x1600x16xf32, #tpu.memory_space<vmem>>, vector<16xf32>,
        %add3A_315 = arith.addf %scan3A_303, %get3A_314 : vector<16xf32>
        %add3A_316 = arith.constant 1 : i32
        %add3A_317 = arith.addi %add3A_310, %add3A_316 : i32
        %get3A_318 = arith.index_cast %rem3A_148 : i32 to index
        %get3A_319 = arith.index_cast %add3A_317 : i32 to index
        %get3A_320 = arith.constant 0 : index
        %get3A_321 = tpu.vector_load %arg7[%get3A_318, %get3A_319, %get3A_320] {strides = array<i32>} : memref<3x1600x16xf32, #tpu.memory_space<vmem>>, vector<16xf32>,
        %add3A_322 = arith.addf %scan3A_304, %get3A_321 : vector<16xf32>
        %add3A_323 = arith.constant 2 : i32
        %add3A_324 = arith.addi %add3A_310, %add3A_323 : i32
        %get3A_325 = arith.index_cast %rem3A_148 : i32 to index
        %get3A_326 = arith.index_cast %add3A_324 : i32 to index
        %get3A_327 = arith.constant 0 : index
        %get3A_328 = tpu.vector_load %arg7[%get3A_325, %get3A_326, %get3A_327] {strides = array<i32>} : memref<3x1600x16xf32, #tpu.memory_space<vmem>>, vector<16xf32>,
        %add3A_329 = arith.addf %scan3A_305, %get3A_328 : vector<16xf32>
        %add3A_330 = arith.constant 3 : i32
        %add3A_331 = arith.addi %add3A_310, %add3A_330 : i32
        %get3A_332 = arith.index_cast %rem3A_148 : i32 to index
        %get3A_333 = arith.index_cast %add3A_331 : i32 to index
        %get3A_334 = arith.constant 0 : index
        %get3A_335 = tpu.vector_load %arg7[%get3A_332, %get3A_333, %get3A_334] {strides = array<i32>} : memref<3x1600x16xf32, #tpu.memory_space<vmem>>, vector<16xf32>,
        %add3A_336 = arith.addf %scan3A_306, %get3A_335 : vector<16xf32>
        %add3A_337 = arith.constant 4 : i32
        %add3A_338 = arith.addi %add3A_310, %add3A_337 : i32
        %get3A_339 = arith.index_cast %rem3A_148 : i32 to index
        %get3A_340 = arith.index_cast %add3A_338 : i32 to index
        %get3A_341 = arith.constant 0 : index
        %get3A_342 = tpu.vector_load %arg7[%get3A_339, %get3A_340, %get3A_341] {strides = array<i32>} : memref<3x1600x16xf32, #tpu.memory_space<vmem>>, vector<16xf32>,
        %add3A_343 = arith.addf %add3A_315, %get3A_342 : vector<16xf32>
        %add3A_344 = arith.constant 5 : i32
        %add3A_345 = arith.addi %add3A_310, %add3A_344 : i32
        %get3A_346 = arith.index_cast %rem3A_148 : i32 to index
        %get3A_347 = arith.index_cast %add3A_345 : i32 to index
        %get3A_348 = arith.constant 0 : index
        %get3A_349 = tpu.vector_load %arg7[%get3A_346, %get3A_347, %get3A_348] {strides = array<i32>} : memref<3x1600x16xf32, #tpu.memory_space<vmem>>, vector<16xf32>,
        %add3A_350 = arith.addf %add3A_322, %get3A_349 : vector<16xf32>
        %add3A_351 = arith.constant 6 : i32
        %add3A_352 = arith.addi %add3A_310, %add3A_351 : i32
        %get3A_353 = arith.index_cast %rem3A_148 : i32 to index
        %get3A_354 = arith.index_cast %add3A_352 : i32 to index
        %get3A_355 = arith.constant 0 : index
        %get3A_356 = tpu.vector_load %arg7[%get3A_353, %get3A_354, %get3A_355] {strides = array<i32>} : memref<3x1600x16xf32, #tpu.memory_space<vmem>>, vector<16xf32>,
        %add3A_357 = arith.addf %add3A_329, %get3A_356 : vector<16xf32>
        %add3A_358 = arith.constant 7 : i32
        %add3A_359 = arith.addi %add3A_310, %add3A_358 : i32
        %get3A_360 = arith.index_cast %rem3A_148 : i32 to index
        %get3A_361 = arith.index_cast %add3A_359 : i32 to index
        %get3A_362 = arith.constant 0 : index
        %get3A_363 = tpu.vector_load %arg7[%get3A_360, %get3A_361, %get3A_362] {strides = array<i32>} : memref<3x1600x16xf32, #tpu.memory_space<vmem>>, vector<16xf32>,
        %add3A_364 = arith.addf %add3A_336, %get3A_363 : vector<16xf32>
        scf.yield %add3A_343, %add3A_350, %add3A_357, %add3A_364 : vector<16xf32>, vector<16xf32>, vector<16xf32>, vector<16xf32>
      }
      %scan3A_177 = arith.constant 25 : i32
      %add3A_178 = arith.addf %scan3A_176#0, %scan3A_176#1 : vector<16xf32>
      %add3A_179 = arith.addf %scan3A_176#2, %scan3A_176#3 : vector<16xf32>
      %add3A_180 = arith.addf %add3A_178, %add3A_179 : vector<16xf32>
      %swap3A_181 = arith.constant 16 : index
      %swap3A_182 = tpu.vector_load %arg10[%swap3A_181] {strides = array<i32>} : memref<64xf32, #tpu.memory_space<vmem>>, vector<16xf32>,
      tpu.vector_store %arg10[%swap3A_181], %add3A_180 {strides = array<i32>} : memref<64xf32, #tpu.memory_space<vmem>>, vector<16xf32>,
      %broadcast_in_dim3A_183 = arith.constant 0.000000e+00 : f32
      %broadcast_in_dim3A_184 = vector.broadcast %broadcast_in_dim3A_183 : f32 to vector<16xf32>
      %scan3A_185 = arith.constant 0 : i32
      %scan3A_186 = arith.constant 25 : i32
      %scan3A_187 = arith.addi %scan3A_185, %scan3A_186 : i32
      %scan3A_188 = arith.constant 1 : i32
      %scan3A_189:4 = scf.for %scan3A_302 = %scan3A_185 to %scan3A_187 step %scan3A_188 iter_args(%scan3A_303 = %broadcast_in_dim3A_184, %scan3A_304 = %broadcast_in_dim3A_184, %scan3A_305 = %broadcast_in_dim3A_184, %scan3A_306 = %broadcast_in_dim3A_184) -> (vector<16xf32>, vector<16xf32>, vector<16xf32>, vector<16xf32>)  : i32 {
        %mul3A_307 = arith.constant 8 : i32
        %mul3A_308 = arith.muli %scan3A_302, %mul3A_307 : i32
        %add3A_309 = arith.constant 400 : i32
        %add3A_310 = arith.addi %add3A_309, %mul3A_308 : i32
        %get3A_311 = arith.index_cast %rem3A_148 : i32 to index
        %get3A_312 = arith.index_cast %add3A_310 : i32 to index
        %get3A_313 = arith.constant 0 : index
        %get3A_314 = tpu.vector_load %arg7[%get3A_311, %get3A_312, %get3A_313] {strides = array<i32>} : memref<3x1600x16xf32, #tpu.memory_space<vmem>>, vector<16xf32>,
        %add3A_315 = arith.addf %scan3A_303, %get3A_314 : vector<16xf32>
        %add3A_316 = arith.constant 1 : i32
        %add3A_317 = arith.addi %add3A_310, %add3A_316 : i32
        %get3A_318 = arith.index_cast %rem3A_148 : i32 to index
        %get3A_319 = arith.index_cast %add3A_317 : i32 to index
        %get3A_320 = arith.constant 0 : index
        %get3A_321 = tpu.vector_load %arg7[%get3A_318, %get3A_319, %get3A_320] {strides = array<i32>} : memref<3x1600x16xf32, #tpu.memory_space<vmem>>, vector<16xf32>,
        %add3A_322 = arith.addf %scan3A_304, %get3A_321 : vector<16xf32>
        %add3A_323 = arith.constant 2 : i32
        %add3A_324 = arith.addi %add3A_310, %add3A_323 : i32
        %get3A_325 = arith.index_cast %rem3A_148 : i32 to index
        %get3A_326 = arith.index_cast %add3A_324 : i32 to index
        %get3A_327 = arith.constant 0 : index
        %get3A_328 = tpu.vector_load %arg7[%get3A_325, %get3A_326, %get3A_327] {strides = array<i32>} : memref<3x1600x16xf32, #tpu.memory_space<vmem>>, vector<16xf32>,
        %add3A_329 = arith.addf %scan3A_305, %get3A_328 : vector<16xf32>
        %add3A_330 = arith.constant 3 : i32
        %add3A_331 = arith.addi %add3A_310, %add3A_330 : i32
        %get3A_332 = arith.index_cast %rem3A_148 : i32 to index
        %get3A_333 = arith.index_cast %add3A_331 : i32 to index
        %get3A_334 = arith.constant 0 : index
        %get3A_335 = tpu.vector_load %arg7[%get3A_332, %get3A_333, %get3A_334] {strides = array<i32>} : memref<3x1600x16xf32, #tpu.memory_space<vmem>>, vector<16xf32>,
        %add3A_336 = arith.addf %scan3A_306, %get3A_335 : vector<16xf32>
        %add3A_337 = arith.constant 4 : i32
        %add3A_338 = arith.addi %add3A_310, %add3A_337 : i32
        %get3A_339 = arith.index_cast %rem3A_148 : i32 to index
        %get3A_340 = arith.index_cast %add3A_338 : i32 to index
        %get3A_341 = arith.constant 0 : index
        %get3A_342 = tpu.vector_load %arg7[%get3A_339, %get3A_340, %get3A_341] {strides = array<i32>} : memref<3x1600x16xf32, #tpu.memory_space<vmem>>, vector<16xf32>,
        %add3A_343 = arith.addf %add3A_315, %get3A_342 : vector<16xf32>
        %add3A_344 = arith.constant 5 : i32
        %add3A_345 = arith.addi %add3A_310, %add3A_344 : i32
        %get3A_346 = arith.index_cast %rem3A_148 : i32 to index
        %get3A_347 = arith.index_cast %add3A_345 : i32 to index
        %get3A_348 = arith.constant 0 : index
        %get3A_349 = tpu.vector_load %arg7[%get3A_346, %get3A_347, %get3A_348] {strides = array<i32>} : memref<3x1600x16xf32, #tpu.memory_space<vmem>>, vector<16xf32>,
        %add3A_350 = arith.addf %add3A_322, %get3A_349 : vector<16xf32>
        %add3A_351 = arith.constant 6 : i32
        %add3A_352 = arith.addi %add3A_310, %add3A_351 : i32
        %get3A_353 = arith.index_cast %rem3A_148 : i32 to index
        %get3A_354 = arith.index_cast %add3A_352 : i32 to index
        %get3A_355 = arith.constant 0 : index
        %get3A_356 = tpu.vector_load %arg7[%get3A_353, %get3A_354, %get3A_355] {strides = array<i32>} : memref<3x1600x16xf32, #tpu.memory_space<vmem>>, vector<16xf32>,
        %add3A_357 = arith.addf %add3A_329, %get3A_356 : vector<16xf32>
        %add3A_358 = arith.constant 7 : i32
        %add3A_359 = arith.addi %add3A_310, %add3A_358 : i32
        %get3A_360 = arith.index_cast %rem3A_148 : i32 to index
        %get3A_361 = arith.index_cast %add3A_359 : i32 to index
        %get3A_362 = arith.constant 0 : index
        %get3A_363 = tpu.vector_load %arg7[%get3A_360, %get3A_361, %get3A_362] {strides = array<i32>} : memref<3x1600x16xf32, #tpu.memory_space<vmem>>, vector<16xf32>,
        %add3A_364 = arith.addf %add3A_336, %get3A_363 : vector<16xf32>
        scf.yield %add3A_343, %add3A_350, %add3A_357, %add3A_364 : vector<16xf32>, vector<16xf32>, vector<16xf32>, vector<16xf32>
      }
      %scan3A_190 = arith.constant 25 : i32
      %add3A_191 = arith.addf %scan3A_189#0, %scan3A_189#1 : vector<16xf32>
      %add3A_192 = arith.addf %scan3A_189#2, %scan3A_189#3 : vector<16xf32>
      %add3A_193 = arith.addf %add3A_191, %add3A_192 : vector<16xf32>
      %swap3A_194 = arith.constant 32 : index
      %swap3A_195 = tpu.vector_load %arg10[%swap3A_194] {strides = array<i32>} : memref<64xf32, #tpu.memory_space<vmem>>, vector<16xf32>,
      tpu.vector_store %arg10[%swap3A_194], %add3A_193 {strides = array<i32>} : memref<64xf32, #tpu.memory_space<vmem>>, vector<16xf32>,
      %broadcast_in_dim3A_196 = arith.constant 0.000000e+00 : f32
      %broadcast_in_dim3A_197 = vector.broadcast %broadcast_in_dim3A_196 : f32 to vector<16xf32>
      %scan3A_198 = arith.constant 0 : i32
      %scan3A_199 = arith.constant 25 : i32
      %scan3A_200 = arith.addi %scan3A_198, %scan3A_199 : i32
      %scan3A_201 = arith.constant 1 : i32
      %scan3A_202:4 = scf.for %scan3A_302 = %scan3A_198 to %scan3A_200 step %scan3A_201 iter_args(%scan3A_303 = %broadcast_in_dim3A_197, %scan3A_304 = %broadcast_in_dim3A_197, %scan3A_305 = %broadcast_in_dim3A_197, %scan3A_306 = %broadcast_in_dim3A_197) -> (vector<16xf32>, vector<16xf32>, vector<16xf32>, vector<16xf32>)  : i32 {
        %mul3A_307 = arith.constant 8 : i32
        %mul3A_308 = arith.muli %scan3A_302, %mul3A_307 : i32
        %add3A_309 = arith.constant 600 : i32
        %add3A_310 = arith.addi %add3A_309, %mul3A_308 : i32
        %get3A_311 = arith.index_cast %rem3A_148 : i32 to index
        %get3A_312 = arith.index_cast %add3A_310 : i32 to index
        %get3A_313 = arith.constant 0 : index
        %get3A_314 = tpu.vector_load %arg7[%get3A_311, %get3A_312, %get3A_313] {strides = array<i32>} : memref<3x1600x16xf32, #tpu.memory_space<vmem>>, vector<16xf32>,
        %add3A_315 = arith.addf %scan3A_303, %get3A_314 : vector<16xf32>
        %add3A_316 = arith.constant 1 : i32
        %add3A_317 = arith.addi %add3A_310, %add3A_316 : i32
        %get3A_318 = arith.index_cast %rem3A_148 : i32 to index
        %get3A_319 = arith.index_cast %add3A_317 : i32 to index
        %get3A_320 = arith.constant 0 : index
        %get3A_321 = tpu.vector_load %arg7[%get3A_318, %get3A_319, %get3A_320] {strides = array<i32>} : memref<3x1600x16xf32, #tpu.memory_space<vmem>>, vector<16xf32>,
        %add3A_322 = arith.addf %scan3A_304, %get3A_321 : vector<16xf32>
        %add3A_323 = arith.constant 2 : i32
        %add3A_324 = arith.addi %add3A_310, %add3A_323 : i32
        %get3A_325 = arith.index_cast %rem3A_148 : i32 to index
        %get3A_326 = arith.index_cast %add3A_324 : i32 to index
        %get3A_327 = arith.constant 0 : index
        %get3A_328 = tpu.vector_load %arg7[%get3A_325, %get3A_326, %get3A_327] {strides = array<i32>} : memref<3x1600x16xf32, #tpu.memory_space<vmem>>, vector<16xf32>,
        %add3A_329 = arith.addf %scan3A_305, %get3A_328 : vector<16xf32>
        %add3A_330 = arith.constant 3 : i32
        %add3A_331 = arith.addi %add3A_310, %add3A_330 : i32
        %get3A_332 = arith.index_cast %rem3A_148 : i32 to index
        %get3A_333 = arith.index_cast %add3A_331 : i32 to index
        %get3A_334 = arith.constant 0 : index
        %get3A_335 = tpu.vector_load %arg7[%get3A_332, %get3A_333, %get3A_334] {strides = array<i32>} : memref<3x1600x16xf32, #tpu.memory_space<vmem>>, vector<16xf32>,
        %add3A_336 = arith.addf %scan3A_306, %get3A_335 : vector<16xf32>
        %add3A_337 = arith.constant 4 : i32
        %add3A_338 = arith.addi %add3A_310, %add3A_337 : i32
        %get3A_339 = arith.index_cast %rem3A_148 : i32 to index
        %get3A_340 = arith.index_cast %add3A_338 : i32 to index
        %get3A_341 = arith.constant 0 : index
        %get3A_342 = tpu.vector_load %arg7[%get3A_339, %get3A_340, %get3A_341] {strides = array<i32>} : memref<3x1600x16xf32, #tpu.memory_space<vmem>>, vector<16xf32>,
        %add3A_343 = arith.addf %add3A_315, %get3A_342 : vector<16xf32>
        %add3A_344 = arith.constant 5 : i32
        %add3A_345 = arith.addi %add3A_310, %add3A_344 : i32
        %get3A_346 = arith.index_cast %rem3A_148 : i32 to index
        %get3A_347 = arith.index_cast %add3A_345 : i32 to index
        %get3A_348 = arith.constant 0 : index
        %get3A_349 = tpu.vector_load %arg7[%get3A_346, %get3A_347, %get3A_348] {strides = array<i32>} : memref<3x1600x16xf32, #tpu.memory_space<vmem>>, vector<16xf32>,
        %add3A_350 = arith.addf %add3A_322, %get3A_349 : vector<16xf32>
        %add3A_351 = arith.constant 6 : i32
        %add3A_352 = arith.addi %add3A_310, %add3A_351 : i32
        %get3A_353 = arith.index_cast %rem3A_148 : i32 to index
        %get3A_354 = arith.index_cast %add3A_352 : i32 to index
        %get3A_355 = arith.constant 0 : index
        %get3A_356 = tpu.vector_load %arg7[%get3A_353, %get3A_354, %get3A_355] {strides = array<i32>} : memref<3x1600x16xf32, #tpu.memory_space<vmem>>, vector<16xf32>,
        %add3A_357 = arith.addf %add3A_329, %get3A_356 : vector<16xf32>
        %add3A_358 = arith.constant 7 : i32
        %add3A_359 = arith.addi %add3A_310, %add3A_358 : i32
        %get3A_360 = arith.index_cast %rem3A_148 : i32 to index
        %get3A_361 = arith.index_cast %add3A_359 : i32 to index
        %get3A_362 = arith.constant 0 : index
        %get3A_363 = tpu.vector_load %arg7[%get3A_360, %get3A_361, %get3A_362] {strides = array<i32>} : memref<3x1600x16xf32, #tpu.memory_space<vmem>>, vector<16xf32>,
        %add3A_364 = arith.addf %add3A_336, %get3A_363 : vector<16xf32>
        scf.yield %add3A_343, %add3A_350, %add3A_357, %add3A_364 : vector<16xf32>, vector<16xf32>, vector<16xf32>, vector<16xf32>
      }
      %scan3A_203 = arith.constant 25 : i32
      %add3A_204 = arith.addf %scan3A_202#0, %scan3A_202#1 : vector<16xf32>
      %add3A_205 = arith.addf %scan3A_202#2, %scan3A_202#3 : vector<16xf32>
      %add3A_206 = arith.addf %add3A_204, %add3A_205 : vector<16xf32>
      %swap3A_207 = arith.constant 48 : index
      %swap3A_208 = tpu.vector_load %arg10[%swap3A_207] {strides = array<i32>} : memref<64xf32, #tpu.memory_space<vmem>>, vector<16xf32>,
      tpu.vector_store %arg10[%swap3A_207], %add3A_206 {strides = array<i32>} : memref<64xf32, #tpu.memory_space<vmem>>, vector<16xf32>,
      %gather3A = tpu.vector_load_idx %arg10[%add3A_50] : memref<64xf32, #tpu.memory_space<vmem>>[vector<16xi32>], vector<16xf32>,
      %mul3A_209 = vector.broadcast %scan3A_100 : f32 to vector<16xf32>
      %mul3A_210 = arith.mulf %gather3A, %mul3A_209 : vector<16xf32>
      %add3A_211 = arith.addf %mul3A_210, %get3A_3 : vector<16xf32>
      %mul3A_212 = arith.constant 8 : i32
      %mul3A_213 = arith.muli %scan3A_146, %mul3A_212 : i32
      %add3A_214 = arith.constant 0 : i32
      %add3A_215 = arith.addi %mul3A_213, %add3A_214 : i32
      %mul3A_216 = arith.constant 4 : i32
      %mul3A_217 = arith.muli %add3A_215, %mul3A_216 : i32
      %swap3A_218 = arith.index_cast %mul3A_217 : i32 to index
      %swap3A_219 = tpu.vector_load %arg8[%swap3A_218] {strides = array<i32>} : memref<2048xf32, #tpu.memory_space<vmem>>, vector<16xf32>,
      tpu.vector_store %arg8[%swap3A_218], %add3A_211 {strides = array<i32>} : memref<2048xf32, #tpu.memory_space<vmem>>, vector<16xf32>,
      %broadcast_in_dim3A_220 = arith.constant 0.000000e+00 : f32
      %broadcast_in_dim3A_221 = vector.broadcast %broadcast_in_dim3A_220 : f32 to vector<16xf32>
      %scan3A_222 = arith.constant 0 : i32
      %scan3A_223 = arith.constant 25 : i32
      %scan3A_224 = arith.addi %scan3A_222, %scan3A_223 : i32
      %scan3A_225 = arith.constant 1 : i32
      %scan3A_226:4 = scf.for %scan3A_302 = %scan3A_222 to %scan3A_224 step %scan3A_225 iter_args(%scan3A_303 = %broadcast_in_dim3A_221, %scan3A_304 = %broadcast_in_dim3A_221, %scan3A_305 = %broadcast_in_dim3A_221, %scan3A_306 = %broadcast_in_dim3A_221) -> (vector<16xf32>, vector<16xf32>, vector<16xf32>, vector<16xf32>)  : i32 {
        %mul3A_307 = arith.constant 8 : i32
        %mul3A_308 = arith.muli %scan3A_302, %mul3A_307 : i32
        %add3A_309 = arith.constant 800 : i32
        %add3A_310 = arith.addi %add3A_309, %mul3A_308 : i32
        %get3A_311 = arith.index_cast %rem3A_148 : i32 to index
        %get3A_312 = arith.index_cast %add3A_310 : i32 to index
        %get3A_313 = arith.constant 0 : index
        %get3A_314 = tpu.vector_load %arg7[%get3A_311, %get3A_312, %get3A_313] {strides = array<i32>} : memref<3x1600x16xf32, #tpu.memory_space<vmem>>, vector<16xf32>,
        %add3A_315 = arith.addf %scan3A_303, %get3A_314 : vector<16xf32>
        %add3A_316 = arith.constant 1 : i32
        %add3A_317 = arith.addi %add3A_310, %add3A_316 : i32
        %get3A_318 = arith.index_cast %rem3A_148 : i32 to index
        %get3A_319 = arith.index_cast %add3A_317 : i32 to index
        %get3A_320 = arith.constant 0 : index
        %get3A_321 = tpu.vector_load %arg7[%get3A_318, %get3A_319, %get3A_320] {strides = array<i32>} : memref<3x1600x16xf32, #tpu.memory_space<vmem>>, vector<16xf32>,
        %add3A_322 = arith.addf %scan3A_304, %get3A_321 : vector<16xf32>
        %add3A_323 = arith.constant 2 : i32
        %add3A_324 = arith.addi %add3A_310, %add3A_323 : i32
        %get3A_325 = arith.index_cast %rem3A_148 : i32 to index
        %get3A_326 = arith.index_cast %add3A_324 : i32 to index
        %get3A_327 = arith.constant 0 : index
        %get3A_328 = tpu.vector_load %arg7[%get3A_325, %get3A_326, %get3A_327] {strides = array<i32>} : memref<3x1600x16xf32, #tpu.memory_space<vmem>>, vector<16xf32>,
        %add3A_329 = arith.addf %scan3A_305, %get3A_328 : vector<16xf32>
        %add3A_330 = arith.constant 3 : i32
        %add3A_331 = arith.addi %add3A_310, %add3A_330 : i32
        %get3A_332 = arith.index_cast %rem3A_148 : i32 to index
        %get3A_333 = arith.index_cast %add3A_331 : i32 to index
        %get3A_334 = arith.constant 0 : index
        %get3A_335 = tpu.vector_load %arg7[%get3A_332, %get3A_333, %get3A_334] {strides = array<i32>} : memref<3x1600x16xf32, #tpu.memory_space<vmem>>, vector<16xf32>,
        %add3A_336 = arith.addf %scan3A_306, %get3A_335 : vector<16xf32>
        %add3A_337 = arith.constant 4 : i32
        %add3A_338 = arith.addi %add3A_310, %add3A_337 : i32
        %get3A_339 = arith.index_cast %rem3A_148 : i32 to index
        %get3A_340 = arith.index_cast %add3A_338 : i32 to index
        %get3A_341 = arith.constant 0 : index
        %get3A_342 = tpu.vector_load %arg7[%get3A_339, %get3A_340, %get3A_341] {strides = array<i32>} : memref<3x1600x16xf32, #tpu.memory_space<vmem>>, vector<16xf32>,
        %add3A_343 = arith.addf %add3A_315, %get3A_342 : vector<16xf32>
        %add3A_344 = arith.constant 5 : i32
        %add3A_345 = arith.addi %add3A_310, %add3A_344 : i32
        %get3A_346 = arith.index_cast %rem3A_148 : i32 to index
        %get3A_347 = arith.index_cast %add3A_345 : i32 to index
        %get3A_348 = arith.constant 0 : index
        %get3A_349 = tpu.vector_load %arg7[%get3A_346, %get3A_347, %get3A_348] {strides = array<i32>} : memref<3x1600x16xf32, #tpu.memory_space<vmem>>, vector<16xf32>,
        %add3A_350 = arith.addf %add3A_322, %get3A_349 : vector<16xf32>
        %add3A_351 = arith.constant 6 : i32
        %add3A_352 = arith.addi %add3A_310, %add3A_351 : i32
        %get3A_353 = arith.index_cast %rem3A_148 : i32 to index
        %get3A_354 = arith.index_cast %add3A_352 : i32 to index
        %get3A_355 = arith.constant 0 : index
        %get3A_356 = tpu.vector_load %arg7[%get3A_353, %get3A_354, %get3A_355] {strides = array<i32>} : memref<3x1600x16xf32, #tpu.memory_space<vmem>>, vector<16xf32>,
        %add3A_357 = arith.addf %add3A_329, %get3A_356 : vector<16xf32>
        %add3A_358 = arith.constant 7 : i32
        %add3A_359 = arith.addi %add3A_310, %add3A_358 : i32
        %get3A_360 = arith.index_cast %rem3A_148 : i32 to index
        %get3A_361 = arith.index_cast %add3A_359 : i32 to index
        %get3A_362 = arith.constant 0 : index
        %get3A_363 = tpu.vector_load %arg7[%get3A_360, %get3A_361, %get3A_362] {strides = array<i32>} : memref<3x1600x16xf32, #tpu.memory_space<vmem>>, vector<16xf32>,
        %add3A_364 = arith.addf %add3A_336, %get3A_363 : vector<16xf32>
        scf.yield %add3A_343, %add3A_350, %add3A_357, %add3A_364 : vector<16xf32>, vector<16xf32>, vector<16xf32>, vector<16xf32>
      }
      %scan3A_227 = arith.constant 25 : i32
      %add3A_228 = arith.addf %scan3A_226#0, %scan3A_226#1 : vector<16xf32>
      %add3A_229 = arith.addf %scan3A_226#2, %scan3A_226#3 : vector<16xf32>
      %add3A_230 = arith.addf %add3A_228, %add3A_229 : vector<16xf32>
      %swap3A_231 = arith.constant 0 : index
      %swap3A_232 = tpu.vector_load %arg10[%swap3A_231] {strides = array<i32>} : memref<64xf32, #tpu.memory_space<vmem>>, vector<16xf32>,
      tpu.vector_store %arg10[%swap3A_231], %add3A_230 {strides = array<i32>} : memref<64xf32, #tpu.memory_space<vmem>>, vector<16xf32>,
      %broadcast_in_dim3A_233 = arith.constant 0.000000e+00 : f32
      %broadcast_in_dim3A_234 = vector.broadcast %broadcast_in_dim3A_233 : f32 to vector<16xf32>
      %scan3A_235 = arith.constant 0 : i32
      %scan3A_236 = arith.constant 25 : i32
      %scan3A_237 = arith.addi %scan3A_235, %scan3A_236 : i32
      %scan3A_238 = arith.constant 1 : i32
      %scan3A_239:4 = scf.for %scan3A_302 = %scan3A_235 to %scan3A_237 step %scan3A_238 iter_args(%scan3A_303 = %broadcast_in_dim3A_234, %scan3A_304 = %broadcast_in_dim3A_234, %scan3A_305 = %broadcast_in_dim3A_234, %scan3A_306 = %broadcast_in_dim3A_234) -> (vector<16xf32>, vector<16xf32>, vector<16xf32>, vector<16xf32>)  : i32 {
        %mul3A_307 = arith.constant 8 : i32
        %mul3A_308 = arith.muli %scan3A_302, %mul3A_307 : i32
        %add3A_309 = arith.constant 1000 : i32
        %add3A_310 = arith.addi %add3A_309, %mul3A_308 : i32
        %get3A_311 = arith.index_cast %rem3A_148 : i32 to index
        %get3A_312 = arith.index_cast %add3A_310 : i32 to index
        %get3A_313 = arith.constant 0 : index
        %get3A_314 = tpu.vector_load %arg7[%get3A_311, %get3A_312, %get3A_313] {strides = array<i32>} : memref<3x1600x16xf32, #tpu.memory_space<vmem>>, vector<16xf32>,
        %add3A_315 = arith.addf %scan3A_303, %get3A_314 : vector<16xf32>
        %add3A_316 = arith.constant 1 : i32
        %add3A_317 = arith.addi %add3A_310, %add3A_316 : i32
        %get3A_318 = arith.index_cast %rem3A_148 : i32 to index
        %get3A_319 = arith.index_cast %add3A_317 : i32 to index
        %get3A_320 = arith.constant 0 : index
        %get3A_321 = tpu.vector_load %arg7[%get3A_318, %get3A_319, %get3A_320] {strides = array<i32>} : memref<3x1600x16xf32, #tpu.memory_space<vmem>>, vector<16xf32>,
        %add3A_322 = arith.addf %scan3A_304, %get3A_321 : vector<16xf32>
        %add3A_323 = arith.constant 2 : i32
        %add3A_324 = arith.addi %add3A_310, %add3A_323 : i32
        %get3A_325 = arith.index_cast %rem3A_148 : i32 to index
        %get3A_326 = arith.index_cast %add3A_324 : i32 to index
        %get3A_327 = arith.constant 0 : index
        %get3A_328 = tpu.vector_load %arg7[%get3A_325, %get3A_326, %get3A_327] {strides = array<i32>} : memref<3x1600x16xf32, #tpu.memory_space<vmem>>, vector<16xf32>,
        %add3A_329 = arith.addf %scan3A_305, %get3A_328 : vector<16xf32>
        %add3A_330 = arith.constant 3 : i32
        %add3A_331 = arith.addi %add3A_310, %add3A_330 : i32
        %get3A_332 = arith.index_cast %rem3A_148 : i32 to index
        %get3A_333 = arith.index_cast %add3A_331 : i32 to index
        %get3A_334 = arith.constant 0 : index
        %get3A_335 = tpu.vector_load %arg7[%get3A_332, %get3A_333, %get3A_334] {strides = array<i32>} : memref<3x1600x16xf32, #tpu.memory_space<vmem>>, vector<16xf32>,
        %add3A_336 = arith.addf %scan3A_306, %get3A_335 : vector<16xf32>
        %add3A_337 = arith.constant 4 : i32
        %add3A_338 = arith.addi %add3A_310, %add3A_337 : i32
        %get3A_339 = arith.index_cast %rem3A_148 : i32 to index
        %get3A_340 = arith.index_cast %add3A_338 : i32 to index
        %get3A_341 = arith.constant 0 : index
        %get3A_342 = tpu.vector_load %arg7[%get3A_339, %get3A_340, %get3A_341] {strides = array<i32>} : memref<3x1600x16xf32, #tpu.memory_space<vmem>>, vector<16xf32>,
        %add3A_343 = arith.addf %add3A_315, %get3A_342 : vector<16xf32>
        %add3A_344 = arith.constant 5 : i32
        %add3A_345 = arith.addi %add3A_310, %add3A_344 : i32
        %get3A_346 = arith.index_cast %rem3A_148 : i32 to index
        %get3A_347 = arith.index_cast %add3A_345 : i32 to index
        %get3A_348 = arith.constant 0 : index
        %get3A_349 = tpu.vector_load %arg7[%get3A_346, %get3A_347, %get3A_348] {strides = array<i32>} : memref<3x1600x16xf32, #tpu.memory_space<vmem>>, vector<16xf32>,
        %add3A_350 = arith.addf %add3A_322, %get3A_349 : vector<16xf32>
        %add3A_351 = arith.constant 6 : i32
        %add3A_352 = arith.addi %add3A_310, %add3A_351 : i32
        %get3A_353 = arith.index_cast %rem3A_148 : i32 to index
        %get3A_354 = arith.index_cast %add3A_352 : i32 to index
        %get3A_355 = arith.constant 0 : index
        %get3A_356 = tpu.vector_load %arg7[%get3A_353, %get3A_354, %get3A_355] {strides = array<i32>} : memref<3x1600x16xf32, #tpu.memory_space<vmem>>, vector<16xf32>,
        %add3A_357 = arith.addf %add3A_329, %get3A_356 : vector<16xf32>
        %add3A_358 = arith.constant 7 : i32
        %add3A_359 = arith.addi %add3A_310, %add3A_358 : i32
        %get3A_360 = arith.index_cast %rem3A_148 : i32 to index
        %get3A_361 = arith.index_cast %add3A_359 : i32 to index
        %get3A_362 = arith.constant 0 : index
        %get3A_363 = tpu.vector_load %arg7[%get3A_360, %get3A_361, %get3A_362] {strides = array<i32>} : memref<3x1600x16xf32, #tpu.memory_space<vmem>>, vector<16xf32>,
        %add3A_364 = arith.addf %add3A_336, %get3A_363 : vector<16xf32>
        scf.yield %add3A_343, %add3A_350, %add3A_357, %add3A_364 : vector<16xf32>, vector<16xf32>, vector<16xf32>, vector<16xf32>
      }
      %scan3A_240 = arith.constant 25 : i32
      %add3A_241 = arith.addf %scan3A_239#0, %scan3A_239#1 : vector<16xf32>
      %add3A_242 = arith.addf %scan3A_239#2, %scan3A_239#3 : vector<16xf32>
      %add3A_243 = arith.addf %add3A_241, %add3A_242 : vector<16xf32>
      %swap3A_244 = arith.constant 16 : index
      %swap3A_245 = tpu.vector_load %arg10[%swap3A_244] {strides = array<i32>} : memref<64xf32, #tpu.memory_space<vmem>>, vector<16xf32>,
      tpu.vector_store %arg10[%swap3A_244], %add3A_243 {strides = array<i32>} : memref<64xf32, #tpu.memory_space<vmem>>, vector<16xf32>,
      %broadcast_in_dim3A_246 = arith.constant 0.000000e+00 : f32
      %broadcast_in_dim3A_247 = vector.broadcast %broadcast_in_dim3A_246 : f32 to vector<16xf32>
      %scan3A_248 = arith.constant 0 : i32
      %scan3A_249 = arith.constant 25 : i32
      %scan3A_250 = arith.addi %scan3A_248, %scan3A_249 : i32
      %scan3A_251 = arith.constant 1 : i32
      %scan3A_252:4 = scf.for %scan3A_302 = %scan3A_248 to %scan3A_250 step %scan3A_251 iter_args(%scan3A_303 = %broadcast_in_dim3A_247, %scan3A_304 = %broadcast_in_dim3A_247, %scan3A_305 = %broadcast_in_dim3A_247, %scan3A_306 = %broadcast_in_dim3A_247) -> (vector<16xf32>, vector<16xf32>, vector<16xf32>, vector<16xf32>)  : i32 {
        %mul3A_307 = arith.constant 8 : i32
        %mul3A_308 = arith.muli %scan3A_302, %mul3A_307 : i32
        %add3A_309 = arith.constant 1200 : i32
        %add3A_310 = arith.addi %add3A_309, %mul3A_308 : i32
        %get3A_311 = arith.index_cast %rem3A_148 : i32 to index
        %get3A_312 = arith.index_cast %add3A_310 : i32 to index
        %get3A_313 = arith.constant 0 : index
        %get3A_314 = tpu.vector_load %arg7[%get3A_311, %get3A_312, %get3A_313] {strides = array<i32>} : memref<3x1600x16xf32, #tpu.memory_space<vmem>>, vector<16xf32>,
        %add3A_315 = arith.addf %scan3A_303, %get3A_314 : vector<16xf32>
        %add3A_316 = arith.constant 1 : i32
        %add3A_317 = arith.addi %add3A_310, %add3A_316 : i32
        %get3A_318 = arith.index_cast %rem3A_148 : i32 to index
        %get3A_319 = arith.index_cast %add3A_317 : i32 to index
        %get3A_320 = arith.constant 0 : index
        %get3A_321 = tpu.vector_load %arg7[%get3A_318, %get3A_319, %get3A_320] {strides = array<i32>} : memref<3x1600x16xf32, #tpu.memory_space<vmem>>, vector<16xf32>,
        %add3A_322 = arith.addf %scan3A_304, %get3A_321 : vector<16xf32>
        %add3A_323 = arith.constant 2 : i32
        %add3A_324 = arith.addi %add3A_310, %add3A_323 : i32
        %get3A_325 = arith.index_cast %rem3A_148 : i32 to index
        %get3A_326 = arith.index_cast %add3A_324 : i32 to index
        %get3A_327 = arith.constant 0 : index
        %get3A_328 = tpu.vector_load %arg7[%get3A_325, %get3A_326, %get3A_327] {strides = array<i32>} : memref<3x1600x16xf32, #tpu.memory_space<vmem>>, vector<16xf32>,
        %add3A_329 = arith.addf %scan3A_305, %get3A_328 : vector<16xf32>
        %add3A_330 = arith.constant 3 : i32
        %add3A_331 = arith.addi %add3A_310, %add3A_330 : i32
        %get3A_332 = arith.index_cast %rem3A_148 : i32 to index
        %get3A_333 = arith.index_cast %add3A_331 : i32 to index
        %get3A_334 = arith.constant 0 : index
        %get3A_335 = tpu.vector_load %arg7[%get3A_332, %get3A_333, %get3A_334] {strides = array<i32>} : memref<3x1600x16xf32, #tpu.memory_space<vmem>>, vector<16xf32>,
        %add3A_336 = arith.addf %scan3A_306, %get3A_335 : vector<16xf32>
        %add3A_337 = arith.constant 4 : i32
        %add3A_338 = arith.addi %add3A_310, %add3A_337 : i32
        %get3A_339 = arith.index_cast %rem3A_148 : i32 to index
        %get3A_340 = arith.index_cast %add3A_338 : i32 to index
        %get3A_341 = arith.constant 0 : index
        %get3A_342 = tpu.vector_load %arg7[%get3A_339, %get3A_340, %get3A_341] {strides = array<i32>} : memref<3x1600x16xf32, #tpu.memory_space<vmem>>, vector<16xf32>,
        %add3A_343 = arith.addf %add3A_315, %get3A_342 : vector<16xf32>
        %add3A_344 = arith.constant 5 : i32
        %add3A_345 = arith.addi %add3A_310, %add3A_344 : i32
        %get3A_346 = arith.index_cast %rem3A_148 : i32 to index
        %get3A_347 = arith.index_cast %add3A_345 : i32 to index
        %get3A_348 = arith.constant 0 : index
        %get3A_349 = tpu.vector_load %arg7[%get3A_346, %get3A_347, %get3A_348] {strides = array<i32>} : memref<3x1600x16xf32, #tpu.memory_space<vmem>>, vector<16xf32>,
        %add3A_350 = arith.addf %add3A_322, %get3A_349 : vector<16xf32>
        %add3A_351 = arith.constant 6 : i32
        %add3A_352 = arith.addi %add3A_310, %add3A_351 : i32
        %get3A_353 = arith.index_cast %rem3A_148 : i32 to index
        %get3A_354 = arith.index_cast %add3A_352 : i32 to index
        %get3A_355 = arith.constant 0 : index
        %get3A_356 = tpu.vector_load %arg7[%get3A_353, %get3A_354, %get3A_355] {strides = array<i32>} : memref<3x1600x16xf32, #tpu.memory_space<vmem>>, vector<16xf32>,
        %add3A_357 = arith.addf %add3A_329, %get3A_356 : vector<16xf32>
        %add3A_358 = arith.constant 7 : i32
        %add3A_359 = arith.addi %add3A_310, %add3A_358 : i32
        %get3A_360 = arith.index_cast %rem3A_148 : i32 to index
        %get3A_361 = arith.index_cast %add3A_359 : i32 to index
        %get3A_362 = arith.constant 0 : index
        %get3A_363 = tpu.vector_load %arg7[%get3A_360, %get3A_361, %get3A_362] {strides = array<i32>} : memref<3x1600x16xf32, #tpu.memory_space<vmem>>, vector<16xf32>,
        %add3A_364 = arith.addf %add3A_336, %get3A_363 : vector<16xf32>
        scf.yield %add3A_343, %add3A_350, %add3A_357, %add3A_364 : vector<16xf32>, vector<16xf32>, vector<16xf32>, vector<16xf32>
      }
      %scan3A_253 = arith.constant 25 : i32
      %add3A_254 = arith.addf %scan3A_252#0, %scan3A_252#1 : vector<16xf32>
      %add3A_255 = arith.addf %scan3A_252#2, %scan3A_252#3 : vector<16xf32>
      %add3A_256 = arith.addf %add3A_254, %add3A_255 : vector<16xf32>
      %swap3A_257 = arith.constant 32 : index
      %swap3A_258 = tpu.vector_load %arg10[%swap3A_257] {strides = array<i32>} : memref<64xf32, #tpu.memory_space<vmem>>, vector<16xf32>,
      tpu.vector_store %arg10[%swap3A_257], %add3A_256 {strides = array<i32>} : memref<64xf32, #tpu.memory_space<vmem>>, vector<16xf32>,
      %broadcast_in_dim3A_259 = arith.constant 0.000000e+00 : f32
      %broadcast_in_dim3A_260 = vector.broadcast %broadcast_in_dim3A_259 : f32 to vector<16xf32>
      %scan3A_261 = arith.constant 0 : i32
      %scan3A_262 = arith.constant 25 : i32
      %scan3A_263 = arith.addi %scan3A_261, %scan3A_262 : i32
      %scan3A_264 = arith.constant 1 : i32
      %scan3A_265:4 = scf.for %scan3A_302 = %scan3A_261 to %scan3A_263 step %scan3A_264 iter_args(%scan3A_303 = %broadcast_in_dim3A_260, %scan3A_304 = %broadcast_in_dim3A_260, %scan3A_305 = %broadcast_in_dim3A_260, %scan3A_306 = %broadcast_in_dim3A_260) -> (vector<16xf32>, vector<16xf32>, vector<16xf32>, vector<16xf32>)  : i32 {
        %mul3A_307 = arith.constant 8 : i32
        %mul3A_308 = arith.muli %scan3A_302, %mul3A_307 : i32
        %add3A_309 = arith.constant 1400 : i32
        %add3A_310 = arith.addi %add3A_309, %mul3A_308 : i32
        %get3A_311 = arith.index_cast %rem3A_148 : i32 to index
        %get3A_312 = arith.index_cast %add3A_310 : i32 to index
        %get3A_313 = arith.constant 0 : index
        %get3A_314 = tpu.vector_load %arg7[%get3A_311, %get3A_312, %get3A_313] {strides = array<i32>} : memref<3x1600x16xf32, #tpu.memory_space<vmem>>, vector<16xf32>,
        %add3A_315 = arith.addf %scan3A_303, %get3A_314 : vector<16xf32>
        %add3A_316 = arith.constant 1 : i32
        %add3A_317 = arith.addi %add3A_310, %add3A_316 : i32
        %get3A_318 = arith.index_cast %rem3A_148 : i32 to index
        %get3A_319 = arith.index_cast %add3A_317 : i32 to index
        %get3A_320 = arith.constant 0 : index
        %get3A_321 = tpu.vector_load %arg7[%get3A_318, %get3A_319, %get3A_320] {strides = array<i32>} : memref<3x1600x16xf32, #tpu.memory_space<vmem>>, vector<16xf32>,
        %add3A_322 = arith.addf %scan3A_304, %get3A_321 : vector<16xf32>
        %add3A_323 = arith.constant 2 : i32
        %add3A_324 = arith.addi %add3A_310, %add3A_323 : i32
        %get3A_325 = arith.index_cast %rem3A_148 : i32 to index
        %get3A_326 = arith.index_cast %add3A_324 : i32 to index
        %get3A_327 = arith.constant 0 : index
        %get3A_328 = tpu.vector_load %arg7[%get3A_325, %get3A_326, %get3A_327] {strides = array<i32>} : memref<3x1600x16xf32, #tpu.memory_space<vmem>>, vector<16xf32>,
        %add3A_329 = arith.addf %scan3A_305, %get3A_328 : vector<16xf32>
        %add3A_330 = arith.constant 3 : i32
        %add3A_331 = arith.addi %add3A_310, %add3A_330 : i32
        %get3A_332 = arith.index_cast %rem3A_148 : i32 to index
        %get3A_333 = arith.index_cast %add3A_331 : i32 to index
        %get3A_334 = arith.constant 0 : index
        %get3A_335 = tpu.vector_load %arg7[%get3A_332, %get3A_333, %get3A_334] {strides = array<i32>} : memref<3x1600x16xf32, #tpu.memory_space<vmem>>, vector<16xf32>,
        %add3A_336 = arith.addf %scan3A_306, %get3A_335 : vector<16xf32>
        %add3A_337 = arith.constant 4 : i32
        %add3A_338 = arith.addi %add3A_310, %add3A_337 : i32
        %get3A_339 = arith.index_cast %rem3A_148 : i32 to index
        %get3A_340 = arith.index_cast %add3A_338 : i32 to index
        %get3A_341 = arith.constant 0 : index
        %get3A_342 = tpu.vector_load %arg7[%get3A_339, %get3A_340, %get3A_341] {strides = array<i32>} : memref<3x1600x16xf32, #tpu.memory_space<vmem>>, vector<16xf32>,
        %add3A_343 = arith.addf %add3A_315, %get3A_342 : vector<16xf32>
        %add3A_344 = arith.constant 5 : i32
        %add3A_345 = arith.addi %add3A_310, %add3A_344 : i32
        %get3A_346 = arith.index_cast %rem3A_148 : i32 to index
        %get3A_347 = arith.index_cast %add3A_345 : i32 to index
        %get3A_348 = arith.constant 0 : index
        %get3A_349 = tpu.vector_load %arg7[%get3A_346, %get3A_347, %get3A_348] {strides = array<i32>} : memref<3x1600x16xf32, #tpu.memory_space<vmem>>, vector<16xf32>,
        %add3A_350 = arith.addf %add3A_322, %get3A_349 : vector<16xf32>
        %add3A_351 = arith.constant 6 : i32
        %add3A_352 = arith.addi %add3A_310, %add3A_351 : i32
        %get3A_353 = arith.index_cast %rem3A_148 : i32 to index
        %get3A_354 = arith.index_cast %add3A_352 : i32 to index
        %get3A_355 = arith.constant 0 : index
        %get3A_356 = tpu.vector_load %arg7[%get3A_353, %get3A_354, %get3A_355] {strides = array<i32>} : memref<3x1600x16xf32, #tpu.memory_space<vmem>>, vector<16xf32>,
        %add3A_357 = arith.addf %add3A_329, %get3A_356 : vector<16xf32>
        %add3A_358 = arith.constant 7 : i32
        %add3A_359 = arith.addi %add3A_310, %add3A_358 : i32
        %get3A_360 = arith.index_cast %rem3A_148 : i32 to index
        %get3A_361 = arith.index_cast %add3A_359 : i32 to index
        %get3A_362 = arith.constant 0 : index
        %get3A_363 = tpu.vector_load %arg7[%get3A_360, %get3A_361, %get3A_362] {strides = array<i32>} : memref<3x1600x16xf32, #tpu.memory_space<vmem>>, vector<16xf32>,
        %add3A_364 = arith.addf %add3A_336, %get3A_363 : vector<16xf32>
        scf.yield %add3A_343, %add3A_350, %add3A_357, %add3A_364 : vector<16xf32>, vector<16xf32>, vector<16xf32>, vector<16xf32>
      }
      %scan3A_266 = arith.constant 25 : i32
      %add3A_267 = arith.addf %scan3A_265#0, %scan3A_265#1 : vector<16xf32>
      %add3A_268 = arith.addf %scan3A_265#2, %scan3A_265#3 : vector<16xf32>
      %add3A_269 = arith.addf %add3A_267, %add3A_268 : vector<16xf32>
      %swap3A_270 = arith.constant 48 : index
      %swap3A_271 = tpu.vector_load %arg10[%swap3A_270] {strides = array<i32>} : memref<64xf32, #tpu.memory_space<vmem>>, vector<16xf32>,
      tpu.vector_store %arg10[%swap3A_270], %add3A_269 {strides = array<i32>} : memref<64xf32, #tpu.memory_space<vmem>>, vector<16xf32>,
      %gather3A_272 = tpu.vector_load_idx %arg10[%add3A_50] : memref<64xf32, #tpu.memory_space<vmem>>[vector<16xi32>], vector<16xf32>,
      %mul3A_273 = vector.broadcast %scan3A_100 : f32 to vector<16xf32>
      %mul3A_274 = arith.mulf %gather3A_272, %mul3A_273 : vector<16xf32>
      %add3A_275 = arith.addf %mul3A_274, %get3A_3 : vector<16xf32>
      %mul3A_276 = arith.constant 8 : i32
      %mul3A_277 = arith.muli %scan3A_146, %mul3A_276 : i32
      %add3A_278 = arith.constant 4 : i32
      %add3A_279 = arith.addi %mul3A_277, %add3A_278 : i32
      %mul3A_280 = arith.constant 4 : i32
      %mul3A_281 = arith.muli %add3A_279, %mul3A_280 : i32
      %swap3A_282 = arith.index_cast %mul3A_281 : i32 to index
      %swap3A_283 = tpu.vector_load %arg8[%swap3A_282] {strides = array<i32>} : memref<2048xf32, #tpu.memory_space<vmem>>, vector<16xf32>,
      tpu.vector_store %arg8[%swap3A_282], %add3A_275 {strides = array<i32>} : memref<2048xf32, #tpu.memory_space<vmem>>, vector<16xf32>,
      %add3A_284 = arith.constant 3 : i32
      %add3A_285 = arith.addi %scan3A_146, %add3A_284 : i32
      %min3A = arith.constant 63 : i32
      %min3A_286 = arith.minsi %add3A_285, %min3A : i32
      %mul3A_287 = arith.constant 8 : i32
      %mul3A_288 = arith.muli %min3A_286, %mul3A_287 : i32
      %add3A_289 = arith.addi %mul3A_2, %mul3A_288 : i32
      %mul3A_290 = arith.constant 200 : i32
      %mul3A_291 = arith.muli %add3A_289, %mul3A_290 : i32
      "tpu.region"() ({
        %run_scoped3A_302 = tpu.sem_alloc : memref<!tpu.dma_semaphore, #tpu.memory_space<semaphore_mem>>
        %dma_start3A_303 = arith.constant 0 : i32
        %dma_start3A_304 = tpu.memref_slice %arg6[%rem3A_148, %dma_start3A_303] : memref<3x1600xi32, #tpu.memory_space<vmem>> -> memref<1x1600xi32, #tpu.memory_space<vmem>>
        %dma_start3A_305 = tpu.memref_squeeze %dma_start3A_304 : memref<1x1600xi32, #tpu.memory_space<vmem>> -> memref<1600xi32, #tpu.memory_space<vmem>>
        %dma_start3A_306 = tpu.memref_slice %arg2[%mul3A_291] : memref<3276800xi32, #tpu.memory_space<hbm>> -> memref<1600xi32, #tpu.memory_space<hbm>>
        %dma_start3A_307 = arith.constant 0 : i32
        %dma_start3A_308 = tpu.memref_slice %arg6[%rem3A_148, %dma_start3A_307] : memref<3x1600xi32, #tpu.memory_space<vmem>> -> memref<1x1600xi32, #tpu.memory_space<vmem>>
        %dma_start3A_309 = tpu.memref_squeeze %dma_start3A_308 : memref<1x1600xi32, #tpu.memory_space<vmem>> -> memref<1600xi32, #tpu.memory_space<vmem>>
        %dma_start3A_310 = tpu.memref_slice %arg2[%mul3A_291] : memref<3276800xi32, #tpu.memory_space<hbm>> -> memref<1600xi32, #tpu.memory_space<hbm>>
        tpu.enqueue_dma source(%dma_start3A_310 : memref<1600xi32, #tpu.memory_space<hbm>>) target(%dma_start3A_309 : memref<1600xi32, #tpu.memory_space<vmem>>) target_semaphore(%run_scoped3A_302 : memref<!tpu.dma_semaphore, #tpu.memory_space<semaphore_mem>>)
        %dma_wait3A_311 = arith.constant 0 : i32
        %dma_wait3A_312 = tpu.memref_slice %arg6[%rem3A_148, %dma_wait3A_311] : memref<3x1600xi32, #tpu.memory_space<vmem>> -> memref<1x1600xi32, #tpu.memory_space<vmem>>
        %dma_wait3A_313 = tpu.memref_squeeze %dma_wait3A_312 : memref<1x1600xi32, #tpu.memory_space<vmem>> -> memref<1600xi32, #tpu.memory_space<vmem>>
        %dma_wait3A_314 = tpu.memref_slice %arg2[%mul3A_291] : memref<3276800xi32, #tpu.memory_space<hbm>> -> memref<1600xi32, #tpu.memory_space<hbm>>
        %dma_wait3A_315 = arith.constant 0 : i32
        %dma_wait3A_316 = tpu.memref_slice %arg6[%rem3A_148, %dma_wait3A_315] : memref<3x1600xi32, #tpu.memory_space<vmem>> -> memref<1x1600xi32, #tpu.memory_space<vmem>>
        %dma_wait3A_317 = tpu.memref_squeeze %dma_wait3A_316 : memref<1x1600xi32, #tpu.memory_space<vmem>> -> memref<1600xi32, #tpu.memory_space<vmem>>
        %dma_wait3A_318 = tpu.memref_slice %arg2[%mul3A_291] : memref<3276800xi32, #tpu.memory_space<hbm>> -> memref<1600xi32, #tpu.memory_space<hbm>>
        tpu.wait_dma2 semaphore(%run_scoped3A_302 : memref<!tpu.dma_semaphore, #tpu.memory_space<semaphore_mem>>) src(%dma_wait3A_318 : memref<1600xi32, #tpu.memory_space<hbm>>) dst(%dma_wait3A_317 : memref<1600xi32, #tpu.memory_space<vmem>>)
        tpu.yield
      }) : () -> ()
      %dma_start3A_292 = arith.constant 0 : i32
      %dma_start3A_293 = arith.constant 0 : i32
      %dma_start3A_294 = tpu.memref_slice %arg7[%rem3A_148, %dma_start3A_292, %dma_start3A_293] : memref<3x1600x16xf32, #tpu.memory_space<vmem>> -> memref<1x1600x16xf32, #tpu.memory_space<vmem>>
      %dma_start3A_295 = tpu.memref_squeeze %dma_start3A_294 : memref<1x1600x16xf32, #tpu.memory_space<vmem>> -> memref<1600x16xf32, #tpu.memory_space<vmem>>
      %dma_start3A_296 = arith.constant 0 : i32
      %dma_start3A_297 = tpu.memref_slice %arg6[%rem3A_148, %dma_start3A_296] : memref<3x1600xi32, #tpu.memory_space<vmem>> -> memref<1x1600xi32, #tpu.memory_space<vmem>>
      %dma_start3A_298 = tpu.memref_squeeze %dma_start3A_297 : memref<1x1600xi32, #tpu.memory_space<vmem>> -> memref<1600xi32, #tpu.memory_space<vmem>>
      %dma_start3A_299 = arith.constant 0 : i32
      %dma_start3A_300 = arith.constant 0 : i32
      %dma_start3A_301 = tpu.memref_slice %arg3[%dma_start3A_299, %dma_start3A_300] : memref<1015808x16xf32, #tpu.memory_space<hbm>> -> memref<1015808x16xf32, #tpu.memory_space<hbm>>
      tpu.enqueue_indirect_dma source(%dma_start3A_301 : memref<1015808x16xf32, #tpu.memory_space<hbm>>) target(%dma_start3A_295 : memref<1600x16xf32, #tpu.memory_space<vmem>>) offsets(%dma_start3A_298 : memref<1600xi32, #tpu.memory_space<vmem>>) semaphore(%arg11 : memref<!tpu.dma_semaphore, #tpu.memory_space<semaphore_mem>>)
    }
    %scan3A_105 = arith.constant 64 : i32
    %rem3A_106 = arith.constant 64 : i32
    %rem3A_107 = arith.constant 3 : i32
    %rem3A_108 = arith.remsi %rem3A_106, %rem3A_107 : i32
    %dma_wait3A = arith.constant 0 : i32
    %dma_wait3A_109 = arith.constant 0 : i32
    %dma_wait3A_110 = tpu.memref_slice %arg7[%rem3A_108, %dma_wait3A, %dma_wait3A_109] : memref<3x1600x16xf32, #tpu.memory_space<vmem>> -> memref<1x1600x16xf32, #tpu.memory_space<vmem>>
    %dma_wait3A_111 = tpu.memref_squeeze %dma_wait3A_110 : memref<1x1600x16xf32, #tpu.memory_space<vmem>> -> memref<1600x16xf32, #tpu.memory_space<vmem>>
    %dma_wait3A_112 = arith.constant 0 : i32
    %dma_wait3A_113 = tpu.memref_slice %arg6[%rem3A_108, %dma_wait3A_112] : memref<3x1600xi32, #tpu.memory_space<vmem>> -> memref<1x1600xi32, #tpu.memory_space<vmem>>
    %dma_wait3A_114 = tpu.memref_squeeze %dma_wait3A_113 : memref<1x1600xi32, #tpu.memory_space<vmem>> -> memref<1600xi32, #tpu.memory_space<vmem>>
    %dma_wait3A_115 = arith.constant 0 : i32
    %dma_wait3A_116 = arith.constant 0 : i32
    %dma_wait3A_117 = tpu.memref_slice %arg3[%dma_wait3A_115, %dma_wait3A_116] : memref<1015808x16xf32, #tpu.memory_space<hbm>> -> memref<1015808x16xf32, #tpu.memory_space<hbm>>
    tpu.wait_indirect_dma semaphore(%arg11 : memref<!tpu.dma_semaphore, #tpu.memory_space<semaphore_mem>>) src(%dma_wait3A_117 : memref<1015808x16xf32, #tpu.memory_space<hbm>>) dst(%dma_wait3A_111 : memref<1600x16xf32, #tpu.memory_space<vmem>>)
    %rem3A_118 = arith.constant 65 : i32
    %rem3A_119 = arith.constant 3 : i32
    %rem3A_120 = arith.remsi %rem3A_118, %rem3A_119 : i32
    %dma_wait3A_121 = arith.constant 0 : i32
    %dma_wait3A_122 = arith.constant 0 : i32
    %dma_wait3A_123 = tpu.memref_slice %arg7[%rem3A_120, %dma_wait3A_121, %dma_wait3A_122] : memref<3x1600x16xf32, #tpu.memory_space<vmem>> -> memref<1x1600x16xf32, #tpu.memory_space<vmem>>
    %dma_wait3A_124 = tpu.memref_squeeze %dma_wait3A_123 : memref<1x1600x16xf32, #tpu.memory_space<vmem>> -> memref<1600x16xf32, #tpu.memory_space<vmem>>
    %dma_wait3A_125 = arith.constant 0 : i32
    %dma_wait3A_126 = tpu.memref_slice %arg6[%rem3A_120, %dma_wait3A_125] : memref<3x1600xi32, #tpu.memory_space<vmem>> -> memref<1x1600xi32, #tpu.memory_space<vmem>>
    %dma_wait3A_127 = tpu.memref_squeeze %dma_wait3A_126 : memref<1x1600xi32, #tpu.memory_space<vmem>> -> memref<1600xi32, #tpu.memory_space<vmem>>
    %dma_wait3A_128 = arith.constant 0 : i32
    %dma_wait3A_129 = arith.constant 0 : i32
    %dma_wait3A_130 = tpu.memref_slice %arg3[%dma_wait3A_128, %dma_wait3A_129] : memref<1015808x16xf32, #tpu.memory_space<hbm>> -> memref<1015808x16xf32, #tpu.memory_space<hbm>>
    tpu.wait_indirect_dma semaphore(%arg11 : memref<!tpu.dma_semaphore, #tpu.memory_space<semaphore_mem>>) src(%dma_wait3A_130 : memref<1015808x16xf32, #tpu.memory_space<hbm>>) dst(%dma_wait3A_124 : memref<1600x16xf32, #tpu.memory_space<vmem>>)
    %rem3A_131 = arith.constant 66 : i32
    %rem3A_132 = arith.constant 3 : i32
    %rem3A_133 = arith.remsi %rem3A_131, %rem3A_132 : i32
    %dma_wait3A_134 = arith.constant 0 : i32
    %dma_wait3A_135 = arith.constant 0 : i32
    %dma_wait3A_136 = tpu.memref_slice %arg7[%rem3A_133, %dma_wait3A_134, %dma_wait3A_135] : memref<3x1600x16xf32, #tpu.memory_space<vmem>> -> memref<1x1600x16xf32, #tpu.memory_space<vmem>>
    %dma_wait3A_137 = tpu.memref_squeeze %dma_wait3A_136 : memref<1x1600x16xf32, #tpu.memory_space<vmem>> -> memref<1600x16xf32, #tpu.memory_space<vmem>>
    %dma_wait3A_138 = arith.constant 0 : i32
    %dma_wait3A_139 = tpu.memref_slice %arg6[%rem3A_133, %dma_wait3A_138] : memref<3x1600xi32, #tpu.memory_space<vmem>> -> memref<1x1600xi32, #tpu.memory_space<vmem>>
    %dma_wait3A_140 = tpu.memref_squeeze %dma_wait3A_139 : memref<1x1600xi32, #tpu.memory_space<vmem>> -> memref<1600xi32, #tpu.memory_space<vmem>>
    %dma_wait3A_141 = arith.constant 0 : i32
    %dma_wait3A_142 = arith.constant 0 : i32
    %dma_wait3A_143 = tpu.memref_slice %arg3[%dma_wait3A_141, %dma_wait3A_142] : memref<1015808x16xf32, #tpu.memory_space<hbm>> -> memref<1015808x16xf32, #tpu.memory_space<hbm>>
    tpu.wait_indirect_dma semaphore(%arg11 : memref<!tpu.dma_semaphore, #tpu.memory_space<semaphore_mem>>) src(%dma_wait3A_143 : memref<1015808x16xf32, #tpu.memory_space<hbm>>) dst(%dma_wait3A_137 : memref<1600x16xf32, #tpu.memory_space<vmem>>)
    %mul3A_144 = arith.constant 4 : i32
    %mul3A_145 = arith.muli %mul3A_2, %mul3A_144 : i32
    "tpu.region"() ({
      %run_scoped3A_146 = tpu.sem_alloc : memref<!tpu.dma_semaphore, #tpu.memory_space<semaphore_mem>>
      %dma_start3A_147 = tpu.memref_slice %arg5[%mul3A_145] : memref<65536xf32, #tpu.memory_space<hbm>> -> memref<2048xf32, #tpu.memory_space<hbm>>
      %dma_start3A_148 = tpu.memref_slice %arg5[%mul3A_145] : memref<65536xf32, #tpu.memory_space<hbm>> -> memref<2048xf32, #tpu.memory_space<hbm>>
      tpu.enqueue_dma source(%arg8 : memref<2048xf32, #tpu.memory_space<vmem>>) target(%dma_start3A_148 : memref<2048xf32, #tpu.memory_space<hbm>>) target_semaphore(%run_scoped3A_146 : memref<!tpu.dma_semaphore, #tpu.memory_space<semaphore_mem>>)
      %dma_wait3A_149 = tpu.memref_slice %arg5[%mul3A_145] : memref<65536xf32, #tpu.memory_space<hbm>> -> memref<2048xf32, #tpu.memory_space<hbm>>
      %dma_wait3A_150 = tpu.memref_slice %arg5[%mul3A_145] : memref<65536xf32, #tpu.memory_space<hbm>> -> memref<2048xf32, #tpu.memory_space<hbm>>
      tpu.wait_dma2 semaphore(%run_scoped3A_146 : memref<!tpu.dma_semaphore, #tpu.memory_space<semaphore_mem>>) src(%arg8 : memref<2048xf32, #tpu.memory_space<vmem>>) dst(%dma_wait3A_150 : memref<2048xf32, #tpu.memory_space<hbm>>)
      tpu.yield
    }) : () -> ()
    return
  }
}

module attributes {stable_mosaic.version = 14 : i64} {
  func.func @_proj_body(%arg0: i32, %arg1: memref<64x32768xf32, #tpu.memory_space<vmem>>, %arg2: memref<64x8xf32, #tpu.memory_space<vmem>>, %arg3: memref<8x256x128xf32, #tpu.memory_space<vmem>>) attributes {dimension_semantics = [#tpu.dimension_semantics<arbitrary>], iteration_bounds = array<i64: 31>, scalar_prefetch = 0 : i64, scratch_operands = 0 : i64, tpu.core_type = #tpu.core_type<tc>, window_params = [{transform_indices = @transform_0, window_bounds = array<i64: 64, 32768>}, {pipeline_mode = #tpu.pipeline_mode<synchronous>, transform_indices = @transform_1, window_bounds = array<i64: 64, 8>}, {transform_indices = @transform_2, window_bounds = array<i64: 8, 256, 128>}]} {
    %get3A = arith.constant 0 : index
    %get3A_0 = arith.constant 0 : index
    %get3A_1 = vector.load %arg2[%get3A, %get3A_0] : memref<64x8xf32, #tpu.memory_space<vmem>>, vector<64x8xf32>
    %get3A_2 = arith.constant 0 : index
    %get3A_3 = arith.constant 0 : index
    %get3A_4 = vector.load %arg1[%get3A_2, %get3A_3] : memref<64x32768xf32, #tpu.memory_space<vmem>>, vector<64x32768xf32>
    %dot_general3A = arith.constant dense<0.000000e+00> : vector<8x32768xf32>
    %dot_general3A_5 = tpu.matmul %get3A_1, %get3A_4, %dot_general3A {dimension_numbers = #tpu.dot_dimension_numbers<[0], [0], [1], [1], [0, 1, 1, 1], [], []>, transpose_lhs_hint = false} : vector<64x8xf32>, vector<64x32768xf32>, vector<8x32768xf32> -> vector<8x32768xf32>
    %reshape3A = vector.shape_cast %dot_general3A_5 : vector<8x32768xf32> to vector<8x256x128xf32>
    %swap3A = arith.constant 0 : index
    %swap3A_6 = arith.constant 0 : index
    %swap3A_7 = arith.constant 0 : index
    %swap3A_8 = vector.load %arg3[%swap3A, %swap3A_6, %swap3A_7] : memref<8x256x128xf32, #tpu.memory_space<vmem>>, vector<8x256x128xf32>
    tpu.vector_store %arg3[%swap3A, %swap3A_6, %swap3A_7], %reshape3A {strides = array<i32>} : memref<8x256x128xf32, #tpu.memory_space<vmem>>, vector<8x256x128xf32>,
    return
  }
  func.func @transform_0(%arg0: i32) -> (i32, i32) {
    %c0_i32 = arith.constant 0 : i32
    %c0_i32_0 = arith.constant 0 : i32
    return %c0_i32, %arg0 : i32, i32
  }
  func.func @transform_1(%arg0: i32) -> (i32, i32) {
    %c0_i32 = arith.constant 0 : i32
    %c0_i32_0 = arith.constant 0 : i32
    %c0_i32_1 = arith.constant 0 : i32
    return %c0_i32, %c0_i32_0 : i32, i32
  }
  func.func @transform_2(%arg0: i32) -> (i32, i32, i32) {
    %c0_i32 = arith.constant 0 : i32
    %c0_i32_0 = arith.constant 0 : i32
    %c0_i32_1 = arith.constant 0 : i32
    return %c0_i32, %arg0, %c0_i32_0 : i32, i32, i32
  }
}

</mosaic_0001>

<sc_bundles>
// kernel: kernel.5.cloned.1.call-start
scs
__scs_entry_jumppad:
0x0: {  	(pc) =	sbr.rel $0x88, $3  }
0x1: {  	(tag) =	ssettag $0x0;
	lr =	simm.s32 $0x1  }
0x2: {  	[smem:$0x3F9D] =	sst lr;
	_ =	strace $0xD0000000  }
0x3: {  	_ = 	snop  }
0x4: {  	_ = 	snop  }
0x5: {  	_ = 	snop  }
0x6: {  	_ = 	snop  }
0x7: {  	_ = 	snop  }
__scs_overlays_trampoline_lowered:
0x8: {  	[smem:$0x3FAC] =	sst s0  }
0x9: {  	[smem:$0x3FAD] =	sst s1  }
0xa: {  	[smem:$0x3FAE] =	sst s2  }
0xb: {  	[smem:$0x3FAF] =	sst s3  }
0xc: {  	[smem:$0x3FB0] =	sst s4  }
0xd: {  	[smem:$0x3FB1] =	sst s5  }
0xe: {  	[smem:$0x3FB2] =	sst s6  }
0xf: {  	[smem:$0x3FB3] =	sst s7  }
0x10: {  	[smem:$0x3FB4] =	sst s8  }
0x11: {  	[smem:$0x3FB5] =	sst s9;
	s0 =	simm.s32 @!p0 $0x0  }
0x12: {  	s1 =	sld [smem:$0x3F9B];
	s0 =	simm.s32 @p0 $0x1  }
0x13: {  	[smem:$0x3FB6] =	sst s0;
	s0 =	simm.s32 @!p1 $0x0  }
0x14: {  	s2 =	sld [smem:$0x3F9A];
	s0 =	simm.s32 @p1 $0x1  }
0x15: {  	[smem:$0x3FB7] =	sst s0;
	s0 =	simm.s32 @!p2 $0x0  }
0x16: {  	s3 =	sld [smem:$0x3FDB];
	s0 =	simm.s32 @p2 $0x1  }
0x17: {  	s4 =	simm.s32 $0x1BF5;
	[smem:$0x3FB9] =	sst s0  }
0x18: {  	s0 =	sld [smem:$0x3F9C];
	_ =	swait.ge [sflag:s4], $0x0  }
0x19: {  	s7 =	sld [smem:$0x3F9D]  }
0x1a: {  	s8 =	sadd.s32 $0xFFFFE003, lr  }
0x1b: {  	s9 =	sadd.s32 $0xFFFFFEF7, lr;
	s5 =	simm.s32 $0xFFFFFFFF;
	p2 =	slt.u32 s8, $0xFFFFF086  }
0x1c: {  	p1 =	slt.u32 s9, $0xF7A;
	s5 =	simm.s32 @!p2 $0x0  }
0x1d: {  	s5 =	simm.s32 @p1 $0x1;
	p0 =	seq.s32 s7, s2  }
0x1e: {  	s7 =	smul.u32 @!p0 $0xF7A, s2;
	p2 =	seq.s32 @!p0 s5, $0x0  }
0x1f: {  	s9 =	smul.u32 $0xF7A, s1;
	s8 =	simm.s32 @!p0 $0x1BF5;
	p2 =	por !p2, p0  }
0x20: {  	[sflag:s8] =	ssyncset.s32 @!p0 $0xFFFFF086;
	s6 =	sadd.s32 @!p0 s3, s7;
	s7 =	simm.s32 @!p0 $0x108  }
0x21: {  	s3 =	sadd.s32 s3, s9;
	s6 =	sadd.s32 @!p0 $0x88, s6;
	s7 =	simm.s32 @p2 $0x1082  }
0x22: {  	[simem:s7], [sflag:s8] =	dma.local @!p0 [hbm:s6], $0xF7A  }
0x23: {  	s9 =	sor.u32 $0xD0000000, s2;
	s6 =	simm.s32 $0x108;
	_ =	swait.ge @!p0 [sflag:s8], $0x0  }
0x24: {  	s3 =	sadd.s32 $0x88, s3;
	s6 =	simm.s32 @!p1 $0x1082;
	[sflag:s4] =	ssyncset.s32 $0xFFFFF086  }
0x25: {  	[simem:s6], [sflag:s4] =	dma.local [hbm:s3], $0xF7A  }
0x26: {  	[smem:$0x3F9D] =	sst s1;
	(tag) =	ssettag s2;
	_ =	strace s9  }
0x27: {  	s1 =	sld [smem:$0x3FAD]  }
0x28: {  	s2 =	sld [smem:$0x3FAE]  }
0x29: {  	s4 =	sld [smem:$0x3FB0]  }
0x2a: {  	p0 =	seq.s32 s5, $0x0;
	s5 =	sld [smem:$0x3FB1]  }
0x2b: {  	s6 =	sld [smem:$0x3FB2]  }
0x2c: {  	s7 =	sld [smem:$0x3FB3]  }
0x2d: {  	s3 =	simm.s32 $0x108;
	s8 =	sld [smem:$0x3FB4]  }
0x2e: {  	s3 =	simm.s32 @!p0 $0x1082;
	s9 =	sld [smem:$0x3FB5]  }
0x2f: {  	lr =	sadd.s32 s0, s3;
	s0 =	sld [smem:$0x3FAC]  }
0x30: {  	s3 =	sld [smem:$0x3FAF]  }
0x31: {  	[smem:$0x3FB8] =	sst s10  }
0x32: {  	s10 =	sld [smem:$0x3FB6];
	_ =	sdelay $0x3  }
0x33: {  	p0 =	seq.s32 s10, $0x1;
	s10 =	sld [smem:$0x3FB8];
	_ =	sdelay $0x3  }
0x34: {  	[smem:$0x3FB8] =	sst s10  }
0x35: {  	s10 =	sld [smem:$0x3FB7];
	_ =	sdelay $0x3  }
0x36: {  	p1 =	seq.s32 s10, $0x1;
	s10 =	sld [smem:$0x3FB8];
	_ =	sdelay $0x3  }
0x37: {  	[smem:$0x3FB8] =	sst s10  }
0x38: {  	s10 =	sld [smem:$0x3FB9]  }
0x39: {  	_ = 	snop;
	(pc) =	sbr.ind lr, $3  }
0x3a: {  	_ = 	snop  }
0x3b: {  	_ = 	snop  }
0x3c: {  	p2 =	seq.s32 s10, $0x1;
	s10 =	sld [smem:$0x3FB8]  }
0x3d: {  	_ =	shalt  }
0x3e: {  	_ =	shalt  }
0x3f: {  	_ =	shalt  }
0x40: {  	_ =	shalt  }
0x41: {  	_ =	shalt  }
0x42: {  	_ =	shalt  }
0x43: {  	_ =	shalt  }
0x44: {  	_ =	shalt  }
0x45: {  	_ =	shalt  }
0x46: {  	_ =	shalt  }
0x47: {  	_ =	shalt  }
0x48: {  	_ =	shalt  }
0x49: {  	_ =	shalt  }
0x4a: {  	_ =	shalt  }
0x4b: {  	_ =	shalt  }
0x4c: {  	_ =	shalt  }
0x4d: {  	_ =	shalt  }
0x4e: {  	_ =	shalt  }
0x4f: {  	_ =	shalt  }
0x50: {  	_ =	shalt  }
0x51: {  	_ =	shalt  }
0x52: {  	_ =	shalt  }
0x53: {  	_ =	shalt  }
0x54: {  	_ =	shalt  }
0x55: {  	_ =	shalt  }
0x56: {  	_ =	shalt  }
0x57: {  	_ =	shalt  }
0x58: {  	_ =	shalt  }
0x59: {  	_ =	shalt  }
0x5a: {  	_ =	shalt  }
0x5b: {  	_ =	shalt  }
0x5c: {  	_ =	shalt  }
0x5d: {  	_ =	shalt  }
0x5e: {  	_ =	shalt  }
0x5f: {  	_ =	shalt  }
0x60: {  	_ =	shalt  }
0x61: {  	_ =	shalt  }
0x62: {  	_ =	shalt  }
0x63: {  	_ =	shalt  }
0x64: {  	_ =	shalt  }
0x65: {  	_ =	shalt  }
0x66: {  	_ =	shalt  }
0x67: {  	_ =	shalt  }
0x68: {  	_ =	shalt  }
0x69: {  	_ =	shalt  }
0x6a: {  	_ =	shalt  }
0x6b: {  	_ =	shalt  }
0x6c: {  	_ =	shalt  }
0x6d: {  	_ =	shalt  }
0x6e: {  	_ =	shalt  }
0x6f: {  	_ =	shalt  }
0x70: {  	_ =	shalt  }
0x71: {  	_ =	shalt  }
0x72: {  	_ =	shalt  }
0x73: {  	_ =	shalt  }
0x74: {  	_ =	shalt  }
0x75: {  	_ =	shalt  }
0x76: {  	_ =	shalt  }
0x77: {  	_ =	shalt  }
0x78: {  	_ =	shalt  }
0x79: {  	_ =	shalt  }
0x7a: {  	_ =	shalt  }
0x7b: {  	_ =	shalt  }
0x7c: {  	_ =	shalt  }
0x7d: {  	_ =	shalt  }
0x7e: {  	_ =	shalt  }
0x7f: {  	_ =	shalt  }
0x80: {  	_ =	shalt  }
0x81: {  	_ =	shalt  }
0x82: {  	_ =	shalt  }
0x83: {  	_ =	shalt  }
0x84: {  	_ =	shalt  }
0x85: {  	_ =	shalt  }
0x86: {  	_ =	shalt  }
0x87: {  	_ =	shalt  }
.Lfunc_end0:
.L_simem_size_0:
called_computation_lowered:
.L_overlay_start_0:
0x88: {  	s2 =	sld [smem:$0x3FD9]  }
0x89: {  	s3 =	sld [smem:$0x3FFE];
	_ =	sdelay $0x1  }
0x8a: {  	s1 =	srdreg.scid  }
0x8b: {  	s0 =	sand.u32 $0x1, s1  }
0x8c: {  	s16 =	sshll.u32 s0, $0xA;
	s2 =	sadd.s32 s3, s2  }
0x8d: {  	s2 =	sadd.s32 s2, s16  }
0x8e: {  	[smem:$0x3FC4] =	sst s2  }
0x8f: {  	_ = 	snop  }
0x90: {  	(tm) =	ssettm $0x1  }
0x91: {  	s17 =	sld [smem:$0x3FFB];
	_ =	sdelay $0x3  }
0x92: {  	_ =	strace s17  }
0x93: {  	s2 =	sld [smem:$0x3FFC];
	_ =	sdelay $0x3  }
0x94: {  	_ =	strace s2  }
0x95: {  	s2 =	sld [smem:$0x3FFD];
	_ =	sdelay $0x3  }
0x96: {  	_ =	strace s2  }
0x97: {  	_ =	strace $0x8FFFFFFF  }
0x98: {  	s18 =	sld [smem:$0x3FDB];
	_ =	sdelay $0x1  }
0x99: {  	s19 =	simm.s32 $_scs_section_size  }
0x9a: {  	s4 =	simm.s32 $_size__tile_overlayer_lowered;
	s5 =	simm.s32 $_tile_overlayer_lowered  }
0x9b: {  	s22 =	simm.s32 $0x1BFF;
	s21 =	sshll.u32 s5, $0x1;
	s2 =	sadd.s32 s19, s18  }
0x9c: {  	s6 =	simm.s32 $0x0;
	s20 =	sshll.u32 s4, $0x1;
	s4 =	sadd.s32 s21, s2  }
0x9d: {  	[timem:s6], [sflag:s22] =	dma.local [hbm:s4], s20  }
0x9e: {  	_ =	swait.ge [sflag:s22], s20  }
0x9f: {  	s3 =	ssub.s32 $0x0, s20;
	[sflag:s22] =	ssyncset.done $0x0  }
0xa0: {  	[sflag:s22] =	ssyncadd.s32 s3;
	_ =	sdelay $0x1  }
0xa1: {  	s23 =	simm.s32 $0x1B8B  }
0xa2: {  	_ =	swait.ge [sflag:s23], $0x1  }
0xa3: {  	[sflag:s23] =	ssyncset.done $0x0  }
0xa4: {  	s25 =	simm.s32 $0x1B8E;
	s24 =	sld [smem:$0x3FFE];
	[sflag:s23] =	ssyncadd.s32 $0xFFFFFFFF  }
0xa5: {  	s26 =	simm.s32 $execute0_lowered;
	[smem:$0x3FD2] =	sst s25  }
0xa6: {  	s4 =	sshll.u32 s26, $0x1;
	_ =	strace $0x80000046;
	[dreg:$0x1] =	wrdreg $0xFFFFFFFF  }
0xa7: {  	s28 =	simm.s32 $_size_execute0_lowered;
	s2 =	sadd.s32 s2, s4;
	[dreg:$0x0] =	wrdreg $0x0  }
0xa8: {  	s4 =	sshll.u32 s28, $0x1;
	[dreg:$0x2] =	wrdreg s2  }
0xa9: {  	[dreg:$0x3] =	wrdreg s4  }
0xaa: {  	[dreg:$0x4] =	wrdreg $0xC0  }
0xab: {  	_ =	task [dreg:s6], $0x5FFFF  }
0xac: {  	[dreg:$0x1] =	wrdreg $0xFFFFFFFF  }
0xad: {  	[dreg:$0x0] =	wrdreg $0x60  }
0xae: {  	[dreg:$0x2] =	wrdreg s24  }
0xaf: {  	[dreg:$0x3] =	wrdreg $0x9  }
0xb0: {  	_ =	task.clear_ibuf [dreg:s6], $0x4FFFF;
	_ =	strace $0x90000046  }
0xb1: {  	s29 =	simm.s32 $0x9;
	_ =	strace $0x80000048  }
0xb2: {  	_ =	swait.ge [sflag:s29], $0x1  }
0xb3: {  	[sflag:s29] =	ssyncadd.s32 $0xFFFFFFFF  }
0xb4: {  	_ =	strace $0x90000048  }
0xb5: {  	_ =	sfence  }
0xb6: {  	s30 =	sld [smem:$0x0];
	_ =	sdelay $0x2  }
0xb7: {  	s31 =	sshll.u32 s1, $0xD;
	s1 =	sshrl.u32 s1, $0x2  }
0xb8: {  	s3 =	sand.u32 $0x4000, s31;
	s1 =	sadd.s32 s1, s30  }
0xb9: {  	s0 =	sor.u32 s3, s0;
	s1 =	sshll.u32 s1, $0x11  }
0xba: {  	s0 =	sor.u32 s1, s0  }
0xbb: {  	s0 =	sadd.s32 $0x8F2B, s0  }
0xbc: {  	[sflag:s0] =	ssyncadd.remote.s32 $0x1  }
0xbd: {  	_ =	sfence.sel $0xFFFF  }
0xbe: {  	[dreg:$0x0] =	wrdreg $0xFFFFFFFF;
	(pc) =	sbr.abs _section_cstart, $3  }
0xbf: {  	[dreg:$0x1] =	wrdreg $0xFFFFFFFF  }
0xc0: {  	_ =	task.clear_ibuf [dreg:s6], $0x2FFFF;
	_ =	strace $0x9FFFFFFF  }
0xc1: {  	(tm) =	ssettm $0x7FFFFFFF  }
tec
execute0_lowered:
.L_overlay_start_1:
0x0: {  	(tag) =	ssettag $0x1  }
0x1: {  	v0 =	vimm.s32 $0x12C3;
	vm0 =	vcmask $0x300  }
0x2: {  	vm14 =	vcmask $0x704;
	v0 =	vsel vm0, $0x0, v0  }
0x3: {  	vm15 =	vcmask $0xB08;
	v0 =	vsel vm14, $0x640, v0  }
0x4: {  	vm4 =	vcmask $0xF0C;
	vm5 =	vcmask $0x1310;
	v0 =	vsel vm15, $0xC80, v0  }
0x5: {  	vm6 =	vcmask $0x1714;
	vm7 =	vcmask $0x1B18;
	v0 =	vsel vm4, $0x12C0, v0  }
0x6: {  	s0 =	srdreg.scid;
	vm8 =	vcmask $0x1F1C;
	vm9 =	vcmask $0x2320;
	v0 =	vsel vm5, $0x1, v0  }
0x7: {  	s1 =	stileid.u32;
	s5 =	rddreg [dreg:$0x0];
	vm10 =	vcmask $0x2724;
	vm11 =	vcmask $0x2B28;
	v0 =	vsel vm6, $0x641, v0  }
0x8: {  	s2 =	simm.s32 $0x0;
	vm12 =	vcmask $0x2F2C;
	v1 =	vimm.s32 $0x23222120;
	s0 =	sand.u32 $0x1, s0;
	s1 =	sshll.u32 s1, $0x1;
	v0 =	vsel vm7, $0xC81, v0  }
0x9: {  	vm13 =	vcmask $0x3330;
	v2 =	vimm.s32 $0x33323130;
	s22 =	simm.s32 $0x2BC0;
	s23 =	simm.s32 $0x1;
	s1 =	sor.u32 s0, s1;
	v0 =	vsel vm8, $0x12C1, v0  }
0xa: {  	v3 =	vimm.s32 $0x3020100;
	v4 =	vimm.s32 $0x13121110;
	s24 =	simm.s32 $0x2;
	s25 =	simm.s32 $0x0;
	s3 =	smul.u32 $0x7C00, s1;
	v0 =	vsel vm9, $0x2, v0  }
0xb: {  	[smem:$0x7FF] =	sst s2;
	s4 =	sadd.s32 $0x800, s5;
	v1 =	vunpack.c.0.s8.s32 v1;
	v2 =	vunpack.c.0.s8.s32 v2;
	s0 =	ssub.s32 $0x2, s0;
	v0 =	vsel vm10, $0x642, v0  }
0xc: {  	s5 =	sadd.s32 $0xF8800, s5;
	v3 =	vunpack.c.0.s8.s32 v3;
	v4 =	vunpack.c.0.s8.s32 v4;
	s31 =	sshrl.u32 s0, $0x1;
	s1 =	sshrl.u32 s3, $0x3;
	v0 =	vsel vm11, $0xC82, v0  }
0xd: {  	vm1 =	vcmask $0x1F10;
	_ =	strace $0x80000047;
	vm14 =	vcmask $0x3734;
	s0 =	ssub.s32 s0, s31;
	s6 =	sadd.s32 s4, s1;
	v0 =	vsel vm12, $0x12C2, v0  }
0xe: {  	v2 =	vsel vm1, v2, v1;
	v3 =	vsel vm1, v4, v3;
	s14 =	sadd.s32 $0xC80, s3;
	s15 =	smax.u32 s0, $0x1;
	s7 =	sadd.s32 $0x1F000, s6;
	v0 =	vsel vm13, $0x3, v0  }
0xf: {  	vm15 =	vcmask $0x3B38;
	v1 =	vlaneseq.u32;
	s8 =	sadd.s32 $0x3E000, s6;
	s9 =	sadd.s32 $0x5D000, s6;
	s10 =	sadd.s32 $0xC8, s6;
	v0 =	vsel vm14, $0x643, v0  }
0x10: {  	v1 =	vshrl.u32 v1, $0x2;
	v2 =	vcombine.low v3, v2;
	s11 =	sadd.s32 $0x1F0C8, s6;
	s12 =	sadd.s32 $0x3E0C8, s6;
	s13 =	sadd.s32 $0x5D0C8, s6;
	v0 =	vsel vm15, $0xC83, v0  }
.LBB2_1:
0x11: {  	[tilespmem:s2], [sflag:$0x1] =	stream.linear.gather [hbm4b:s6+s2], $0x640, $0x38;
	[tilespmem:$0xFA00] =	vst v63  }
0x12: {  	s0 =	simm.s32 $0x640  }
0x13: {  	[tilespmem:s0], [sflag:$0x1] =	stream.linear.gather [hbm4b:s7+s2], $0x640, $0x38;
	[tilespmem:$0xFA00] =	vst v63  }
0x14: {  	s26 =	simm.s32 $0xC80  }
0x15: {  	[tilespmem:s26], [sflag:$0x1] =	stream.linear.gather [hbm4b:s8+s2], $0x640, $0x38;
	[tilespmem:$0xFA00] =	vst v63  }
0x16: {  	s28 =	simm.s32 $0x12C0  }
0x17: {  	[tilespmem:s28], [sflag:$0x1] =	stream.linear.gather [hbm4b:s9+s2], $0x640, $0x38;
	[tilespmem:$0xFA00] =	vst v63  }
0x18: {  	s29 =	simm.s32 $0x1900  }
0x19: {  	[tilespmem:s29], [sflag:$0x1] =	stream.linear.gather [hbm4b:s10+s2], $0x640, $0x38;
	[tilespmem:$0xFA00] =	vst v63  }
0x1a: {  	s30 =	simm.s32 $0x1F40  }
0x1b: {  	[tilespmem:s30], [sflag:$0x1] =	stream.linear.gather [hbm4b:s11+s2], $0x640, $0x38;
	[tilespmem:$0xFA00] =	vst v63  }
0x1c: {  	s31 =	simm.s32 $0x2580  }
0x1d: {  	[tilespmem:s31], [sflag:$0x1] =	stream.linear.gather [hbm4b:s12+s2], $0x640, $0x38;
	[tilespmem:$0xFA00] =	vst v63  }
0x1e: {  	s26 =	simm.s32 $0x0  }
0x1f: {  	[tilespmem:s22], [sflag:$0x1] =	stream.linear.gather [hbm4b:s13+s2], $0x640, $0x38;
	[tilespmem:$0xFA00] =	vst v63  }
.LBB2_2:
0x20: {  	_ =	swait.ge [sflag:s23], $0x640  }
0x21: {  	[sflag:s23] =	ssyncset.done $0x0  }
0x22: {  	[sflag:s23] =	ssyncadd.s32 $0xFFFFF9C0  }
0x23: {  	_ =	swait.ge [sflag:s23], $0x640  }
0x24: {  	[sflag:s23] =	ssyncset.done $0x0  }
0x25: {  	[sflag:s23] =	ssyncadd.s32 $0xFFFFF9C0  }
0x26: {  	_ =	swait.ge [sflag:s23], $0x640  }
0x27: {  	s0 =	simm.s32 $0x0;
	[sflag:s23] =	ssyncset.done $0x0  }
0x28: {  	v3 =	vadd.s32 s0, v0;
	[sflag:s23] =	ssyncadd.s32 $0xFFFFF9C0  }
0x29: {  	v3 =	vand.u32 $0x3FF0, v3;
	_ =	swait.ge [sflag:s23], $0x640  }
0x2a: {  	p0 =	slt.u32 s26, $0x2;
	v3 =	vor.u32 v1, v3;
	[sflag:s23] =	ssyncset.done $0x0  }
0x2b: {  	s21 =	sand.u32 $0x1, s26;
	s1 =	simm.s32 @!p0 $0x2;
	[sflag:s23] =	ssyncadd.s32 $0xFFFFF9C0  }
0x2c: {  	s16 =	smul.u32 $0x6400, s21;
	_ =	swait.ge @!p0 [sflag:s1], $0x6400  }
0x2d: {  	[sflag:s1] =	ssyncset.done @!p0 $0x0  }
0x2e: {  	s28 =	sshrl.u32 s16, $0x2;
	s16 =	simm.s32 $0x0;
	[sflag:s1] =	ssyncadd.s32 @!p0 $0xFFFF9C00  }
0x2f: {  	s17 =	simm.s32 $0x4;
	v4 =	vor.u32 s16, v2;
	v3 =	vld.idx.msk [tilespmem:v3+s28+$0x0], $0xffff  }
0x30: {  	s0 =	smul.u32 $0x19000, s21;
	v5 =	vadd.s32 s17, v0;
	_ =	sdelay $0x1  }
0x31: {  	s0 =	sshrl.u32 s0, $0x2  }
0x32: {  	s18 =	simm.s32 $0x8;
	s29 =	sadd.s32 $0x3200, s0  }
0x33: {  	s19 =	simm.s32 $0x40;
	[tilespmem:v4+s29+$0x0] =	vst.idx.msk $0xffff, v3;
	v3 =	vadd.s32 s18, v0  }
0x34: {  	v4 =	vld.idx.msk [tilespmem:v5+s28+$0x0], $0xffff;
	v5 =	vor.u32 s19, v2;
	v3 =	vand.u32 $0x3FF8, v3  }
0x35: {  	v3 =	vor.u32 v1, v3;
	_ =	sdelay $0x3  }
0x36: {  	s21 =	simm.s32 $0x80;
	[tilespmem:v5+s29+$0x0] =	vst.idx.msk $0xffff, v4  }
0x37: {  	s20 =	smul.u32 $0x640, s26;
	s17 =	simm.s32 $0xC;
	v5 =	vor.u32 s21, v2;
	v4 =	vld.idx.msk [tilespmem:v3+s28+$0x0], $0xffff  }
0x38: {  	v3 =	vadd.s32 s17, v0  }
0x39: {  	s0 =	smin.u32 s20, $0x75C0  }
0x3a: {  	s31 =	sadd.s32 $0xC80, s28;
	s30 =	sadd.s32 $0x12C0, s28;
	s16 =	simm.s32 $0x1C0  }
0x3b: {  	s20 =	simm.s32 $0x10;
	s0 =	sadd.s32 s3, s0;
	s1 =	sadd.s32 $0x640, s28  }
0x3c: {  	s18 =	simm.s32 $0xC0;
	s19 =	simm.s32 $0x2C0;
	s17 =	simm.s32 $0x1C;
	[tilespmem:v5+s29+$0x0] =	vst.idx.msk $0xffff, v4  }
.LBB2_3:
0x3d: {  	p0 =	sne.s32 s19, $0x63C0;
	v4 =	vadd.s32 s20, v0;
	v3 =	vld.idx.msk [tilespmem:v3+s28+$0x0], $0xffff  }
0x3e: {  	v5 =	vor.u32 s18, v2;
	s18 =	smov.u32 s16;
	s16 =	smov.u32 s19;
	v4 =	vand.u32 $0x3FF0, v4  }
0x3f: {  	v4 =	vor.u32 v1, v4;
	_ =	sdelay $0x3  }
0x40: {  	[tilespmem:v5+s29+$0x0] =	vst.idx.msk $0xffff, v3  }
0x41: {  	s20 =	sadd.s32 $0xFFFFFF40, s18;
	v3 =	vld.idx.msk [tilespmem:v4+s28+$0x0], $0xffff  }
0x42: {  	v4 =	vor.u32 s20, v2;
	s20 =	sadd.s32 $0xFFFFFFF8, s17  }
0x43: {  	v5 =	vadd.s32 s20, v0;
	_ =	sdelay $0x3  }
0x44: {  	s20 =	sadd.s32 $0xFFFFFFFC, s17;
	[tilespmem:v4+s29+$0x0] =	vst.idx.msk $0xffff, v3  }
0x45: {  	s21 =	sadd.s32 $0xFFFFFF80, s18;
	v4 =	vadd.s32 s20, v0;
	v3 =	vld.idx.msk [tilespmem:v5+s28+$0x0], $0xffff  }
0x46: {  	v5 =	vor.u32 s21, v2;
	v4 =	vand.u32 $0x3FF8, v4  }
0x47: {  	v4 =	vor.u32 v1, v4;
	_ =	sdelay $0x3  }
0x48: {  	[tilespmem:v5+s29+$0x0] =	vst.idx.msk $0xffff, v3  }
0x49: {  	s20 =	sadd.s32 $0xFFFFFFC0, s18;
	v4 =	vld.idx.msk [tilespmem:v4+s28+$0x0], $0xffff  }
0x4a: {  	v5 =	vor.u32 s20, v2  }
.Ltmp0:
0x4b: {  	v3 =	vadd.s32 s17, v0;
	(pc) =	sbr.rel @p0 .LBB2_3-.Ltmp0, $3  }
0x4c: {  	_ =	sdelay $0x1  }
0x4d: {  	s17 =	sadd.s32 $0x10, s17  }
0x4e: {  	s19 =	sadd.s32 $0x100, s19;
	s20 =	sadd.s32 $0xFFFFFFF4, s17;
	[tilespmem:v5+s29+$0x0] =	vst.idx.msk $0xffff, v4  }
0x4f: {  	_ =	sdelay $0x2  }
0x50: {  	v4 =	vadd.s32 s20, v0  }
0x51: {  	v3 =	vld.idx.msk [tilespmem:v3+s28+$0x0], $0xffff;
	v5 =	vor.u32 s18, v2;
	v4 =	vand.u32 $0x3FF0, v4  }
0x52: {  	v4 =	vor.u32 v1, v4;
	_ =	sdelay $0x3  }
0x53: {  	s19 =	sadd.s32 $0xFFFFFF40, s16;
	[tilespmem:v5+s29+$0x0] =	vst.idx.msk $0xffff, v3  }
0x54: {  	s20 =	sadd.s32 $0xFFFFFFF8, s17;
	v58 =	vor.u32 s19, v2;
	v3 =	vld.idx.msk [tilespmem:v4+s28+$0x0], $0xffff  }
0x55: {  	v59 =	vadd.s32 s20, v0;
	_ =	sdelay $0x2  }
0x56: {  	s21 =	sadd.s32 $0xFFFFFFFC, s17  }
0x57: {  	s19 =	sadd.s32 $0xFFFFFF80, s16;
	[tilespmem:v58+s29+$0x0] =	vst.idx.msk $0xffff, v3;
	v3 =	vadd.s32 s21, v0  }
0x58: {  	v60 =	vor.u32 s19, v2;
	v4 =	vld.idx.msk [tilespmem:v59+s28+$0x0], $0xffff;
	v3 =	vand.u32 $0x3FF8, v3  }
0x59: {  	v3 =	vor.u32 v1, v3;
	_ =	sdelay $0x3  }
0x5a: {  	s20 =	sadd.s32 $0xFFFFFFC0, s16;
	[tilespmem:v60+s29+$0x0] =	vst.idx.msk $0xffff, v4  }
0x5b: {  	v61 =	vor.u32 s20, v2;
	v3 =	vld.idx.msk [tilespmem:v3+s28+$0x0], $0xffff  }
0x5c: {  	v62 =	vadd.s32 s17, v0;
	_ =	sdelay $0x3  }
0x5d: {  	[tilespmem:v61+s29+$0x0] =	vst.idx.msk $0xffff, v3  }
0x5e: {  	v63 =	vor.u32 s16, v2;
	v3 =	vld.idx.msk [tilespmem:v62+s28+$0x0], $0xffff  }
0x5f: {  	p0 =	slt.s32 s26, $0x11;
	s16 =	smov.u32 s26  }
0x60: {  	s16 =	simm.s32 @!p0 $0x11  }
0x61: {  	s0 =	sshll.u32 s0, $0x1;
	s16 =	smul.u32 $0x640, s16  }
0x62: {  	s0 =	sand.u32 $0x3FFF80, s0  }
0x63: {  	s0 =	sadd.s32 s5, s0;
	s21 =	smin.u32 s16, $0x6940;
	[tilespmem:v63+s29+$0x0] =	vst.idx.msk $0xffff, v3  }
0x64: {  	[hbm4b:s0+s2] =	stream.linear.scatter [tilespmem:s29], [sflag:$0x2], $0x6400, $0x38;
	[tilespmem:$0xFA00] =	vst v63  }
0x65: {  	s0 =	sadd.s32 s21, s14  }
0x66: {  	s0 =	sshrl.u32 s0, $0x3  }
0x67: {  	s26 =	sadd.s32 $0x1, s26;
	s0 =	sadd.s32 s4, s0  }
0x68: {  	[tilespmem:s28], [sflag:$0x1] =	stream.linear.gather [hbm4b:s0+s2], $0x640, $0x38;
	[tilespmem:$0xFA00] =	vst v63  }
0x69: {  	p0 =	sne.s32 s26, $0x14;
	s28 =	sadd.s32 $0x1F000, s0  }
0x6a: {  	[tilespmem:s1], [sflag:$0x1] =	stream.linear.gather [hbm4b:s28+s2], $0x640, $0x38;
	[tilespmem:$0xFA00] =	vst v63  }
.Ltmp1:
0x6b: {  	_ = 	snop;
	(pc) =	sbr.rel @p0 .LBB2_2-.Ltmp1, $4  }
0x6c: {  	s29 =	sadd.s32 $0x3E000, s0  }
0x6d: {  	[tilespmem:s31], [sflag:$0x1] =	stream.linear.gather [hbm4b:s29+s2], $0x640, $0x38;
	[tilespmem:$0xFA00] =	vst v63  }
0x6e: {  	s0 =	sadd.s32 $0x5D000, s0  }
0x6f: {  	[tilespmem:s30], [sflag:$0x1] =	stream.linear.gather [hbm4b:s0+s2], $0x640, $0x38;
	[tilespmem:$0xFA00] =	vst v63  }
0x70: {  	_ =	swait.ge [sflag:s23], $0x640  }
0x71: {  	[sflag:s23] =	ssyncset.done $0x0  }
0x72: {  	[sflag:s23] =	ssyncadd.s32 $0xFFFFF9C0  }
0x73: {  	_ =	swait.ge [sflag:s23], $0x640  }
0x74: {  	[sflag:s23] =	ssyncset.done $0x0  }
0x75: {  	[sflag:s23] =	ssyncadd.s32 $0xFFFFF9C0  }
0x76: {  	_ =	swait.ge [sflag:s23], $0x640  }
0x77: {  	[sflag:s23] =	ssyncset.done $0x0  }
0x78: {  	[sflag:s23] =	ssyncadd.s32 $0xFFFFF9C0  }
0x79: {  	_ =	swait.ge [sflag:s23], $0x640  }
0x7a: {  	[sflag:s23] =	ssyncset.done $0x0  }
0x7b: {  	[sflag:s23] =	ssyncadd.s32 $0xFFFFF9C0  }
0x7c: {  	_ =	swait.ge [sflag:s24], $0x6400  }
0x7d: {  	[sflag:s24] =	ssyncset.done $0x0  }
0x7e: {  	[sflag:s24] =	ssyncadd.s32 $0xFFFF9C00  }
0x7f: {  	_ =	swait.ge [sflag:s23], $0x640  }
0x80: {  	[sflag:s23] =	ssyncset.done $0x0  }
0x81: {  	[sflag:s23] =	ssyncadd.s32 $0xFFFFF9C0  }
0x82: {  	_ =	swait.ge [sflag:s23], $0x640  }
0x83: {  	[sflag:s23] =	ssyncset.done $0x0  }
0x84: {  	[sflag:s23] =	ssyncadd.s32 $0xFFFFF9C0  }
0x85: {  	_ =	swait.ge [sflag:s23], $0x640  }
0x86: {  	[sflag:s23] =	ssyncset.done $0x0  }
0x87: {  	s25 =	sadd.s32 $0x1, s25;
	[sflag:s23] =	ssyncadd.s32 $0xFFFFF9C0  }
0x88: {  	p0 =	sne.s32 s25, s15;
	_ =	swait.ge [sflag:s23], $0x640  }
.Ltmp2:
0x89: {  	[sflag:s23] =	ssyncset.done $0x0;
	(pc) =	sbr.rel @p0 .LBB2_1-.Ltmp2, $4  }
0x8a: {  	[sflag:s23] =	ssyncadd.s32 $0xFFFFF9C0  }
0x8b: {  	_ =	swait.ge [sflag:s24], $0x6400  }
0x8c: {  	[sflag:s24] =	ssyncset.done $0x0  }
0x8d: {  	[sflag:s24] =	ssyncadd.s32 $0xFFFF9C00  }
0x8e: {  	_ =	sfence.sel $0x180000  }
0x8f: {  	[bflag:$0x0] =	sbarrier.arrive $0xFFFF  }
0x90: {  	_ =	strace $0x90000047  }
0x91: {  	s0 =	stileid.u32;
	[bflag:$0x2] =	sbarrier.arrive $0xFFFF  }
0x92: {  	p0 =	sne.s32 s0, $0x0;
	s0 =	rddreg [dreg:$0x1]  }
0x93: {  	s0 =	sadd.s32 @!p0 $0x100000, s0  }
0x94: {  	[sflag:s0] =	ssyncadd.tile.s32 @!p0 $0x1;
	_ =	shalt  }
.Lfunc_end2:
_tile_overlayer_lowered:
.L_overlay_start_2:
0x95: {  	(tag) =	ssettag $0x2  }
0x96: {  	s0 =	rddreg [dreg:$0x0];
	s2 =	stileid.u32  }
0x97: {  	s1 =	rddreg [dreg:$0x1];
	p0 =	sne.s32 s2, $0x0  }
0x98: {  	s3 =	rddreg [dreg:$0x2];
	[bflag:$0x3] =	sbarrier.arrive $0xFFFF;
	s2 =	simm.s32 @!p0 $0x1C03  }
0x99: {  	[timem:s3], [sflag:s2] =	dma.local @!p0 [hbm:s0], s1  }
0x9a: {  	s0 =	simm.s32 @!p0 $0x3  }
0x9b: {  	_ =	swait.ge @!p0 [sflag:s0], s1  }
0x9c: {  	s1 =	ssub.s32 @!p0 $0x0, s1;
	[sflag:s0] =	ssyncset.done @!p0 $0x0  }
0x9d: {  	[sflag:s0] =	ssyncadd.s32 @!p0 s1  }
0x9e: {  	[bflag:$0x3] =	sbarrier.arrive $0xFFFF  }
0x9f: {  	_ =	shalt  }

// kernel: kernel.8.cloned.1.call-start
scs
__scs_entry_jumppad:
0x0: {  	(pc) =	sbr.rel $0x88, $3  }
0x1: {  	(tag) =	ssettag $0x0;
	lr =	simm.s32 $0x1  }
0x2: {  	[smem:$0x3F9D] =	sst lr;
	_ =	strace $0xD0000000  }
0x3: {  	_ = 	snop  }
0x4: {  	_ = 	snop  }
0x5: {  	_ = 	snop  }
0x6: {  	_ = 	snop  }
0x7: {  	_ = 	snop  }
__scs_overlays_trampoline_lowered:
0x8: {  	[smem:$0x3FAC] =	sst s0  }
0x9: {  	[smem:$0x3FAD] =	sst s1  }
0xa: {  	[smem:$0x3FAE] =	sst s2  }
0xb: {  	[smem:$0x3FAF] =	sst s3  }
0xc: {  	[smem:$0x3FB0] =	sst s4  }
0xd: {  	[smem:$0x3FB1] =	sst s5  }
0xe: {  	[smem:$0x3FB2] =	sst s6  }
0xf: {  	[smem:$0x3FB3] =	sst s7  }
0x10: {  	[smem:$0x3FB4] =	sst s8  }
0x11: {  	[smem:$0x3FB5] =	sst s9;
	s0 =	simm.s32 @!p0 $0x0  }
0x12: {  	s1 =	sld [smem:$0x3F9B];
	s0 =	simm.s32 @p0 $0x1  }
0x13: {  	[smem:$0x3FB6] =	sst s0;
	s0 =	simm.s32 @!p1 $0x0  }
0x14: {  	s2 =	sld [smem:$0x3F9A];
	s0 =	simm.s32 @p1 $0x1  }
0x15: {  	[smem:$0x3FB7] =	sst s0;
	s0 =	simm.s32 @!p2 $0x0  }
0x16: {  	s3 =	sld [smem:$0x3FDB];
	s0 =	simm.s32 @p2 $0x1  }
0x17: {  	s4 =	simm.s32 $0x1BF5;
	[smem:$0x3FB9] =	sst s0  }
0x18: {  	s0 =	sld [smem:$0x3F9C];
	_ =	swait.ge [sflag:s4], $0x0  }
0x19: {  	s7 =	sld [smem:$0x3F9D]  }
0x1a: {  	s8 =	sadd.s32 $0xFFFFE003, lr  }
0x1b: {  	s9 =	sadd.s32 $0xFFFFFEF7, lr;
	s5 =	simm.s32 $0xFFFFFFFF;
	p2 =	slt.u32 s8, $0xFFFFF086  }
0x1c: {  	p1 =	slt.u32 s9, $0xF7A;
	s5 =	simm.s32 @!p2 $0x0  }
0x1d: {  	s5 =	simm.s32 @p1 $0x1;
	p0 =	seq.s32 s7, s2  }
0x1e: {  	s7 =	smul.u32 @!p0 $0xF7A, s2;
	p2 =	seq.s32 @!p0 s5, $0x0  }
0x1f: {  	s9 =	smul.u32 $0xF7A, s1;
	s8 =	simm.s32 @!p0 $0x1BF5;
	p2 =	por !p2, p0  }
0x20: {  	[sflag:s8] =	ssyncset.s32 @!p0 $0xFFFFF086;
	s6 =	sadd.s32 @!p0 s3, s7;
	s7 =	simm.s32 @!p0 $0x108  }
0x21: {  	s3 =	sadd.s32 s3, s9;
	s6 =	sadd.s32 @!p0 $0x88, s6;
	s7 =	simm.s32 @p2 $0x1082  }
0x22: {  	[simem:s7], [sflag:s8] =	dma.local @!p0 [hbm:s6], $0xF7A  }
0x23: {  	s9 =	sor.u32 $0xD0000000, s2;
	s6 =	simm.s32 $0x108;
	_ =	swait.ge @!p0 [sflag:s8], $0x0  }
0x24: {  	s3 =	sadd.s32 $0x88, s3;
	s6 =	simm.s32 @!p1 $0x1082;
	[sflag:s4] =	ssyncset.s32 $0xFFFFF086  }
0x25: {  	[simem:s6], [sflag:s4] =	dma.local [hbm:s3], $0xF7A  }
0x26: {  	[smem:$0x3F9D] =	sst s1;
	(tag) =	ssettag s2;
	_ =	strace s9  }
0x27: {  	s1 =	sld [smem:$0x3FAD]  }
0x28: {  	s2 =	sld [smem:$0x3FAE]  }
0x29: {  	s4 =	sld [smem:$0x3FB0]  }
0x2a: {  	p0 =	seq.s32 s5, $0x0;
	s5 =	sld [smem:$0x3FB1]  }
0x2b: {  	s6 =	sld [smem:$0x3FB2]  }
0x2c: {  	s7 =	sld [smem:$0x3FB3]  }
0x2d: {  	s3 =	simm.s32 $0x108;
	s8 =	sld [smem:$0x3FB4]  }
0x2e: {  	s3 =	simm.s32 @!p0 $0x1082;
	s9 =	sld [smem:$0x3FB5]  }
0x2f: {  	lr =	sadd.s32 s0, s3;
	s0 =	sld [smem:$0x3FAC]  }
0x30: {  	s3 =	sld [smem:$0x3FAF]  }
0x31: {  	[smem:$0x3FB8] =	sst s10  }
0x32: {  	s10 =	sld [smem:$0x3FB6];
	_ =	sdelay $0x3  }
0x33: {  	p0 =	seq.s32 s10, $0x1;
	s10 =	sld [smem:$0x3FB8];
	_ =	sdelay $0x3  }
0x34: {  	[smem:$0x3FB8] =	sst s10  }
0x35: {  	s10 =	sld [smem:$0x3FB7];
	_ =	sdelay $0x3  }
0x36: {  	p1 =	seq.s32 s10, $0x1;
	s10 =	sld [smem:$0x3FB8];
	_ =	sdelay $0x3  }
0x37: {  	[smem:$0x3FB8] =	sst s10  }
0x38: {  	s10 =	sld [smem:$0x3FB9]  }
0x39: {  	_ = 	snop;
	(pc) =	sbr.ind lr, $3  }
0x3a: {  	_ = 	snop  }
0x3b: {  	_ = 	snop  }
0x3c: {  	p2 =	seq.s32 s10, $0x1;
	s10 =	sld [smem:$0x3FB8]  }
0x3d: {  	_ =	shalt  }
0x3e: {  	_ =	shalt  }
0x3f: {  	_ =	shalt  }
0x40: {  	_ =	shalt  }
0x41: {  	_ =	shalt  }
0x42: {  	_ =	shalt  }
0x43: {  	_ =	shalt  }
0x44: {  	_ =	shalt  }
0x45: {  	_ =	shalt  }
0x46: {  	_ =	shalt  }
0x47: {  	_ =	shalt  }
0x48: {  	_ =	shalt  }
0x49: {  	_ =	shalt  }
0x4a: {  	_ =	shalt  }
0x4b: {  	_ =	shalt  }
0x4c: {  	_ =	shalt  }
0x4d: {  	_ =	shalt  }
0x4e: {  	_ =	shalt  }
0x4f: {  	_ =	shalt  }
0x50: {  	_ =	shalt  }
0x51: {  	_ =	shalt  }
0x52: {  	_ =	shalt  }
0x53: {  	_ =	shalt  }
0x54: {  	_ =	shalt  }
0x55: {  	_ =	shalt  }
0x56: {  	_ =	shalt  }
0x57: {  	_ =	shalt  }
0x58: {  	_ =	shalt  }
0x59: {  	_ =	shalt  }
0x5a: {  	_ =	shalt  }
0x5b: {  	_ =	shalt  }
0x5c: {  	_ =	shalt  }
0x5d: {  	_ =	shalt  }
0x5e: {  	_ =	shalt  }
0x5f: {  	_ =	shalt  }
0x60: {  	_ =	shalt  }
0x61: {  	_ =	shalt  }
0x62: {  	_ =	shalt  }
0x63: {  	_ =	shalt  }
0x64: {  	_ =	shalt  }
0x65: {  	_ =	shalt  }
0x66: {  	_ =	shalt  }
0x67: {  	_ =	shalt  }
0x68: {  	_ =	shalt  }
0x69: {  	_ =	shalt  }
0x6a: {  	_ =	shalt  }
0x6b: {  	_ =	shalt  }
0x6c: {  	_ =	shalt  }
0x6d: {  	_ =	shalt  }
0x6e: {  	_ =	shalt  }
0x6f: {  	_ =	shalt  }
0x70: {  	_ =	shalt  }
0x71: {  	_ =	shalt  }
0x72: {  	_ =	shalt  }
0x73: {  	_ =	shalt  }
0x74: {  	_ =	shalt  }
0x75: {  	_ =	shalt  }
0x76: {  	_ =	shalt  }
0x77: {  	_ =	shalt  }
0x78: {  	_ =	shalt  }
0x79: {  	_ =	shalt  }
0x7a: {  	_ =	shalt  }
0x7b: {  	_ =	shalt  }
0x7c: {  	_ =	shalt  }
0x7d: {  	_ =	shalt  }
0x7e: {  	_ =	shalt  }
0x7f: {  	_ =	shalt  }
0x80: {  	_ =	shalt  }
0x81: {  	_ =	shalt  }
0x82: {  	_ =	shalt  }
0x83: {  	_ =	shalt  }
0x84: {  	_ =	shalt  }
0x85: {  	_ =	shalt  }
0x86: {  	_ =	shalt  }
0x87: {  	_ =	shalt  }
.Lfunc_end0:
.L_simem_size_0:
called_computation.1_lowered:
.L_overlay_start_0:
0x88: {  	s2 =	sld [smem:$0x3FD9]  }
0x89: {  	s3 =	sld [smem:$0x3FFE];
	_ =	sdelay $0x1  }
0x8a: {  	s1 =	srdreg.scid  }
0x8b: {  	s0 =	sand.u32 $0x1, s1  }
0x8c: {  	s17 =	sshll.u32 s0, $0xA;
	s2 =	sadd.s32 s3, s2  }
0x8d: {  	s2 =	sadd.s32 s2, s17  }
0x8e: {  	[smem:$0x3FC4] =	sst s2  }
0x8f: {  	_ = 	snop  }
0x90: {  	s2 =	sld [smem:$0x3FD0];
	(tm) =	ssettm $0x1  }
0x91: {  	s18 =	sld [smem:$0x3FFB];
	_ =	sdelay $0x3  }
0x92: {  	_ =	strace s18  }
0x93: {  	s3 =	sld [smem:$0x3FFC];
	_ =	sdelay $0x3  }
0x94: {  	_ =	strace s3  }
0x95: {  	s3 =	sld [smem:$0x3FFD];
	_ =	sdelay $0x3  }
0x96: {  	_ =	strace s3  }
0x97: {  	_ =	strace $0x8FFFFFFF  }
0x98: {  	s19 =	sld [smem:$0x3FDB];
	_ =	sdelay $0x1  }
0x99: {  	s4 =	simm.s32 $_scs_section_size  }
0x9a: {  	s5 =	simm.s32 $_size__tile_overlayer_lowered;
	s6 =	simm.s32 $_tile_overlayer_lowered  }
0x9b: {  	s22 =	simm.s32 $0x1BFF;
	s21 =	sshll.u32 s6, $0x1;
	s3 =	sadd.s32 s4, s19  }
0x9c: {  	s7 =	simm.s32 $0x0;
	s20 =	sshll.u32 s5, $0x1;
	s5 =	sadd.s32 s21, s3  }
0x9d: {  	[timem:s7], [sflag:s22] =	dma.local [hbm:s5], s20  }
0x9e: {  	_ =	swait.ge [sflag:s22], s20  }
0x9f: {  	s4 =	ssub.s32 $0x0, s20;
	[sflag:s22] =	ssyncset.done $0x0  }
0xa0: {  	[sflag:s22] =	ssyncadd.s32 s4;
	_ =	sdelay $0x1  }
0xa1: {  	s23 =	simm.s32 $0x1B8B  }
0xa2: {  	_ =	swait.ge [sflag:s23], $0x1  }
0xa3: {  	[sflag:s23] =	ssyncset.done $0x0  }
0xa4: {  	s25 =	simm.s32 $0x1B8E;
	s24 =	sld [smem:$0x3FFE];
	[sflag:s23] =	ssyncadd.s32 $0xFFFFFFFF  }
0xa5: {  	s26 =	simm.s32 $execute0_lowered;
	[smem:$0x3FD2] =	sst s25  }
0xa6: {  	s5 =	sshll.u32 s26, $0x1;
	_ =	strace $0x80000049;
	[dreg:$0x1] =	wrdreg $0xFFFFFFFF  }
0xa7: {  	s28 =	simm.s32 $_size_execute0_lowered;
	s3 =	sadd.s32 s3, s5;
	[dreg:$0x0] =	wrdreg $0x0  }
0xa8: {  	s5 =	sshll.u32 s28, $0x1;
	[dreg:$0x2] =	wrdreg s3  }
0xa9: {  	[dreg:$0x3] =	wrdreg s5  }
0xaa: {  	[dreg:$0x4] =	wrdreg $0xC0  }
0xab: {  	_ =	task [dreg:s7], $0x5FFFF  }
0xac: {  	[dreg:$0x1] =	wrdreg $0xFFFFFFFF  }
0xad: {  	[dreg:$0x0] =	wrdreg $0x60  }
0xae: {  	[dreg:$0x2] =	wrdreg s24  }
0xaf: {  	[dreg:$0x3] =	wrdreg s2  }
0xb0: {  	[dreg:$0x4] =	wrdreg $0x9  }
0xb1: {  	_ =	task.clear_ibuf [dreg:s7], $0x5FFFF;
	_ =	strace $0x90000049  }
0xb2: {  	s29 =	simm.s32 $0x9;
	_ =	strace $0x8000004B  }
0xb3: {  	_ =	swait.ge [sflag:s29], $0x1  }
0xb4: {  	[sflag:s29] =	ssyncadd.s32 $0xFFFFFFFF  }
0xb5: {  	_ =	strace $0x9000004B  }
0xb6: {  	_ =	sfence  }
0xb7: {  	s30 =	sld [smem:$0x0];
	_ =	sdelay $0x2  }
0xb8: {  	s31 =	sshll.u32 s1, $0xD;
	s1 =	sshrl.u32 s1, $0x2  }
0xb9: {  	s3 =	sand.u32 $0x4000, s31;
	s1 =	sadd.s32 s1, s30  }
0xba: {  	s0 =	sor.u32 s3, s0;
	s1 =	sshll.u32 s1, $0x11  }
0xbb: {  	s0 =	sor.u32 s1, s0  }
0xbc: {  	s0 =	sadd.s32 $0x8F2B, s0  }
0xbd: {  	[sflag:s0] =	ssyncadd.remote.s32 $0x1  }
0xbe: {  	_ =	sfence.sel $0xFFFF  }
0xbf: {  	[dreg:$0x0] =	wrdreg $0xFFFFFFFF;
	(pc) =	sbr.abs _section_cstart, $3  }
0xc0: {  	[dreg:$0x1] =	wrdreg $0xFFFFFFFF  }
0xc1: {  	_ =	task.clear_ibuf [dreg:s7], $0x2FFFF;
	_ =	strace $0x9FFFFFFF  }
0xc2: {  	(tm) =	ssettm $0x7FFFFFFF  }
0xc3: {  	_ =	shalt  }
tec
execute0_lowered:
.L_overlay_start_1:
0x0: {  	(tag) =	ssettag $0x1  }
0x1: {  	s5 =	rddreg [dreg:$0x0]  }
0x2: {  	s10 =	rddreg [dreg:$0x1]  }
0x3: {  	s0 =	rddreg [dreg:$0x2]  }
0x4: {  	s3 =	srdreg.scid;
	s1 =	stileid.u32;
	s2 =	simm.s32 $0x0  }
0x5: {  	s14 =	simm.s32 $0x640;
	s15 =	simm.s32 $0x76C0;
	s16 =	simm.s32 $0xC80  }
0x6: {  	s17 =	simm.s32 $0xDAC0;
	s18 =	simm.s32 $0x1;
	s19 =	simm.s32 $0x146D0  }
0x7: {  	v0 =	vimm.s32 $0x23222120;
	s20 =	simm.s32 $0x13EC0;
	s21 =	simm.s32 $0x0;
	s6 =	sand.u32 $0x1, s3  }
0x8: {  	v1 =	vimm.s32 $0x33323130;
	s31 =	sshll.u32 s1, $0x1;
	[smem:$0x7FF] =	sst s2;
	s3 =	sadd.s32 $0x2E8800, s5  }
0x9: {  	v2 =	vimm.s32 $0x3020100;
	s4 =	sadd.s32 $0xF8800, s5;
	s5 =	sadd.s32 $0x34C800, s5;
	s11 =	sor.u32 s6, s31  }
0xa: {  	v3 =	vimm.s32 $0x13121110;
	v0 =	vunpack.c.0.s8.s32 v0;
	_ =	strace $0x8000004A;
	s9 =	ssub.s32 $0x2, s6;
	s7 =	smul.u32 $0x3200, s11  }
0xb: {  	v1 =	vunpack.c.0.s8.s32 v1;
	v2 =	vunpack.c.0.s8.s32 v2;
	v3 =	vunpack.c.0.s8.s32 v3;
	s12 =	sshrl.u32 s9, $0x1;
	s13 =	sshll.u32 s11, $0x9;
	s11 =	sshll.u32 s11, $0x8  }
0xc: {  	vm0 =	vcmask $0x1F10;
	s12 =	ssub.s32 s9, s12;
	s9 =	sor.u32 $0x18, s13;
	s10 =	sadd.s32 s10, s11  }
0xd: {  	v0 =	vsel vm0, v1, v0;
	v1 =	vsel vm0, v3, v2;
	s13 =	simm.s32 $0x2;
	s6 =	sadd.s32 s3, s7;
	s11 =	smax.u32 s12, $0x1  }
0xe: {  	v0 =	vcombine.low v1, v0;
	s12 =	simm.s32 $0x146C0;
	s7 =	sadd.s32 $0xC8, s6;
	s8 =	sadd.s32 $0x190, s6  }
.LBB2_1:
0xf: {  	[tilespmem:s12], [sflag:$0x2] =	stream.linear.gather [hbm4b:s5+s2], $0x10, $0x38;
	[tilespmem:$0x14710] =	vst v63  }
0x10: {  	_ =	swait.ge [sflag:s13], $0x10  }
0x11: {  	[sflag:s13] =	ssyncset.done $0x0  }
0x12: {  	[sflag:s13] =	ssyncadd.s32 $0xFFFFFFF0  }
0x13: {  	v1 =	vld [tilespmem:$0x146C0];
	[tilespmem:s2], [sflag:$0x2] =	stream.linear.gather [hbm4b:s6+s2], $0x640, $0x38  }
0x14: {  	_ =	swait.ge [sflag:s13], $0x640  }
0x15: {  	[sflag:s13] =	ssyncset.done $0x0  }
0x16: {  	s22 =	simm.s32 $0x12C0;
	[sflag:s13] =	ssyncadd.s32 $0xFFFFF9C0  }
0x17: {  	[tilespmem:s22], [sflag:$0x1] =	stream.indirect.gather [hbm4b:s4+s14], $0x10, s2, s14, $0xb8;
	[tilespmem:$0x14710] =	vst v63  }
0x18: {  	_ = 	snop  }
0x19: {  	[tilespmem:s14], [sflag:$0x2] =	stream.linear.gather [hbm4b:s7+s2], $0x640, $0x38;
	[tilespmem:$0x14710] =	vst v63  }
0x1a: {  	_ =	swait.ge [sflag:s13], $0x640  }
0x1b: {  	[sflag:s13] =	ssyncset.done $0x0  }
0x1c: {  	[sflag:s13] =	ssyncadd.s32 $0xFFFFF9C0  }
0x1d: {  	[tilespmem:s15], [sflag:$0x1] =	stream.indirect.gather [hbm4b:s4+s14], $0x10, s14, s14, $0xb8;
	[tilespmem:$0x14710] =	vst v63  }
0x1e: {  	_ = 	snop  }
0x1f: {  	[tilespmem:s16], [sflag:$0x2] =	stream.linear.gather [hbm4b:s8+s2], $0x640, $0x38;
	[tilespmem:$0x14710] =	vst v63  }
0x20: {  	_ =	swait.ge [sflag:s13], $0x640  }
0x21: {  	[sflag:s13] =	ssyncset.done $0x0  }
0x22: {  	s23 =	simm.s32 $0x0;
	[sflag:s13] =	ssyncadd.s32 $0xFFFFF9C0  }
0x23: {  	[tilespmem:s17], [sflag:$0x1] =	stream.indirect.gather [hbm4b:s4+s14], $0x10, s16, s14, $0xb8;
	[tilespmem:$0x14710] =	vst v63  }
.LBB2_2:
0x24: {  	s24 =	smulhi.u32 $0xAAAAAAAB, s23;
	_ =	sdelay $0x1  }
0x25: {  	s24 =	sshrl.u32 s24, $0x1  }
0x26: {  	s24 =	smul.u32 $0xFFFB5000, s24;
	_ =	sdelay $0x1  }
0x27: {  	s24 =	sshra.s32 s24, $0x2  }
0x28: {  	s24 =	sadd.s32 s24, s22  }
0x29: {  	v2 =	vmov s24;
	_ =	sdelay $0x1  }
0x2a: {  	_ =	swait.ge [sflag:s18], $0x6400  }
0x2b: {  	[sflag:s18] =	ssyncset.done $0x0  }
0x2c: {  	s31 =	simm.s32 $0x0;
	[sflag:s18] =	ssyncadd.s32 $0xFFFF9C00  }
0x2d: {  	v10 =	vld.idx.msk [tilespmem:v2+s31+$0x40 ss:$0x1], $0xffff  }
0x2e: {  	s25 =	smul.u32 $0xAB, s23;
	v14 =	vld.idx.msk [tilespmem:v2+s31+$0x50 ss:$0x1], $0xffff  }
0x2f: {  	v8 =	vld.idx.msk [tilespmem:v2+s31+$0x0 ss:$0x1], $0xffff  }
0x30: {  	s25 =	sshrl.u32 s25, $0x9;
	v9 =	vld.idx.msk [tilespmem:v2+s31+$0x10 ss:$0x1], $0xffff  }
0x31: {  	s25 =	sand.u32 $0x7F, s25;
	v11 =	vld.idx.msk [tilespmem:v2+s31+$0x20 ss:$0x1], $0xffff  }
0x32: {  	s25 =	smul.u32 $0x3, s25;
	v13 =	vld.idx.msk [tilespmem:v2+s31+$0x30 ss:$0x1], $0xffff  }
0x33: {  	v3 =	vld.idx.msk [tilespmem:v2+s31+$0x60 ss:$0x1], $0xffff  }
0x34: {  	s26 =	simm.s32 $0x80;
	s25 =	ssub.s32 s23, s25;
	v6 =	vld.idx.msk [tilespmem:v2+s31+$0x70 ss:$0x1], $0xffff  }
0x35: {  	s24 =	sand.u32 $0xFF, s25;
	v4 =	vld.idx.msk [tilespmem:v2+s26+$0x40 ss:$0x1], $0xffff  }
0x36: {  	v15 =	vimm.f32 $0.0e+00;
	s25 =	smul.u32 $0x19000, s24;
	v5 =	vld.idx.msk [tilespmem:v2+s26+$0x50 ss:$0x1], $0xffff  }
0x37: {  	v7 =	vld.idx.msk [tilespmem:v2+s26+$0x0 ss:$0x1], $0xffff;
	v16 =	vadd.f32 v8, v15;
	v17 =	vadd.f32 v9, v15  }
0x38: {  	s25 =	sshrl.u32 s25, $0x2;
	v8 =	vld.idx.msk [tilespmem:v2+s26+$0x10 ss:$0x1], $0xffff;
	v12 =	vadd.f32 v11, v15;
	v13 =	vadd.f32 v13, v15  }
0x39: {  	s28 =	simm.s32 $0x400;
	s25 =	sadd.s32 $0x12C0, s25;
	v9 =	vld.idx.msk [tilespmem:v2+s26+$0x20 ss:$0x1], $0xffff;
	v11 =	vadd.f32 v10, v16;
	v10 =	vadd.f32 v14, v17  }
.LBB2_3:
0x3a: {  	p0 =	sne.s32 s28, $0x3000;
	v14 =	vld.idx.msk [tilespmem:v2+s26+$0x30 ss:$0x1], $0xffff;
	v12 =	vadd.f32 v3, v12;
	v13 =	vadd.f32 v6, v13  }
0x3b: {  	v15 =	vmov v4;
	v3 =	vld.idx.msk [tilespmem:v2+s26+$0x60 ss:$0x1], $0xffff  }
0x3c: {  	v16 =	vmov v5;
	v6 =	vld.idx.msk [tilespmem:v2+s26+$0x70 ss:$0x1], $0xffff;
	s26 =	sshra.s32 s28, $0x2  }
.Ltmp0:
0x3d: {  	v4 =	vld.idx.msk [tilespmem:v2+s26+$0x40 ss:$0x1], $0xffff;
	(pc) =	sbr.rel @p0 .LBB2_3-.Ltmp0, $4  }
0x3e: {  	v5 =	vld.idx.msk [tilespmem:v2+s26+$0x50 ss:$0x1], $0xffff  }
0x3f: {  	v11 =	vadd.f32 v7, v11;
	v10 =	vadd.f32 v8, v10;
	v7 =	vld.idx.msk [tilespmem:v2+s26+$0x0 ss:$0x1], $0xffff  }
0x40: {  	v12 =	vadd.f32 v9, v12;
	v13 =	vadd.f32 v14, v13;
	v8 =	vld.idx.msk [tilespmem:v2+s26+$0x10 ss:$0x1], $0xffff  }
0x41: {  	s28 =	sadd.s32 $0x200, s28;
	v11 =	vadd.f32 v15, v11;
	v10 =	vadd.f32 v16, v10;
	v9 =	vld.idx.msk [tilespmem:v2+s26+$0x20 ss:$0x1], $0xffff  }
0x42: {  	_ =	sdelay $0x3  }
0x43: {  	v14 =	vld.idx.msk [tilespmem:v2+s26+$0x30 ss:$0x1], $0xffff  }
0x44: {  	v15 =	vld.idx.msk [tilespmem:v2+s26+$0x60 ss:$0x1], $0xffff  }
0x45: {  	v16 =	vld.idx.msk [tilespmem:v2+s26+$0x70 ss:$0x1], $0xffff  }
0x46: {  	v3 =	vadd.f32 v3, v12;
	v6 =	vadd.f32 v6, v13  }
0x47: {  	v7 =	vadd.f32 v7, v11;
	v8 =	vadd.f32 v8, v10  }
0x48: {  	v3 =	vadd.f32 v9, v3;
	v6 =	vadd.f32 v14, v6  }
0x49: {  	v4 =	vadd.f32 v4, v7;
	v5 =	vadd.f32 v5, v8  }
0x4a: {  	v3 =	vadd.f32 v15, v3;
	v6 =	vadd.f32 v16, v6;
	_ =	sdelay $0x1  }
0x4b: {  	v4 =	vadd.f32 v5, v4;
	v3 =	vadd.f32 v6, v3;
	_ =	sdelay $0x1  }
0x4c: {  	v3 =	vadd.f32 v3, v4;
	_ =	sdelay $0x1  }
0x4d: {  	s28 =	simm.s32 $0x0;
	[tilespmem:$0x146D0] =	vst v3  }
0x4e: {  	v10 =	vld.idx.msk [tilespmem:v2+s28+$0xCC0 ss:$0x1], $0xffff  }
0x4f: {  	v14 =	vld.idx.msk [tilespmem:v2+s28+$0xCD0 ss:$0x1], $0xffff  }
0x50: {  	v8 =	vld.idx.msk [tilespmem:v2+s28+$0xC80 ss:$0x1], $0xffff  }
0x51: {  	v9 =	vld.idx.msk [tilespmem:v2+s28+$0xC90 ss:$0x1], $0xffff  }
0x52: {  	v11 =	vld.idx.msk [tilespmem:v2+s28+$0xCA0 ss:$0x1], $0xffff  }
0x53: {  	v13 =	vld.idx.msk [tilespmem:v2+s28+$0xCB0 ss:$0x1], $0xffff  }
0x54: {  	v4 =	vld.idx.msk [tilespmem:v2+s28+$0xCE0 ss:$0x1], $0xffff  }
0x55: {  	s26 =	simm.s32 $0x80;
	v7 =	vld.idx.msk [tilespmem:v2+s28+$0xCF0 ss:$0x1], $0xffff  }
0x56: {  	v5 =	vld.idx.msk [tilespmem:v2+s26+$0xCC0 ss:$0x1], $0xffff  }
0x57: {  	v15 =	vimm.f32 $0.0e+00;
	v3 =	vld.idx.msk [tilespmem:v2+s26+$0xCD0 ss:$0x1], $0xffff  }
0x58: {  	v6 =	vld.idx.msk [tilespmem:v2+s26+$0xC80 ss:$0x1], $0xffff;
	v63 =	vadd.f32 v8, v15;
	v17 =	vadd.f32 v9, v15  }
0x59: {  	v8 =	vld.idx.msk [tilespmem:v2+s26+$0xC90 ss:$0x1], $0xffff;
	v12 =	vadd.f32 v11, v15;
	v13 =	vadd.f32 v13, v15  }
0x5a: {  	s28 =	simm.s32 $0x400;
	v9 =	vld.idx.msk [tilespmem:v2+s26+$0xCA0 ss:$0x1], $0xffff;
	v11 =	vadd.f32 v10, v63;
	v10 =	vadd.f32 v14, v17  }
.LBB2_5:
0x5b: {  	p0 =	sne.s32 s28, $0x3000;
	v14 =	vld.idx.msk [tilespmem:v2+s26+$0xCB0 ss:$0x1], $0xffff;
	v12 =	vadd.f32 v4, v12;
	v13 =	vadd.f32 v7, v13  }
0x5c: {  	v15 =	vmov v5;
	v4 =	vld.idx.msk [tilespmem:v2+s26+$0xCE0 ss:$0x1], $0xffff  }
0x5d: {  	v16 =	vmov v3;
	v7 =	vld.idx.msk [tilespmem:v2+s26+$0xCF0 ss:$0x1], $0xffff;
	s26 =	sshra.s32 s28, $0x2  }
.Ltmp1:
0x5e: {  	v5 =	vld.idx.msk [tilespmem:v2+s26+$0xCC0 ss:$0x1], $0xffff;
	(pc) =	sbr.rel @p0 .LBB2_5-.Ltmp1, $4  }
0x5f: {  	v3 =	vld.idx.msk [tilespmem:v2+s26+$0xCD0 ss:$0x1], $0xffff  }
0x60: {  	v11 =	vadd.f32 v6, v11;
	v10 =	vadd.f32 v8, v10;
	v6 =	vld.idx.msk [tilespmem:v2+s26+$0xC80 ss:$0x1], $0xffff  }
0x61: {  	v12 =	vadd.f32 v9, v12;
	v13 =	vadd.f32 v14, v13;
	v8 =	vld.idx.msk [tilespmem:v2+s26+$0xC90 ss:$0x1], $0xffff  }
0x62: {  	s28 =	sadd.s32 $0x200, s28;
	v11 =	vadd.f32 v15, v11;
	v10 =	vadd.f32 v16, v10;
	v9 =	vld.idx.msk [tilespmem:v2+s26+$0xCA0 ss:$0x1], $0xffff  }
0x63: {  	_ =	sdelay $0x3  }
0x64: {  	v14 =	vld.idx.msk [tilespmem:v2+s26+$0xCB0 ss:$0x1], $0xffff  }
0x65: {  	v15 =	vld.idx.msk [tilespmem:v2+s26+$0xCE0 ss:$0x1], $0xffff  }
0x66: {  	v16 =	vld.idx.msk [tilespmem:v2+s26+$0xCF0 ss:$0x1], $0xffff  }
0x67: {  	v4 =	vadd.f32 v4, v12;
	v7 =	vadd.f32 v7, v13  }
0x68: {  	v6 =	vadd.f32 v6, v11;
	v8 =	vadd.f32 v8, v10  }
0x69: {  	v4 =	vadd.f32 v9, v4;
	v7 =	vadd.f32 v14, v7  }
0x6a: {  	v5 =	vadd.f32 v5, v6;
	v3 =	vadd.f32 v3, v8  }
0x6b: {  	v4 =	vadd.f32 v15, v4;
	v6 =	vadd.f32 v16, v7;
	_ =	sdelay $0x1  }
0x6c: {  	v3 =	vadd.f32 v3, v5;
	v4 =	vadd.f32 v6, v4;
	_ =	sdelay $0x1  }
0x6d: {  	v3 =	vadd.f32 v4, v3;
	_ =	sdelay $0x1  }
0x6e: {  	s28 =	simm.s32 $0x0;
	[tilespmem:$0x146E0] =	vst v3  }
0x6f: {  	v10 =	vld.idx.msk [tilespmem:v2+s28+$0x1940 ss:$0x1], $0xffff  }
0x70: {  	v14 =	vld.idx.msk [tilespmem:v2+s28+$0x1950 ss:$0x1], $0xffff  }
0x71: {  	v8 =	vld.idx.msk [tilespmem:v2+s28+$0x1900 ss:$0x1], $0xffff  }
0x72: {  	v9 =	vld.idx.msk [tilespmem:v2+s28+$0x1910 ss:$0x1], $0xffff  }
0x73: {  	v11 =	vld.idx.msk [tilespmem:v2+s28+$0x1920 ss:$0x1], $0xffff  }
0x74: {  	v13 =	vld.idx.msk [tilespmem:v2+s28+$0x1930 ss:$0x1], $0xffff  }
0x75: {  	v4 =	vld.idx.msk [tilespmem:v2+s28+$0x1960 ss:$0x1], $0xffff  }
0x76: {  	s26 =	simm.s32 $0x80;
	v7 =	vld.idx.msk [tilespmem:v2+s28+$0x1970 ss:$0x1], $0xffff  }
0x77: {  	v5 =	vld.idx.msk [tilespmem:v2+s26+$0x1940 ss:$0x1], $0xffff  }
0x78: {  	v15 =	vimm.f32 $0.0e+00;
	v3 =	vld.idx.msk [tilespmem:v2+s26+$0x1950 ss:$0x1], $0xffff  }
0x79: {  	v6 =	vld.idx.msk [tilespmem:v2+s26+$0x1900 ss:$0x1], $0xffff;
	v63 =	vadd.f32 v8, v15;
	v17 =	vadd.f32 v9, v15  }
0x7a: {  	v8 =	vld.idx.msk [tilespmem:v2+s26+$0x1910 ss:$0x1], $0xffff;
	v12 =	vadd.f32 v11, v15;
	v13 =	vadd.f32 v13, v15  }
0x7b: {  	s28 =	simm.s32 $0x400;
	v9 =	vld.idx.msk [tilespmem:v2+s26+$0x1920 ss:$0x1], $0xffff;
	v11 =	vadd.f32 v10, v63;
	v10 =	vadd.f32 v14, v17  }
.LBB2_7:
0x7c: {  	p0 =	sne.s32 s28, $0x3000;
	v14 =	vld.idx.msk [tilespmem:v2+s26+$0x1930 ss:$0x1], $0xffff;
	v12 =	vadd.f32 v4, v12;
	v13 =	vadd.f32 v7, v13  }
0x7d: {  	v15 =	vmov v5;
	v4 =	vld.idx.msk [tilespmem:v2+s26+$0x1960 ss:$0x1], $0xffff  }
0x7e: {  	v16 =	vmov v3;
	v7 =	vld.idx.msk [tilespmem:v2+s26+$0x1970 ss:$0x1], $0xffff;
	s26 =	sshra.s32 s28, $0x2  }
.Ltmp2:
0x7f: {  	v5 =	vld.idx.msk [tilespmem:v2+s26+$0x1940 ss:$0x1], $0xffff;
	(pc) =	sbr.rel @p0 .LBB2_7-.Ltmp2, $4  }
0x80: {  	v3 =	vld.idx.msk [tilespmem:v2+s26+$0x1950 ss:$0x1], $0xffff  }
0x81: {  	v11 =	vadd.f32 v6, v11;
	v10 =	vadd.f32 v8, v10;
	v6 =	vld.idx.msk [tilespmem:v2+s26+$0x1900 ss:$0x1], $0xffff  }
0x82: {  	v12 =	vadd.f32 v9, v12;
	v13 =	vadd.f32 v14, v13;
	v8 =	vld.idx.msk [tilespmem:v2+s26+$0x1910 ss:$0x1], $0xffff  }
0x83: {  	s28 =	sadd.s32 $0x200, s28;
	v11 =	vadd.f32 v15, v11;
	v10 =	vadd.f32 v16, v10;
	v9 =	vld.idx.msk [tilespmem:v2+s26+$0x1920 ss:$0x1], $0xffff  }
0x84: {  	_ =	sdelay $0x3  }
0x85: {  	v14 =	vld.idx.msk [tilespmem:v2+s26+$0x1930 ss:$0x1], $0xffff  }
0x86: {  	v15 =	vld.idx.msk [tilespmem:v2+s26+$0x1960 ss:$0x1], $0xffff  }
0x87: {  	v16 =	vld.idx.msk [tilespmem:v2+s26+$0x1970 ss:$0x1], $0xffff  }
0x88: {  	v4 =	vadd.f32 v4, v12;
	v7 =	vadd.f32 v7, v13  }
0x89: {  	v6 =	vadd.f32 v6, v11;
	v8 =	vadd.f32 v8, v10  }
0x8a: {  	v4 =	vadd.f32 v9, v4;
	v7 =	vadd.f32 v14, v7  }
0x8b: {  	v5 =	vadd.f32 v5, v6;
	v3 =	vadd.f32 v3, v8  }
0x8c: {  	v4 =	vadd.f32 v15, v4;
	v6 =	vadd.f32 v16, v7;
	_ =	sdelay $0x1  }
0x8d: {  	v3 =	vadd.f32 v3, v5;
	v4 =	vadd.f32 v6, v4;
	_ =	sdelay $0x1  }
0x8e: {  	v3 =	vadd.f32 v4, v3;
	_ =	sdelay $0x1  }
0x8f: {  	s28 =	simm.s32 $0x0;
	[tilespmem:$0x146F0] =	vst v3  }
0x90: {  	v10 =	vld.idx.msk [tilespmem:v2+s28+$0x25C0 ss:$0x1], $0xffff  }
0x91: {  	v14 =	vld.idx.msk [tilespmem:v2+s28+$0x25D0 ss:$0x1], $0xffff  }
0x92: {  	v8 =	vld.idx.msk [tilespmem:v2+s28+$0x2580 ss:$0x1], $0xffff  }
0x93: {  	v9 =	vld.idx.msk [tilespmem:v2+s28+$0x2590 ss:$0x1], $0xffff  }
0x94: {  	v11 =	vld.idx.msk [tilespmem:v2+s28+$0x25A0 ss:$0x1], $0xffff  }
0x95: {  	v13 =	vld.idx.msk [tilespmem:v2+s28+$0x25B0 ss:$0x1], $0xffff  }
0x96: {  	v4 =	vld.idx.msk [tilespmem:v2+s28+$0x25E0 ss:$0x1], $0xffff  }
0x97: {  	s26 =	simm.s32 $0x80;
	v7 =	vld.idx.msk [tilespmem:v2+s28+$0x25F0 ss:$0x1], $0xffff  }
0x98: {  	v5 =	vld.idx.msk [tilespmem:v2+s26+$0x25C0 ss:$0x1], $0xffff  }
0x99: {  	v15 =	vimm.f32 $0.0e+00;
	v3 =	vld.idx.msk [tilespmem:v2+s26+$0x25D0 ss:$0x1], $0xffff  }
0x9a: {  	v6 =	vld.idx.msk [tilespmem:v2+s26+$0x2580 ss:$0x1], $0xffff;
	v63 =	vadd.f32 v8, v15;
	v17 =	vadd.f32 v9, v15  }
0x9b: {  	v8 =	vld.idx.msk [tilespmem:v2+s26+$0x2590 ss:$0x1], $0xffff;
	v12 =	vadd.f32 v11, v15;
	v13 =	vadd.f32 v13, v15  }
0x9c: {  	s28 =	simm.s32 $0x400;
	v9 =	vld.idx.msk [tilespmem:v2+s26+$0x25A0 ss:$0x1], $0xffff;
	v11 =	vadd.f32 v10, v63;
	v10 =	vadd.f32 v14, v17  }
.LBB2_9:
0x9d: {  	p0 =	sne.s32 s28, $0x3000;
	v14 =	vld.idx.msk [tilespmem:v2+s26+$0x25B0 ss:$0x1], $0xffff;
	v12 =	vadd.f32 v4, v12;
	v13 =	vadd.f32 v7, v13  }
0x9e: {  	v15 =	vmov v5;
	v4 =	vld.idx.msk [tilespmem:v2+s26+$0x25E0 ss:$0x1], $0xffff  }
0x9f: {  	v16 =	vmov v3;
	v7 =	vld.idx.msk [tilespmem:v2+s26+$0x25F0 ss:$0x1], $0xffff;
	s26 =	sshra.s32 s28, $0x2  }
.Ltmp3:
0xa0: {  	v5 =	vld.idx.msk [tilespmem:v2+s26+$0x25C0 ss:$0x1], $0xffff;
	(pc) =	sbr.rel @p0 .LBB2_9-.Ltmp3, $4  }
0xa1: {  	v3 =	vld.idx.msk [tilespmem:v2+s26+$0x25D0 ss:$0x1], $0xffff  }
0xa2: {  	v11 =	vadd.f32 v6, v11;
	v10 =	vadd.f32 v8, v10;
	v6 =	vld.idx.msk [tilespmem:v2+s26+$0x2580 ss:$0x1], $0xffff  }
0xa3: {  	v12 =	vadd.f32 v9, v12;
	v13 =	vadd.f32 v14, v13;
	v8 =	vld.idx.msk [tilespmem:v2+s26+$0x2590 ss:$0x1], $0xffff  }
0xa4: {  	s28 =	sadd.s32 $0x200, s28;
	v11 =	vadd.f32 v15, v11;
	v10 =	vadd.f32 v16, v10;
	v9 =	vld.idx.msk [tilespmem:v2+s26+$0x25A0 ss:$0x1], $0xffff  }
0xa5: {  	_ =	sdelay $0x3  }
0xa6: {  	v14 =	vld.idx.msk [tilespmem:v2+s26+$0x25B0 ss:$0x1], $0xffff  }
0xa7: {  	v15 =	vld.idx.msk [tilespmem:v2+s26+$0x25E0 ss:$0x1], $0xffff  }
0xa8: {  	v16 =	vld.idx.msk [tilespmem:v2+s26+$0x25F0 ss:$0x1], $0xffff  }
0xa9: {  	v4 =	vadd.f32 v4, v12;
	v7 =	vadd.f32 v7, v13  }
0xaa: {  	v6 =	vadd.f32 v6, v11;
	v8 =	vadd.f32 v8, v10  }
0xab: {  	v4 =	vadd.f32 v9, v4;
	v7 =	vadd.f32 v14, v7  }
0xac: {  	v5 =	vadd.f32 v5, v6;
	v3 =	vadd.f32 v3, v8  }
0xad: {  	v4 =	vadd.f32 v15, v4;
	v6 =	vadd.f32 v16, v7;
	_ =	sdelay $0x1  }
0xae: {  	v3 =	vadd.f32 v3, v5;
	v4 =	vadd.f32 v6, v4;
	_ =	sdelay $0x1  }
0xaf: {  	v3 =	vadd.f32 v4, v3;
	_ =	sdelay $0x1  }
0xb0: {  	[tilespmem:$0x14700] =	vst v3  }
0xb1: {  	v3 =	vld.idx.msk [tilespmem:v0+s19+$0x0], $0xffff;
	_ =	sdelay $0x4  }
0xb2: {  	v3 =	vmul.f32 $4.999999890e-03, v3;
	_ =	sdelay $0x1  }
0xb3: {  	s31 =	sshll.u32 s23, $0x5;
	v3 =	vadd.f32 v3, v1  }
0xb4: {  	s26 =	sand.u32 $0x3FFFFFE0, s31  }
0xb5: {  	s29 =	simm.s32 $0x0;
	[tilespmem:s26+$0x13EC0] =	vst v3  }
0xb6: {  	v10 =	vld.idx.msk [tilespmem:v2+s29+$0x3240 ss:$0x1], $0xffff  }
0xb7: {  	v14 =	vld.idx.msk [tilespmem:v2+s29+$0x3250 ss:$0x1], $0xffff  }
0xb8: {  	v8 =	vld.idx.msk [tilespmem:v2+s29+$0x3200 ss:$0x1], $0xffff  }
0xb9: {  	v9 =	vld.idx.msk [tilespmem:v2+s29+$0x3210 ss:$0x1], $0xffff  }
0xba: {  	v11 =	vld.idx.msk [tilespmem:v2+s29+$0x3220 ss:$0x1], $0xffff  }
0xbb: {  	v13 =	vld.idx.msk [tilespmem:v2+s29+$0x3230 ss:$0x1], $0xffff  }
0xbc: {  	v4 =	vld.idx.msk [tilespmem:v2+s29+$0x3260 ss:$0x1], $0xffff  }
0xbd: {  	s28 =	simm.s32 $0x80;
	v7 =	vld.idx.msk [tilespmem:v2+s29+$0x3270 ss:$0x1], $0xffff  }
0xbe: {  	v5 =	vld.idx.msk [tilespmem:v2+s28+$0x3240 ss:$0x1], $0xffff  }
0xbf: {  	v15 =	vimm.f32 $0.0e+00;
	v3 =	vld.idx.msk [tilespmem:v2+s28+$0x3250 ss:$0x1], $0xffff  }
0xc0: {  	v6 =	vld.idx.msk [tilespmem:v2+s28+$0x3200 ss:$0x1], $0xffff;
	v63 =	vadd.f32 v8, v15;
	v17 =	vadd.f32 v9, v15  }
0xc1: {  	v8 =	vld.idx.msk [tilespmem:v2+s28+$0x3210 ss:$0x1], $0xffff;
	v12 =	vadd.f32 v11, v15;
	v13 =	vadd.f32 v13, v15  }
0xc2: {  	s29 =	simm.s32 $0x400;
	v9 =	vld.idx.msk [tilespmem:v2+s28+$0x3220 ss:$0x1], $0xffff;
	v11 =	vadd.f32 v10, v63;
	v10 =	vadd.f32 v14, v17  }
.LBB2_11:
0xc3: {  	p0 =	sne.s32 s29, $0x3000;
	v14 =	vld.idx.msk [tilespmem:v2+s28+$0x3230 ss:$0x1], $0xffff;
	v12 =	vadd.f32 v4, v12;
	v13 =	vadd.f32 v7, v13  }
0xc4: {  	v15 =	vmov v5;
	v4 =	vld.idx.msk [tilespmem:v2+s28+$0x3260 ss:$0x1], $0xffff  }
0xc5: {  	v16 =	vmov v3;
	v7 =	vld.idx.msk [tilespmem:v2+s28+$0x3270 ss:$0x1], $0xffff;
	s28 =	sshra.s32 s29, $0x2  }
.Ltmp4:
0xc6: {  	v5 =	vld.idx.msk [tilespmem:v2+s28+$0x3240 ss:$0x1], $0xffff;
	(pc) =	sbr.rel @p0 .LBB2_11-.Ltmp4, $4  }
0xc7: {  	v3 =	vld.idx.msk [tilespmem:v2+s28+$0x3250 ss:$0x1], $0xffff  }
0xc8: {  	v11 =	vadd.f32 v6, v11;
	v10 =	vadd.f32 v8, v10;
	v6 =	vld.idx.msk [tilespmem:v2+s28+$0x3200 ss:$0x1], $0xffff  }
0xc9: {  	v12 =	vadd.f32 v9, v12;
	v13 =	vadd.f32 v14, v13;
	v8 =	vld.idx.msk [tilespmem:v2+s28+$0x3210 ss:$0x1], $0xffff  }
0xca: {  	s29 =	sadd.s32 $0x200, s29;
	v11 =	vadd.f32 v15, v11;
	v10 =	vadd.f32 v16, v10;
	v9 =	vld.idx.msk [tilespmem:v2+s28+$0x3220 ss:$0x1], $0xffff  }
0xcb: {  	_ =	sdelay $0x3  }
0xcc: {  	v14 =	vld.idx.msk [tilespmem:v2+s28+$0x3230 ss:$0x1], $0xffff  }
0xcd: {  	v15 =	vld.idx.msk [tilespmem:v2+s28+$0x3260 ss:$0x1], $0xffff  }
0xce: {  	v16 =	vld.idx.msk [tilespmem:v2+s28+$0x3270 ss:$0x1], $0xffff  }
0xcf: {  	v4 =	vadd.f32 v4, v12;
	v7 =	vadd.f32 v7, v13  }
0xd0: {  	v6 =	vadd.f32 v6, v11;
	v8 =	vadd.f32 v8, v10  }
0xd1: {  	v4 =	vadd.f32 v9, v4;
	v7 =	vadd.f32 v14, v7  }
0xd2: {  	v5 =	vadd.f32 v5, v6;
	v3 =	vadd.f32 v3, v8  }
0xd3: {  	v4 =	vadd.f32 v15, v4;
	v6 =	vadd.f32 v16, v7;
	_ =	sdelay $0x1  }
0xd4: {  	v3 =	vadd.f32 v3, v5;
	v4 =	vadd.f32 v6, v4;
	_ =	sdelay $0x1  }
0xd5: {  	v3 =	vadd.f32 v4, v3;
	_ =	sdelay $0x1  }
0xd6: {  	s29 =	simm.s32 $0x0;
	[tilespmem:$0x146D0] =	vst v3  }
0xd7: {  	v10 =	vld.idx.msk [tilespmem:v2+s29+$0x3EC0 ss:$0x1], $0xffff  }
0xd8: {  	v14 =	vld.idx.msk [tilespmem:v2+s29+$0x3ED0 ss:$0x1], $0xffff  }
0xd9: {  	v8 =	vld.idx.msk [tilespmem:v2+s29+$0x3E80 ss:$0x1], $0xffff  }
0xda: {  	v9 =	vld.idx.msk [tilespmem:v2+s29+$0x3E90 ss:$0x1], $0xffff  }
0xdb: {  	v11 =	vld.idx.msk [tilespmem:v2+s29+$0x3EA0 ss:$0x1], $0xffff  }
0xdc: {  	v13 =	vld.idx.msk [tilespmem:v2+s29+$0x3EB0 ss:$0x1], $0xffff  }
0xdd: {  	v4 =	vld.idx.msk [tilespmem:v2+s29+$0x3EE0 ss:$0x1], $0xffff  }
0xde: {  	s28 =	simm.s32 $0x80;
	v7 =	vld.idx.msk [tilespmem:v2+s29+$0x3EF0 ss:$0x1], $0xffff  }
0xdf: {  	v5 =	vld.idx.msk [tilespmem:v2+s28+$0x3EC0 ss:$0x1], $0xffff  }
0xe0: {  	v15 =	vimm.f32 $0.0e+00;
	v3 =	vld.idx.msk [tilespmem:v2+s28+$0x3ED0 ss:$0x1], $0xffff  }
0xe1: {  	v6 =	vld.idx.msk [tilespmem:v2+s28+$0x3E80 ss:$0x1], $0xffff;
	v63 =	vadd.f32 v8, v15;
	v17 =	vadd.f32 v9, v15  }
0xe2: {  	v8 =	vld.idx.msk [tilespmem:v2+s28+$0x3E90 ss:$0x1], $0xffff;
	v12 =	vadd.f32 v11, v15;
	v13 =	vadd.f32 v13, v15  }
0xe3: {  	s29 =	simm.s32 $0x400;
	v9 =	vld.idx.msk [tilespmem:v2+s28+$0x3EA0 ss:$0x1], $0xffff;
	v11 =	vadd.f32 v10, v63;
	v10 =	vadd.f32 v14, v17  }
.LBB2_13:
0xe4: {  	p0 =	sne.s32 s29, $0x3000;
	v14 =	vld.idx.msk [tilespmem:v2+s28+$0x3EB0 ss:$0x1], $0xffff;
	v12 =	vadd.f32 v4, v12;
	v13 =	vadd.f32 v7, v13  }
0xe5: {  	v15 =	vmov v5;
	v4 =	vld.idx.msk [tilespmem:v2+s28+$0x3EE0 ss:$0x1], $0xffff  }
0xe6: {  	v16 =	vmov v3;
	v7 =	vld.idx.msk [tilespmem:v2+s28+$0x3EF0 ss:$0x1], $0xffff;
	s28 =	sshra.s32 s29, $0x2  }
.Ltmp5:
0xe7: {  	v5 =	vld.idx.msk [tilespmem:v2+s28+$0x3EC0 ss:$0x1], $0xffff;
	(pc) =	sbr.rel @p0 .LBB2_13-.Ltmp5, $4  }
0xe8: {  	v3 =	vld.idx.msk [tilespmem:v2+s28+$0x3ED0 ss:$0x1], $0xffff  }
0xe9: {  	v11 =	vadd.f32 v6, v11;
	v10 =	vadd.f32 v8, v10;
	v6 =	vld.idx.msk [tilespmem:v2+s28+$0x3E80 ss:$0x1], $0xffff  }
0xea: {  	v12 =	vadd.f32 v9, v12;
	v13 =	vadd.f32 v14, v13;
	v8 =	vld.idx.msk [tilespmem:v2+s28+$0x3E90 ss:$0x1], $0xffff  }
0xeb: {  	s29 =	sadd.s32 $0x200, s29;
	v11 =	vadd.f32 v15, v11;
	v10 =	vadd.f32 v16, v10;
	v9 =	vld.idx.msk [tilespmem:v2+s28+$0x3EA0 ss:$0x1], $0xffff  }
0xec: {  	_ =	sdelay $0x3  }
0xed: {  	v14 =	vld.idx.msk [tilespmem:v2+s28+$0x3EB0 ss:$0x1], $0xffff  }
0xee: {  	v15 =	vld.idx.msk [tilespmem:v2+s28+$0x3EE0 ss:$0x1], $0xffff  }
0xef: {  	v16 =	vld.idx.msk [tilespmem:v2+s28+$0x3EF0 ss:$0x1], $0xffff  }
0xf0: {  	v4 =	vadd.f32 v4, v12;
	v7 =	vadd.f32 v7, v13  }
0xf1: {  	v6 =	vadd.f32 v6, v11;
	v8 =	vadd.f32 v8, v10  }
0xf2: {  	v4 =	vadd.f32 v9, v4;
	v7 =	vadd.f32 v14, v7  }
0xf3: {  	v5 =	vadd.f32 v5, v6;
	v3 =	vadd.f32 v3, v8  }
0xf4: {  	v4 =	vadd.f32 v15, v4;
	v6 =	vadd.f32 v16, v7;
	_ =	sdelay $0x1  }
0xf5: {  	v3 =	vadd.f32 v3, v5;
	v4 =	vadd.f32 v6, v4;
	_ =	sdelay $0x1  }
0xf6: {  	v3 =	vadd.f32 v4, v3;
	_ =	sdelay $0x1  }
0xf7: {  	s29 =	simm.s32 $0x0;
	[tilespmem:$0x146E0] =	vst v3  }
0xf8: {  	v10 =	vld.idx.msk [tilespmem:v2+s29+$0x4B40 ss:$0x1], $0xffff  }
0xf9: {  	v14 =	vld.idx.msk [tilespmem:v2+s29+$0x4B50 ss:$0x1], $0xffff  }
0xfa: {  	v8 =	vld.idx.msk [tilespmem:v2+s29+$0x4B00 ss:$0x1], $0xffff  }
0xfb: {  	v9 =	vld.idx.msk [tilespmem:v2+s29+$0x4B10 ss:$0x1], $0xffff  }
0xfc: {  	v11 =	vld.idx.msk [tilespmem:v2+s29+$0x4B20 ss:$0x1], $0xffff  }
0xfd: {  	v13 =	vld.idx.msk [tilespmem:v2+s29+$0x4B30 ss:$0x1], $0xffff  }
0xfe: {  	v4 =	vld.idx.msk [tilespmem:v2+s29+$0x4B60 ss:$0x1], $0xffff  }
0xff: {  	s28 =	simm.s32 $0x80;
	v7 =	vld.idx.msk [tilespmem:v2+s29+$0x4B70 ss:$0x1], $0xffff  }
0x100: {  	v5 =	vld.idx.msk [tilespmem:v2+s28+$0x4B40 ss:$0x1], $0xffff  }
0x101: {  	v15 =	vimm.f32 $0.0e+00;
	v3 =	vld.idx.msk [tilespmem:v2+s28+$0x4B50 ss:$0x1], $0xffff  }
0x102: {  	v6 =	vld.idx.msk [tilespmem:v2+s28+$0x4B00 ss:$0x1], $0xffff;
	v63 =	vadd.f32 v8, v15;
	v17 =	vadd.f32 v9, v15  }
0x103: {  	v8 =	vld.idx.msk [tilespmem:v2+s28+$0x4B10 ss:$0x1], $0xffff;
	v12 =	vadd.f32 v11, v15;
	v13 =	vadd.f32 v13, v15  }
0x104: {  	s29 =	simm.s32 $0x400;
	v9 =	vld.idx.msk [tilespmem:v2+s28+$0x4B20 ss:$0x1], $0xffff;
	v11 =	vadd.f32 v10, v63;
	v10 =	vadd.f32 v14, v17  }
.LBB2_15:
0x105: {  	p0 =	sne.s32 s29, $0x3000;
	v14 =	vld.idx.msk [tilespmem:v2+s28+$0x4B30 ss:$0x1], $0xffff;
	v12 =	vadd.f32 v4, v12;
	v13 =	vadd.f32 v7, v13  }
0x106: {  	v15 =	vmov v5;
	v4 =	vld.idx.msk [tilespmem:v2+s28+$0x4B60 ss:$0x1], $0xffff  }
0x107: {  	v16 =	vmov v3;
	v7 =	vld.idx.msk [tilespmem:v2+s28+$0x4B70 ss:$0x1], $0xffff;
	s28 =	sshra.s32 s29, $0x2  }
.Ltmp6:
0x108: {  	v5 =	vld.idx.msk [tilespmem:v2+s28+$0x4B40 ss:$0x1], $0xffff;
	(pc) =	sbr.rel @p0 .LBB2_15-.Ltmp6, $4  }
0x109: {  	v3 =	vld.idx.msk [tilespmem:v2+s28+$0x4B50 ss:$0x1], $0xffff  }
0x10a: {  	v11 =	vadd.f32 v6, v11;
	v10 =	vadd.f32 v8, v10;
	v6 =	vld.idx.msk [tilespmem:v2+s28+$0x4B00 ss:$0x1], $0xffff  }
0x10b: {  	v12 =	vadd.f32 v9, v12;
	v13 =	vadd.f32 v14, v13;
	v8 =	vld.idx.msk [tilespmem:v2+s28+$0x4B10 ss:$0x1], $0xffff  }
0x10c: {  	s29 =	sadd.s32 $0x200, s29;
	v11 =	vadd.f32 v15, v11;
	v10 =	vadd.f32 v16, v10;
	v9 =	vld.idx.msk [tilespmem:v2+s28+$0x4B20 ss:$0x1], $0xffff  }
0x10d: {  	_ =	sdelay $0x3  }
0x10e: {  	v14 =	vld.idx.msk [tilespmem:v2+s28+$0x4B30 ss:$0x1], $0xffff  }
0x10f: {  	v15 =	vld.idx.msk [tilespmem:v2+s28+$0x4B60 ss:$0x1], $0xffff  }
0x110: {  	v16 =	vld.idx.msk [tilespmem:v2+s28+$0x4B70 ss:$0x1], $0xffff  }
0x111: {  	v4 =	vadd.f32 v4, v12;
	v7 =	vadd.f32 v7, v13  }
0x112: {  	v6 =	vadd.f32 v6, v11;
	v8 =	vadd.f32 v8, v10  }
0x113: {  	v4 =	vadd.f32 v9, v4;
	v7 =	vadd.f32 v14, v7  }
0x114: {  	v5 =	vadd.f32 v5, v6;
	v3 =	vadd.f32 v3, v8  }
0x115: {  	v4 =	vadd.f32 v15, v4;
	v6 =	vadd.f32 v16, v7;
	_ =	sdelay $0x1  }
0x116: {  	v3 =	vadd.f32 v3, v5;
	v4 =	vadd.f32 v6, v4;
	_ =	sdelay $0x1  }
0x117: {  	v3 =	vadd.f32 v4, v3;
	_ =	sdelay $0x1  }
0x118: {  	s29 =	simm.s32 $0x0;
	[tilespmem:$0x146F0] =	vst v3  }
0x119: {  	v10 =	vld.idx.msk [tilespmem:v2+s29+$0x57C0 ss:$0x1], $0xffff  }
0x11a: {  	v14 =	vld.idx.msk [tilespmem:v2+s29+$0x57D0 ss:$0x1], $0xffff  }
0x11b: {  	v8 =	vld.idx.msk [tilespmem:v2+s29+$0x5780 ss:$0x1], $0xffff  }
0x11c: {  	v9 =	vld.idx.msk [tilespmem:v2+s29+$0x5790 ss:$0x1], $0xffff  }
0x11d: {  	v11 =	vld.idx.msk [tilespmem:v2+s29+$0x57A0 ss:$0x1], $0xffff  }
0x11e: {  	v13 =	vld.idx.msk [tilespmem:v2+s29+$0x57B0 ss:$0x1], $0xffff  }
0x11f: {  	v4 =	vld.idx.msk [tilespmem:v2+s29+$0x57E0 ss:$0x1], $0xffff  }
0x120: {  	s28 =	simm.s32 $0x80;
	v7 =	vld.idx.msk [tilespmem:v2+s29+$0x57F0 ss:$0x1], $0xffff  }
0x121: {  	v5 =	vld.idx.msk [tilespmem:v2+s28+$0x57C0 ss:$0x1], $0xffff  }
0x122: {  	v15 =	vimm.f32 $0.0e+00;
	v3 =	vld.idx.msk [tilespmem:v2+s28+$0x57D0 ss:$0x1], $0xffff  }
0x123: {  	v6 =	vld.idx.msk [tilespmem:v2+s28+$0x5780 ss:$0x1], $0xffff;
	v63 =	vadd.f32 v8, v15;
	v17 =	vadd.f32 v9, v15  }
0x124: {  	v8 =	vld.idx.msk [tilespmem:v2+s28+$0x5790 ss:$0x1], $0xffff;
	v12 =	vadd.f32 v11, v15;
	v13 =	vadd.f32 v13, v15  }
0x125: {  	s29 =	simm.s32 $0x400;
	v9 =	vld.idx.msk [tilespmem:v2+s28+$0x57A0 ss:$0x1], $0xffff;
	v11 =	vadd.f32 v10, v63;
	v10 =	vadd.f32 v14, v17  }
.LBB2_17:
0x126: {  	p0 =	sne.s32 s29, $0x3000;
	v14 =	vld.idx.msk [tilespmem:v2+s28+$0x57B0 ss:$0x1], $0xffff;
	v12 =	vadd.f32 v4, v12;
	v13 =	vadd.f32 v7, v13  }
0x127: {  	v15 =	vmov v5;
	v4 =	vld.idx.msk [tilespmem:v2+s28+$0x57E0 ss:$0x1], $0xffff  }
0x128: {  	v16 =	vmov v3;
	v7 =	vld.idx.msk [tilespmem:v2+s28+$0x57F0 ss:$0x1], $0xffff;
	s28 =	sshra.s32 s29, $0x2  }
.Ltmp7:
0x129: {  	v5 =	vld.idx.msk [tilespmem:v2+s28+$0x57C0 ss:$0x1], $0xffff;
	(pc) =	sbr.rel @p0 .LBB2_17-.Ltmp7, $4  }
0x12a: {  	v3 =	vld.idx.msk [tilespmem:v2+s28+$0x57D0 ss:$0x1], $0xffff  }
0x12b: {  	v11 =	vadd.f32 v6, v11;
	v10 =	vadd.f32 v8, v10;
	v6 =	vld.idx.msk [tilespmem:v2+s28+$0x5780 ss:$0x1], $0xffff  }
0x12c: {  	v12 =	vadd.f32 v9, v12;
	v13 =	vadd.f32 v14, v13;
	v8 =	vld.idx.msk [tilespmem:v2+s28+$0x5790 ss:$0x1], $0xffff  }
0x12d: {  	s29 =	sadd.s32 $0x200, s29;
	v11 =	vadd.f32 v15, v11;
	v10 =	vadd.f32 v16, v10;
	v9 =	vld.idx.msk [tilespmem:v2+s28+$0x57A0 ss:$0x1], $0xffff  }
0x12e: {  	_ =	sdelay $0x3  }
0x12f: {  	v14 =	vld.idx.msk [tilespmem:v2+s28+$0x57B0 ss:$0x1], $0xffff  }
0x130: {  	v15 =	vld.idx.msk [tilespmem:v2+s28+$0x57E0 ss:$0x1], $0xffff  }
0x131: {  	v2 =	vld.idx.msk [tilespmem:v2+s28+$0x57F0 ss:$0x1], $0xffff  }
0x132: {  	v4 =	vadd.f32 v4, v12;
	v7 =	vadd.f32 v7, v13  }
0x133: {  	v6 =	vadd.f32 v6, v11;
	v8 =	vadd.f32 v8, v10  }
0x134: {  	v4 =	vadd.f32 v9, v4;
	v7 =	vadd.f32 v14, v7  }
0x135: {  	v5 =	vadd.f32 v5, v6;
	v3 =	vadd.f32 v3, v8  }
0x136: {  	v4 =	vadd.f32 v15, v4;
	v2 =	vadd.f32 v2, v7;
	_ =	sdelay $0x1  }
0x137: {  	v3 =	vadd.f32 v3, v5;
	v2 =	vadd.f32 v2, v4;
	_ =	sdelay $0x1  }
0x138: {  	v2 =	vadd.f32 v2, v3;
	_ =	sdelay $0x1  }
0x139: {  	[tilespmem:$0x14700] =	vst v2  }
0x13a: {  	v2 =	vld.idx.msk [tilespmem:v0+s19+$0x0], $0xffff;
	_ =	sdelay $0x2  }
0x13b: {  	p0 =	slt.s32 s23, $0x3C;
	s28 =	smov.u32 s23  }
0x13c: {  	s28 =	simm.s32 @!p0 $0x3C  }
0x13d: {  	s28 =	sshll.u32 s28, $0x3;
	v2 =	vmul.f32 $4.999999890e-03, v2  }
0x13e: {  	s24 =	smul.u32 $0x1900, s24;
	s28 =	sadd.s32 s28, s9  }
0x13f: {  	s28 =	smul.u32 $0x19, s28;
	v2 =	vadd.f32 v2, v1  }
0x140: {  	s23 =	sadd.s32 $0x1, s23  }
0x141: {  	p0 =	sne.s32 s23, $0x40;
	s24 =	sshrl.u32 s24, $0x2;
	s31 =	sadd.s32 s3, s28;
	[tilespmem:s26+$0x13ED0] =	vst v2  }
0x142: {  	[tilespmem:s24], [sflag:$0x2] =	stream.linear.gather [hbm4b:s31+s2], $0x640, $0x38;
	[tilespmem:$0x14710] =	vst v63  }
.Ltmp8:
0x143: {  	_ = 	snop;
	(pc) =	sbr.rel @p0 .LBB2_2-.Ltmp8, $4  }
0x144: {  	_ =	swait.ge [sflag:s13], $0x640  }
0x145: {  	[sflag:s13] =	ssyncset.done $0x0  }
0x146: {  	s22 =	sadd.s32 $0x6400, s22;
	[sflag:s13] =	ssyncadd.s32 $0xFFFFF9C0  }
0x147: {  	[tilespmem:s25], [sflag:$0x1] =	stream.indirect.gather [hbm4b:s4+s14], $0x10, s24, s14, $0xb8;
	[tilespmem:$0x14710] =	vst v63  }
0x148: {  	_ =	swait.ge [sflag:s18], $0x6400  }
0x149: {  	[sflag:s18] =	ssyncset.done $0x0  }
0x14a: {  	[sflag:s18] =	ssyncadd.s32 $0xFFFF9C00  }
0x14b: {  	_ =	swait.ge [sflag:s18], $0x6400  }
0x14c: {  	[sflag:s18] =	ssyncset.done $0x0  }
0x14d: {  	[sflag:s18] =	ssyncadd.s32 $0xFFFF9C00  }
0x14e: {  	s21 =	sadd.s32 $0x1, s21;
	_ =	swait.ge [sflag:s18], $0x6400  }
0x14f: {  	p0 =	sne.s32 s21, s11;
	[sflag:s18] =	ssyncset.done $0x0  }
.Ltmp9:
0x150: {  	[sflag:s18] =	ssyncadd.s32 $0xFFFF9C00;
	(pc) =	sbr.rel @p0 .LBB2_1-.Ltmp9, $4  }
0x151: {  	[hbm4b:s10+s2] =	stream.linear.scatter [tilespmem:s20], [sflag:$0x2], $0x800, $0x38;
	[tilespmem:$0x14710] =	vst v63  }
0x152: {  	_ =	swait.ge [sflag:s13], $0x800  }
0x153: {  	[sflag:s13] =	ssyncset.done $0x0  }
0x154: {  	[sflag:s13] =	ssyncadd.s32 $0xFFFFF800  }
0x155: {  	_ =	sfence.sel $0x180000  }
0x156: {  	[bflag:$0x0] =	sbarrier.arrive $0xFFFF  }
0x157: {  	p0 =	sne.s32 s1, $0x0;
	_ =	strace $0x9000004A  }
0x158: {  	s0 =	sadd.s32 @!p0 $0x100000, s0;
	[bflag:$0x2] =	sbarrier.arrive $0xFFFF  }
0x159: {  	[sflag:s0] =	ssyncadd.tile.s32 @!p0 $0x1;
	_ =	shalt  }
.Lfunc_end2:
_tile_overlayer_lowered:
.L_overlay_start_2:
0x15a: {  	(tag) =	ssettag $0x2  }
0x15b: {  	s0 =	rddreg [dreg:$0x0];
	s2 =	stileid.u32  }
0x15c: {  	s1 =	rddreg [dreg:$0x1];
	p0 =	sne.s32 s2, $0x0  }
0x15d: {  	s3 =	rddreg [dreg:$0x2];
	[bflag:$0x3] =	sbarrier.arrive $0xFFFF;
	s2 =	simm.s32 @!p0 $0x1C02  }
0x15e: {  	[timem:s3], [sflag:s2] =	dma.local @!p0 [hbm:s0], s1  }
0x15f: {  	s0 =	simm.s32 @!p0 $0x2  }
0x160: {  	_ =	swait.ge @!p0 [sflag:s0], s1  }
0x161: {  	s1 =	ssub.s32 @!p0 $0x0, s1;
	[sflag:s0] =	ssyncset.done @!p0 $0x0  }
0x162: {  	[sflag:s0] =	ssyncadd.s32 @!p0 s1  }
0x163: {  	[bflag:$0x3] =	sbarrier.arrive $0xFFFF  }
0x164: {  	_ =	shalt  }

</sc_bundles>
